<compile_context>
chip_gen: v7x
topology: tpu7x:2x2x1
jax: 0.10.2.dev20260603
libtpu: 0.0.44.dev20260713+nightly
codegen_flags: <defaults>
</compile_context>

<pallas_src>
import functools

import jax
import jax.numpy as jnp
from jax import lax
from jax.experimental import pallas as pl
from jax.experimental.pallas import tpu as pltpu
from jax.experimental.pallas import tpu_sc as plsc

N_C = 10000
N_G = 10000
D = 128
ALPHA1 = 0.5

NS = 16
B = 128
CH = 32
NB_MAIN = 160
NB_GG = 80
GG_B0 = 56
ACC_MAIN_ROWS = 10240


def _zero_stripe(zeros, buf, acc, off, n):
    pltpu.sync_copy(zeros, buf)
    o = 0
    while n > 0:
        c = min(n, B)
        pltpu.sync_copy(buf.at[pl.ds(0, c)], acc.at[pl.ds(off + o, c)])
        n -= c
        o += c


def _run_relation(tab_hbm, g_hbm, s_hbm, sub, b0, nb, acc,
                  idx_g_c, idx_s_c, rows_v, sg_a, ss_a, sg_b, ss_b, ch=CH):

    @pl.loop(0, nb, step=ch)
    def _(c):
        pltpu.sync_copy(g_hbm.at[sub, pl.ds(b0 + c, ch)],
                        idx_g_c.at[pl.ds(0, ch)])
        pltpu.sync_copy(s_hbm.at[sub, pl.ds(b0 + c, ch)],
                        idx_s_c.at[pl.ds(0, ch)])

        pltpu.async_copy(tab_hbm.at[idx_g_c.at[0]], rows_v.at[0], sg_a)

        @pl.loop(0, ch, step=2)
        def _(j):
            pltpu.make_async_copy(tab_hbm.at[idx_g_c.at[j]], rows_v.at[0],
                                  sg_a).wait()
            pltpu.async_copy(tab_hbm.at[idx_g_c.at[j + 1]], rows_v.at[1],
                             sg_b)
            pltpu.sync_copy(rows_v.at[0], acc.at[idx_s_c.at[j]], add=True)
            pltpu.make_async_copy(tab_hbm.at[idx_g_c.at[j + 1]],
                                  rows_v.at[1], sg_b).wait()

            @pl.when(j + 2 < ch)
            def _():
                pltpu.async_copy(tab_hbm.at[idx_g_c.at[j + 2]], rows_v.at[0],
                                 sg_a)

            pltpu.sync_copy(rows_v.at[1], acc.at[idx_s_c.at[j + 1]],
                            add=True)


_SC_SCRATCH = [
    pltpu.VMEM((CH, B), jnp.int32),
    pltpu.VMEM((CH, B), jnp.int32),
    pltpu.VMEM((2, B, D), jnp.float32),
    pltpu.SemaphoreType.DMA,
    pltpu.SemaphoreType.DMA,
    pltpu.SemaphoreType.DMA,
    pltpu.SemaphoreType.DMA,
]


def _fused_body(w_c, w_g, w_gg, rev_g, rev_s, exp_g, exp_s, gg_g, gg_t,
                zeros, out_c_raw, out_ge_raw, out_gg_a, out_gg_b,
                acc, idx_g_c, idx_s_c, rows_v, sg_a, ss_a, sg_b, ss_b):
    core = lax.axis_index("core")
    sub = lax.axis_index("subcore")
    stripe = ACC_MAIN_ROWS // NS
    off = sub * stripe

    _zero_stripe(zeros, rows_v.at[0], acc, off, stripe)
    plsc.subcore_barrier()

    @pl.when(core == 0)
    def _():
        _run_relation(w_g, rev_g, rev_s, sub, 0, NB_MAIN, acc,
                      idx_g_c, idx_s_c, rows_v, sg_a, ss_a, sg_b, ss_b)

    @pl.when(core == 1)
    def _():
        _run_relation(w_c, exp_g, exp_s, sub, 0, NB_MAIN, acc,
                      idx_g_c, idx_s_c, rows_v, sg_a, ss_a, sg_b, ss_b)

    plsc.subcore_barrier()

    @pl.when(core == 0)
    def _():
        pltpu.sync_copy(acc.at[pl.ds(off, stripe)],
                        out_c_raw.at[pl.ds(off, stripe)])

    @pl.when(core == 1)
    def _():
        pltpu.sync_copy(acc.at[pl.ds(off, stripe)],
                        out_ge_raw.at[pl.ds(off, stripe)])

    _zero_stripe(zeros, rows_v.at[0], acc, off, stripe)
    plsc.subcore_barrier()

    @pl.when(core == 0)
    def _():
        _run_relation(w_gg, gg_g, gg_t, sub, 0, GG_B0, acc,
                      idx_g_c, idx_s_c, rows_v, sg_a, ss_a, sg_b, ss_b,
                      ch=8)

    @pl.when(core == 1)
    def _():
        _run_relation(w_gg, gg_g, gg_t, sub, GG_B0, NB_GG - GG_B0, acc,
                      idx_g_c, idx_s_c, rows_v, sg_a, ss_a, sg_b, ss_b,
                      ch=8)

    plsc.subcore_barrier()

    @pl.when(core == 0)
    def _():
        pltpu.sync_copy(acc.at[pl.ds(off, stripe)],
                        out_gg_a.at[pl.ds(off, stripe)])

    @pl.when(core == 1)
    def _():
        pltpu.sync_copy(acc.at[pl.ds(off, stripe)],
                        out_gg_b.at[pl.ds(off, stripe)])


def _sc_mesh():
    return plsc.VectorSubcoreMesh(core_axis_name="core",
                                  subcore_axis_name="subcore",
                                  num_cores=2, num_subcores=NS)


@functools.cache
def _fused_kernel():
    return pl.kernel(
        _fused_body,
        out_type=tuple(
            jax.ShapeDtypeStruct((ACC_MAIN_ROWS, D), jnp.float32)
            for _ in range(4)
        ),
        mesh=_sc_mesh(),
        scratch_types=[pltpu.VMEM_SHARED((ACC_MAIN_ROWS, D), jnp.float32)]
        + _SC_SCRATCH,
    )


def _prescale_body(c_ref, g_ref, cjc_ref, cjg_ref, cjj_ref,
                   wc_ref, wg_ref, wgg_ref):
    wc_ref[...] = c_ref[...] * cjc_ref[...]
    wg_ref[...] = g_ref[...] * cjg_ref[...]
    wgg_ref[...] = g_ref[...] * cjj_ref[...]


def _prescale(c_feat, g_feat, cj_cell, cj_gene, cjj_gene):
    blk = 1000
    grid = N_C // blk
    feat_spec = pl.BlockSpec((blk, D), lambda i: (i, 0))
    scale_spec = pl.BlockSpec((blk, 1), lambda i: (i, 0))
    return pl.pallas_call(
        _prescale_body,
        grid=(grid,),
        in_specs=[feat_spec, feat_spec, scale_spec, scale_spec, scale_spec],
        out_specs=[feat_spec, feat_spec, feat_spec],
        out_shape=[
            jax.ShapeDtypeStruct((N_C, D), jnp.float32),
            jax.ShapeDtypeStruct((N_G, D), jnp.float32),
            jax.ShapeDtypeStruct((N_G, D), jnp.float32),
        ],
    )(c_feat, g_feat, cj_cell, cj_gene, cjj_gene)


def _postscale_body(oc_ref, oge_ref, ga_ref, gb_ref, cic_ref, cig_ref,
                    cii_ref, out_c_ref, g_out_ref):
    out_c_ref[...] = oc_ref[...] * cic_ref[...]
    g_out_ref[...] = ALPHA1 * (oge_ref[...] * cig_ref[...]) + \
        (1.0 - ALPHA1) * ((ga_ref[...] + gb_ref[...]) * cii_ref[...])


def _postscale(oc_raw, oge_raw, ogg_a, ogg_b, ci_cell, ci_gene, cii_gene):
    blk = 1000
    grid = N_G // blk
    full_spec = pl.BlockSpec((blk, D), lambda i: (i, 0))
    scale_spec = pl.BlockSpec((blk, 1), lambda i: (i, 0))
    return pl.pallas_call(
        _postscale_body,
        grid=(grid,),
        in_specs=[full_spec] * 4 + [scale_spec] * 3,
        out_specs=[full_spec, full_spec],
        out_shape=[
            jax.ShapeDtypeStruct((N_C, D), jnp.float32),
            jax.ShapeDtypeStruct((N_G, D), jnp.float32),
        ],
    )(oc_raw, oge_raw, ogg_a, ogg_b, ci_cell, ci_gene, cii_gene)


def _pad_reshape(idx, total, pad_val, nt, nb):
    pad = total - idx.shape[0]
    idx = jnp.concatenate(
        [idx, jnp.full((pad,), pad_val, dtype=jnp.int32)])
    return idx.reshape(nt, nb, B)


def kernel(c_feat, g_feat, cj_cell, ci_cell, cj_gene, ci_gene, cjj_gene,
           cii_gene, exp_edge_index, gg_edge_index):
    exp_src = exp_edge_index[0].astype(jnp.int32)
    exp_dst = exp_edge_index[1].astype(jnp.int32)
    gg_s = gg_edge_index[0].astype(jnp.int32)
    gg_t = gg_edge_index[1].astype(jnp.int32)

    tot_main = NS * NB_MAIN * B
    tot_gg = NS * NB_GG * B
    rev_g = _pad_reshape(exp_dst, tot_main, 0, NS, NB_MAIN)
    rev_s = _pad_reshape(exp_src, tot_main, N_C, NS, NB_MAIN)
    exp_g = _pad_reshape(exp_src, tot_main, 0, NS, NB_MAIN)
    exp_s = _pad_reshape(exp_dst, tot_main, N_G, NS, NB_MAIN)
    gg_g = _pad_reshape(gg_s, tot_gg, 0, NS, NB_GG)
    gg_t2 = _pad_reshape(gg_t, tot_gg, N_G, NS, NB_GG)

    w_c, w_g, w_gg = _prescale(c_feat, g_feat, cj_cell, cj_gene, cjj_gene)
    zeros = jnp.zeros((B, D), jnp.float32)

    oc_raw, oge_raw, ogg_a, ogg_b = _fused_kernel()(
        w_c, w_g, w_gg, rev_g, rev_s, exp_g, exp_s, gg_g, gg_t2, zeros)

    out_c, g_out = _postscale(oc_raw, oge_raw, ogg_a, ogg_b,
                              ci_cell, ci_gene, cii_gene)
    return (out_c, g_out)

# --- scband reference (transcript-rebuilt; emitter-appended) ---
"""Pipeline reference for scband-lightgraphconvlayer-43198781063350 (READ-ONLY COPY).

The authoritative reference and input builder live on the scoring server;
editing this copy changes nothing except your own understanding.
"""

import jax, jax.numpy as jnp
import numpy as np

N_C, N_G, D = 10000, 10000, 128
E_EXP, E_GG = 320000, 160000
ALPHA1 = 0.5

def setup_inputs(seed: int = 0) -> dict:
    key = jax.random.key(seed)
    ks = jax.random.split(key, 12)
    c_feat = jax.random.normal(ks[0], (N_C, D), dtype=jnp.float32)
    g_feat = jax.random.normal(ks[1], (N_G, D), dtype=jnp.float32)
    cj_cell = jax.random.uniform(ks[2], (N_C, 1), dtype=jnp.float32)
    ci_cell = jax.random.uniform(ks[3], (N_C, 1), dtype=jnp.float32)
    cj_gene = jax.random.uniform(ks[4], (N_G, 1), dtype=jnp.float32)
    ci_gene = jax.random.uniform(ks[5], (N_G, 1), dtype=jnp.float32)
    cjj_gene = jax.random.uniform(ks[6], (N_G, 1), dtype=jnp.float32)
    cii_gene = jax.random.uniform(ks[7], (N_G, 1), dtype=jnp.float32)
    exp_src = jax.random.randint(ks[8], (E_EXP,), 0, N_C, dtype=jnp.int64) if jax.config.jax_enable_x64 else jax.random.randint(ks[8], (E_EXP,), 0, N_C).astype(jnp.int32)
    exp_dst = jax.random.randint(ks[9], (E_EXP,), 0, N_G).astype(exp_src.dtype)
    exp_edge_index = jnp.stack([exp_src, exp_dst], axis=0)
    gg_src = jax.random.randint(ks[10], (E_GG,), 0, N_G).astype(exp_src.dtype)
    gg_dst = jax.random.randint(ks[11], (E_GG,), 0, N_G).astype(exp_src.dtype)
    gg_edge_index = jnp.stack([gg_src, gg_dst], axis=0)
    return {
        'c_feat': c_feat, 'g_feat': g_feat,
        'cj_cell': cj_cell, 'ci_cell': ci_cell,
        'cj_gene': cj_gene, 'ci_gene': ci_gene,
        'cjj_gene': cjj_gene, 'cii_gene': cii_gene,
        'exp_edge_index': exp_edge_index, 'gg_edge_index': gg_edge_index,
    }

def reference(c_feat, g_feat, cj_cell, ci_cell, cj_gene, ci_gene, cjj_gene, cii_gene, exp_edge_index, gg_edge_index):
    # Faithful eval-mode translation of lightgraphconvlayer (dropout = identity).
    n_c = c_feat.shape[0]
    n_g = g_feat.shape[0]
    src_c = exp_edge_index[0]  # cell indices
    dst_g = exp_edge_index[1]  # gene indices
    # relation 'exp' (cell -> gene): weighted_feats = src_feats * cj; copy_u + sum; out * ci
    w_c = c_feat * cj_cell
    msg_exp = jnp.take(w_c, src_c, axis=0)
    out_g_exp = jax.ops.segment_sum(msg_exp, dst_g, num_segments=n_g) * ci_gene
    # relation 'reverse-exp' (gene -> cell): reversed exp edges
    w_g = g_feat * cj_gene
    msg_rev = jnp.take(w_g, dst_g, axis=0)
    out_c = jax.ops.segment_sum(msg_rev, src_c, num_segments=n_c) * ci_cell
    # relation 'co-exp' (gene -> gene), gene2gene=True uses cjj/cii
    gg_s = gg_edge_index[0]
    gg_t = gg_edge_index[1]
    w_gg = g_feat * cjj_gene
    msg_gg = jnp.take(w_gg, gg_s, axis=0)
    out_g_gg = jax.ops.segment_sum(msg_gg, gg_t, num_segments=n_g) * cii_gene
    # HeteroGraphConv aggregate='stack': gene receives ['exp', 'co-exp'] stacked -> [:,0], [:,1]
    g_out = ALPHA1 * out_g_exp + (1.0 - ALPHA1) * out_g_gg
    # cell receives only 'reverse-exp' -> squeeze of stack dim
    return (out_c, g_out)

if __name__ == "__main__":
    import jax
    _d = setup_inputs()
    print(jax.jit(kernel)(*tuple(_d.values())))

</pallas_src>

<mosaic_0001>
#map = affine_map<(d0, d1) -> (0, 0)>
#map1 = affine_map<(d0, d1) -> (0, 0, 0)>
module attributes {stable_mosaic.version = 14 : i64} {
  func.func @_fused_body(%arg0: i32, %arg1: i32, %arg2: memref<10000x128xf32, #tpu.memory_space<hbm>>, %arg3: memref<10000x128xf32, #tpu.memory_space<hbm>>, %arg4: memref<10000x128xf32, #tpu.memory_space<hbm>>, %arg5: memref<16x160x128xi32, #tpu.memory_space<hbm>>, %arg6: memref<16x160x128xi32, #tpu.memory_space<hbm>>, %arg7: memref<16x160x128xi32, #tpu.memory_space<hbm>>, %arg8: memref<16x160x128xi32, #tpu.memory_space<hbm>>, %arg9: memref<16x80x128xi32, #tpu.memory_space<hbm>>, %arg10: memref<16x80x128xi32, #tpu.memory_space<hbm>>, %arg11: memref<128x128xf32, #tpu.memory_space<hbm>>, %arg12: memref<10240x128xf32, #tpu.memory_space<hbm>>, %arg13: memref<10240x128xf32, #tpu.memory_space<hbm>>, %arg14: memref<10240x128xf32, #tpu.memory_space<hbm>>, %arg15: memref<10240x128xf32, #tpu.memory_space<hbm>>, %arg16: memref<10240x128xf32, #tpu.memory_space<vmem_shared>>, %arg17: memref<32x128xi32, #tpu.memory_space<vmem>>, %arg18: memref<32x128xi32, #tpu.memory_space<vmem>>, %arg19: memref<2x128x128xf32, #tpu.memory_space<vmem>>, %arg20: memref<!tpu.dma_semaphore, #tpu.memory_space<semaphore_mem>>, %arg21: memref<!tpu.dma_semaphore, #tpu.memory_space<semaphore_mem>>, %arg22: memref<!tpu.dma_semaphore, #tpu.memory_space<semaphore_mem>>, %arg23: memref<!tpu.dma_semaphore, #tpu.memory_space<semaphore_mem>>) attributes {dimension_semantics = [#tpu.dimension_semantics<core_parallel>, #tpu.dimension_semantics<subcore_parallel>], iteration_bounds = array<i64: 2, 16>, scalar_prefetch = 0 : i64, scratch_operands = 8 : i64, tpu.core_type = #tpu.core_type<sc_vector_subcore>, window_params = [{transform_indices = #map}, {transform_indices = #map}, {transform_indices = #map}, {transform_indices = #map1}, {transform_indices = #map1}, {transform_indices = #map1}, {transform_indices = #map1}, {transform_indices = #map1}, {transform_indices = #map1}, {transform_indices = #map}, {transform_indices = #map}, {transform_indices = #map}, {transform_indices = #map}, {transform_indices = #map}]} {
    %mul3A = arith.constant 640 : i32
    %mul3A_0 = arith.muli %arg1, %mul3A : i32
    %run_scoped3A = arith.constant 0 : i32
    "tpu.region"() ({
      %run_scoped3A_71 = tpu.sem_alloc : memref<!tpu.dma_semaphore, #tpu.memory_space<semaphore_mem>>
      %dma_start3A = arith.constant 0 : i32
      %dma_start3A_72 = arith.constant 0 : i32
      %dma_start3A_73 = tpu.memref_slice %arg19[%run_scoped3A, %dma_start3A, %dma_start3A_72] : memref<2x128x128xf32, #tpu.memory_space<vmem>> -> memref<1x128x128xf32, #tpu.memory_space<vmem>>
      %dma_start3A_74 = tpu.memref_squeeze %dma_start3A_73 : memref<1x128x128xf32, #tpu.memory_space<vmem>> -> memref<128x128xf32, #tpu.memory_space<vmem>>
      %dma_start3A_75 = arith.constant 0 : i32
      %dma_start3A_76 = arith.constant 0 : i32
      %dma_start3A_77 = tpu.memref_slice %arg19[%run_scoped3A, %dma_start3A_75, %dma_start3A_76] : memref<2x128x128xf32, #tpu.memory_space<vmem>> -> memref<1x128x128xf32, #tpu.memory_space<vmem>>
      %dma_start3A_78 = tpu.memref_squeeze %dma_start3A_77 : memref<1x128x128xf32, #tpu.memory_space<vmem>> -> memref<128x128xf32, #tpu.memory_space<vmem>>
      tpu.enqueue_dma source(%arg11 : memref<128x128xf32, #tpu.memory_space<hbm>>) target(%dma_start3A_78 : memref<128x128xf32, #tpu.memory_space<vmem>>) target_semaphore(%run_scoped3A_71 : memref<!tpu.dma_semaphore, #tpu.memory_space<semaphore_mem>>)
      %dma_wait3A = arith.constant 0 : i32
      %dma_wait3A_79 = arith.constant 0 : i32
      %dma_wait3A_80 = tpu.memref_slice %arg19[%run_scoped3A, %dma_wait3A, %dma_wait3A_79] : memref<2x128x128xf32, #tpu.memory_space<vmem>> -> memref<1x128x128xf32, #tpu.memory_space<vmem>>
      %dma_wait3A_81 = tpu.memref_squeeze %dma_wait3A_80 : memref<1x128x128xf32, #tpu.memory_space<vmem>> -> memref<128x128xf32, #tpu.memory_space<vmem>>
      %dma_wait3A_82 = arith.constant 0 : i32
      %dma_wait3A_83 = arith.constant 0 : i32
      %dma_wait3A_84 = tpu.memref_slice %arg19[%run_scoped3A, %dma_wait3A_82, %dma_wait3A_83] : memref<2x128x128xf32, #tpu.memory_space<vmem>> -> memref<1x128x128xf32, #tpu.memory_space<vmem>>
      %dma_wait3A_85 = tpu.memref_squeeze %dma_wait3A_84 : memref<1x128x128xf32, #tpu.memory_space<vmem>> -> memref<128x128xf32, #tpu.memory_space<vmem>>
      tpu.wait_dma2 semaphore(%run_scoped3A_71 : memref<!tpu.dma_semaphore, #tpu.memory_space<semaphore_mem>>) src(%arg11 : memref<128x128xf32, #tpu.memory_space<hbm>>) dst(%dma_wait3A_85 : memref<128x128xf32, #tpu.memory_space<vmem>>)
      tpu.yield
    }) : () -> ()
    %add3A = arith.constant 0 : i32
    %add3A_1 = arith.addi %mul3A_0, %add3A : i32
    %run_scoped3A_2 = arith.constant 0 : i32
    "tpu.region"() ({
      %run_scoped3A_71 = tpu.sem_alloc : memref<!tpu.dma_semaphore, #tpu.memory_space<semaphore_mem>>
      %dma_start3A = arith.constant 0 : i32
      %dma_start3A_72 = arith.constant 0 : i32
      %dma_start3A_73 = tpu.memref_slice %arg19[%run_scoped3A_2, %dma_start3A, %dma_start3A_72] : memref<2x128x128xf32, #tpu.memory_space<vmem>> -> memref<1x128x128xf32, #tpu.memory_space<vmem>>
      %dma_start3A_74 = tpu.memref_squeeze %dma_start3A_73 : memref<1x128x128xf32, #tpu.memory_space<vmem>> -> memref<128x128xf32, #tpu.memory_space<vmem>>
      %dma_start3A_75 = arith.constant 0 : i32
      %dma_start3A_76 = arith.constant 0 : i32
      %dma_start3A_77 = tpu.memref_slice %dma_start3A_74[%dma_start3A_75, %dma_start3A_76] : memref<128x128xf32, #tpu.memory_space<vmem>> -> memref<128x128xf32, #tpu.memory_space<vmem>>
      %dma_start3A_78 = arith.constant 0 : i32
      %dma_start3A_79 = tpu.memref_slice %arg16[%add3A_1, %dma_start3A_78] : memref<10240x128xf32, #tpu.memory_space<vmem_shared>> -> memref<128x128xf32, #tpu.memory_space<vmem_shared>>
      %dma_start3A_80 = arith.constant 0 : i32
      %dma_start3A_81 = tpu.memref_slice %arg16[%add3A_1, %dma_start3A_80] : memref<10240x128xf32, #tpu.memory_space<vmem_shared>> -> memref<128x128xf32, #tpu.memory_space<vmem_shared>>
      %dma_start3A_82 = arith.constant 0 : i32
      %dma_start3A_83 = arith.constant 0 : i32
      %dma_start3A_84 = tpu.memref_slice %arg19[%run_scoped3A_2, %dma_start3A_82, %dma_start3A_83] : memref<2x128x128xf32, #tpu.memory_space<vmem>> -> memref<1x128x128xf32, #tpu.memory_space<vmem>>
      %dma_start3A_85 = tpu.memref_squeeze %dma_start3A_84 : memref<1x128x128xf32, #tpu.memory_space<vmem>> -> memref<128x128xf32, #tpu.memory_space<vmem>>
      %dma_start3A_86 = arith.constant 0 : i32
      %dma_start3A_87 = arith.constant 0 : i32
      %dma_start3A_88 = tpu.memref_slice %dma_start3A_85[%dma_start3A_86, %dma_start3A_87] : memref<128x128xf32, #tpu.memory_space<vmem>> -> memref<128x128xf32, #tpu.memory_space<vmem>>
      tpu.enqueue_dma source(%dma_start3A_88 : memref<128x128xf32, #tpu.memory_space<vmem>>) target(%dma_start3A_81 : memref<128x128xf32, #tpu.memory_space<vmem_shared>>) target_semaphore(%run_scoped3A_71 : memref<!tpu.dma_semaphore, #tpu.memory_space<semaphore_mem>>)
      %dma_wait3A = arith.constant 0 : i32
      %dma_wait3A_89 = arith.constant 0 : i32
      %dma_wait3A_90 = tpu.memref_slice %arg19[%run_scoped3A_2, %dma_wait3A, %dma_wait3A_89] : memref<2x128x128xf32, #tpu.memory_space<vmem>> -> memref<1x128x128xf32, #tpu.memory_space<vmem>>
      %dma_wait3A_91 = tpu.memref_squeeze %dma_wait3A_90 : memref<1x128x128xf32, #tpu.memory_space<vmem>> -> memref<128x128xf32, #tpu.memory_space<vmem>>
      %dma_wait3A_92 = arith.constant 0 : i32
      %dma_wait3A_93 = arith.constant 0 : i32
      %dma_wait3A_94 = tpu.memref_slice %dma_wait3A_91[%dma_wait3A_92, %dma_wait3A_93] : memref<128x128xf32, #tpu.memory_space<vmem>> -> memref<128x128xf32, #tpu.memory_space<vmem>>
      %dma_wait3A_95 = arith.constant 0 : i32
      %dma_wait3A_96 = tpu.memref_slice %arg16[%add3A_1, %dma_wait3A_95] : memref<10240x128xf32, #tpu.memory_space<vmem_shared>> -> memref<128x128xf32, #tpu.memory_space<vmem_shared>>
      %dma_wait3A_97 = arith.constant 0 : i32
      %dma_wait3A_98 = tpu.memref_slice %arg16[%add3A_1, %dma_wait3A_97] : memref<10240x128xf32, #tpu.memory_space<vmem_shared>> -> memref<128x128xf32, #tpu.memory_space<vmem_shared>>
      %dma_wait3A_99 = arith.constant 0 : i32
      %dma_wait3A_100 = arith.constant 0 : i32
      %dma_wait3A_101 = tpu.memref_slice %arg19[%run_scoped3A_2, %dma_wait3A_99, %dma_wait3A_100] : memref<2x128x128xf32, #tpu.memory_space<vmem>> -> memref<1x128x128xf32, #tpu.memory_space<vmem>>
      %dma_wait3A_102 = tpu.memref_squeeze %dma_wait3A_101 : memref<1x128x128xf32, #tpu.memory_space<vmem>> -> memref<128x128xf32, #tpu.memory_space<vmem>>
      %dma_wait3A_103 = arith.constant 0 : i32
      %dma_wait3A_104 = arith.constant 0 : i32
      %dma_wait3A_105 = tpu.memref_slice %dma_wait3A_102[%dma_wait3A_103, %dma_wait3A_104] : memref<128x128xf32, #tpu.memory_space<vmem>> -> memref<128x128xf32, #tpu.memory_space<vmem>>
      tpu.wait_dma2 semaphore(%run_scoped3A_71 : memref<!tpu.dma_semaphore, #tpu.memory_space<semaphore_mem>>) src(%dma_wait3A_105 : memref<128x128xf32, #tpu.memory_space<vmem>>) dst(%dma_wait3A_98 : memref<128x128xf32, #tpu.memory_space<vmem_shared>>)
      tpu.yield
    }) : () -> ()
    %add3A_3 = arith.constant 128 : i32
    %add3A_4 = arith.addi %mul3A_0, %add3A_3 : i32
    %run_scoped3A_5 = arith.constant 0 : i32
    "tpu.region"() ({
      %run_scoped3A_71 = tpu.sem_alloc : memref<!tpu.dma_semaphore, #tpu.memory_space<semaphore_mem>>
      %dma_start3A = arith.constant 0 : i32
      %dma_start3A_72 = arith.constant 0 : i32
      %dma_start3A_73 = tpu.memref_slice %arg19[%run_scoped3A_5, %dma_start3A, %dma_start3A_72] : memref<2x128x128xf32, #tpu.memory_space<vmem>> -> memref<1x128x128xf32, #tpu.memory_space<vmem>>
      %dma_start3A_74 = tpu.memref_squeeze %dma_start3A_73 : memref<1x128x128xf32, #tpu.memory_space<vmem>> -> memref<128x128xf32, #tpu.memory_space<vmem>>
      %dma_start3A_75 = arith.constant 0 : i32
      %dma_start3A_76 = arith.constant 0 : i32
      %dma_start3A_77 = tpu.memref_slice %dma_start3A_74[%dma_start3A_75, %dma_start3A_76] : memref<128x128xf32, #tpu.memory_space<vmem>> -> memref<128x128xf32, #tpu.memory_space<vmem>>
      %dma_start3A_78 = arith.constant 0 : i32
      %dma_start3A_79 = tpu.memref_slice %arg16[%add3A_4, %dma_start3A_78] : memref<10240x128xf32, #tpu.memory_space<vmem_shared>> -> memref<128x128xf32, #tpu.memory_space<vmem_shared>>
      %dma_start3A_80 = arith.constant 0 : i32
      %dma_start3A_81 = tpu.memref_slice %arg16[%add3A_4, %dma_start3A_80] : memref<10240x128xf32, #tpu.memory_space<vmem_shared>> -> memref<128x128xf32, #tpu.memory_space<vmem_shared>>
      %dma_start3A_82 = arith.constant 0 : i32
      %dma_start3A_83 = arith.constant 0 : i32
      %dma_start3A_84 = tpu.memref_slice %arg19[%run_scoped3A_5, %dma_start3A_82, %dma_start3A_83] : memref<2x128x128xf32, #tpu.memory_space<vmem>> -> memref<1x128x128xf32, #tpu.memory_space<vmem>>
      %dma_start3A_85 = tpu.memref_squeeze %dma_start3A_84 : memref<1x128x128xf32, #tpu.memory_space<vmem>> -> memref<128x128xf32, #tpu.memory_space<vmem>>
      %dma_start3A_86 = arith.constant 0 : i32
      %dma_start3A_87 = arith.constant 0 : i32
      %dma_start3A_88 = tpu.memref_slice %dma_start3A_85[%dma_start3A_86, %dma_start3A_87] : memref<128x128xf32, #tpu.memory_space<vmem>> -> memref<128x128xf32, #tpu.memory_space<vmem>>
      tpu.enqueue_dma source(%dma_start3A_88 : memref<128x128xf32, #tpu.memory_space<vmem>>) target(%dma_start3A_81 : memref<128x128xf32, #tpu.memory_space<vmem_shared>>) target_semaphore(%run_scoped3A_71 : memref<!tpu.dma_semaphore, #tpu.memory_space<semaphore_mem>>)
      %dma_wait3A = arith.constant 0 : i32
      %dma_wait3A_89 = arith.constant 0 : i32
      %dma_wait3A_90 = tpu.memref_slice %arg19[%run_scoped3A_5, %dma_wait3A, %dma_wait3A_89] : memref<2x128x128xf32, #tpu.memory_space<vmem>> -> memref<1x128x128xf32, #tpu.memory_space<vmem>>
      %dma_wait3A_91 = tpu.memref_squeeze %dma_wait3A_90 : memref<1x128x128xf32, #tpu.memory_space<vmem>> -> memref<128x128xf32, #tpu.memory_space<vmem>>
      %dma_wait3A_92 = arith.constant 0 : i32
      %dma_wait3A_93 = arith.constant 0 : i32
      %dma_wait3A_94 = tpu.memref_slice %dma_wait3A_91[%dma_wait3A_92, %dma_wait3A_93] : memref<128x128xf32, #tpu.memory_space<vmem>> -> memref<128x128xf32, #tpu.memory_space<vmem>>
      %dma_wait3A_95 = arith.constant 0 : i32
      %dma_wait3A_96 = tpu.memref_slice %arg16[%add3A_4, %dma_wait3A_95] : memref<10240x128xf32, #tpu.memory_space<vmem_shared>> -> memref<128x128xf32, #tpu.memory_space<vmem_shared>>
      %dma_wait3A_97 = arith.constant 0 : i32
      %dma_wait3A_98 = tpu.memref_slice %arg16[%add3A_4, %dma_wait3A_97] : memref<10240x128xf32, #tpu.memory_space<vmem_shared>> -> memref<128x128xf32, #tpu.memory_space<vmem_shared>>
      %dma_wait3A_99 = arith.constant 0 : i32
      %dma_wait3A_100 = arith.constant 0 : i32
      %dma_wait3A_101 = tpu.memref_slice %arg19[%run_scoped3A_5, %dma_wait3A_99, %dma_wait3A_100] : memref<2x128x128xf32, #tpu.memory_space<vmem>> -> memref<1x128x128xf32, #tpu.memory_space<vmem>>
      %dma_wait3A_102 = tpu.memref_squeeze %dma_wait3A_101 : memref<1x128x128xf32, #tpu.memory_space<vmem>> -> memref<128x128xf32, #tpu.memory_space<vmem>>
      %dma_wait3A_103 = arith.constant 0 : i32
      %dma_wait3A_104 = arith.constant 0 : i32
      %dma_wait3A_105 = tpu.memref_slice %dma_wait3A_102[%dma_wait3A_103, %dma_wait3A_104] : memref<128x128xf32, #tpu.memory_space<vmem>> -> memref<128x128xf32, #tpu.memory_space<vmem>>
      tpu.wait_dma2 semaphore(%run_scoped3A_71 : memref<!tpu.dma_semaphore, #tpu.memory_space<semaphore_mem>>) src(%dma_wait3A_105 : memref<128x128xf32, #tpu.memory_space<vmem>>) dst(%dma_wait3A_98 : memref<128x128xf32, #tpu.memory_space<vmem_shared>>)
      tpu.yield
    }) : () -> ()
    %add3A_6 = arith.constant 256 : i32
    %add3A_7 = arith.addi %mul3A_0, %add3A_6 : i32
    %run_scoped3A_8 = arith.constant 0 : i32
    "tpu.region"() ({
      %run_scoped3A_71 = tpu.sem_alloc : memref<!tpu.dma_semaphore, #tpu.memory_space<semaphore_mem>>
      %dma_start3A = arith.constant 0 : i32
      %dma_start3A_72 = arith.constant 0 : i32
      %dma_start3A_73 = tpu.memref_slice %arg19[%run_scoped3A_8, %dma_start3A, %dma_start3A_72] : memref<2x128x128xf32, #tpu.memory_space<vmem>> -> memref<1x128x128xf32, #tpu.memory_space<vmem>>
      %dma_start3A_74 = tpu.memref_squeeze %dma_start3A_73 : memref<1x128x128xf32, #tpu.memory_space<vmem>> -> memref<128x128xf32, #tpu.memory_space<vmem>>
      %dma_start3A_75 = arith.constant 0 : i32
      %dma_start3A_76 = arith.constant 0 : i32
      %dma_start3A_77 = tpu.memref_slice %dma_start3A_74[%dma_start3A_75, %dma_start3A_76] : memref<128x128xf32, #tpu.memory_space<vmem>> -> memref<128x128xf32, #tpu.memory_space<vmem>>
      %dma_start3A_78 = arith.constant 0 : i32
      %dma_start3A_79 = tpu.memref_slice %arg16[%add3A_7, %dma_start3A_78] : memref<10240x128xf32, #tpu.memory_space<vmem_shared>> -> memref<128x128xf32, #tpu.memory_space<vmem_shared>>
      %dma_start3A_80 = arith.constant 0 : i32
      %dma_start3A_81 = tpu.memref_slice %arg16[%add3A_7, %dma_start3A_80] : memref<10240x128xf32, #tpu.memory_space<vmem_shared>> -> memref<128x128xf32, #tpu.memory_space<vmem_shared>>
      %dma_start3A_82 = arith.constant 0 : i32
      %dma_start3A_83 = arith.constant 0 : i32
      %dma_start3A_84 = tpu.memref_slice %arg19[%run_scoped3A_8, %dma_start3A_82, %dma_start3A_83] : memref<2x128x128xf32, #tpu.memory_space<vmem>> -> memref<1x128x128xf32, #tpu.memory_space<vmem>>
      %dma_start3A_85 = tpu.memref_squeeze %dma_start3A_84 : memref<1x128x128xf32, #tpu.memory_space<vmem>> -> memref<128x128xf32, #tpu.memory_space<vmem>>
      %dma_start3A_86 = arith.constant 0 : i32
      %dma_start3A_87 = arith.constant 0 : i32
      %dma_start3A_88 = tpu.memref_slice %dma_start3A_85[%dma_start3A_86, %dma_start3A_87] : memref<128x128xf32, #tpu.memory_space<vmem>> -> memref<128x128xf32, #tpu.memory_space<vmem>>
      tpu.enqueue_dma source(%dma_start3A_88 : memref<128x128xf32, #tpu.memory_space<vmem>>) target(%dma_start3A_81 : memref<128x128xf32, #tpu.memory_space<vmem_shared>>) target_semaphore(%run_scoped3A_71 : memref<!tpu.dma_semaphore, #tpu.memory_space<semaphore_mem>>)
      %dma_wait3A = arith.constant 0 : i32
      %dma_wait3A_89 = arith.constant 0 : i32
      %dma_wait3A_90 = tpu.memref_slice %arg19[%run_scoped3A_8, %dma_wait3A, %dma_wait3A_89] : memref<2x128x128xf32, #tpu.memory_space<vmem>> -> memref<1x128x128xf32, #tpu.memory_space<vmem>>
      %dma_wait3A_91 = tpu.memref_squeeze %dma_wait3A_90 : memref<1x128x128xf32, #tpu.memory_space<vmem>> -> memref<128x128xf32, #tpu.memory_space<vmem>>
      %dma_wait3A_92 = arith.constant 0 : i32
      %dma_wait3A_93 = arith.constant 0 : i32
      %dma_wait3A_94 = tpu.memref_slice %dma_wait3A_91[%dma_wait3A_92, %dma_wait3A_93] : memref<128x128xf32, #tpu.memory_space<vmem>> -> memref<128x128xf32, #tpu.memory_space<vmem>>
      %dma_wait3A_95 = arith.constant 0 : i32
      %dma_wait3A_96 = tpu.memref_slice %arg16[%add3A_7, %dma_wait3A_95] : memref<10240x128xf32, #tpu.memory_space<vmem_shared>> -> memref<128x128xf32, #tpu.memory_space<vmem_shared>>
      %dma_wait3A_97 = arith.constant 0 : i32
      %dma_wait3A_98 = tpu.memref_slice %arg16[%add3A_7, %dma_wait3A_97] : memref<10240x128xf32, #tpu.memory_space<vmem_shared>> -> memref<128x128xf32, #tpu.memory_space<vmem_shared>>
      %dma_wait3A_99 = arith.constant 0 : i32
      %dma_wait3A_100 = arith.constant 0 : i32
      %dma_wait3A_101 = tpu.memref_slice %arg19[%run_scoped3A_8, %dma_wait3A_99, %dma_wait3A_100] : memref<2x128x128xf32, #tpu.memory_space<vmem>> -> memref<1x128x128xf32, #tpu.memory_space<vmem>>
      %dma_wait3A_102 = tpu.memref_squeeze %dma_wait3A_101 : memref<1x128x128xf32, #tpu.memory_space<vmem>> -> memref<128x128xf32, #tpu.memory_space<vmem>>
      %dma_wait3A_103 = arith.constant 0 : i32
      %dma_wait3A_104 = arith.constant 0 : i32
      %dma_wait3A_105 = tpu.memref_slice %dma_wait3A_102[%dma_wait3A_103, %dma_wait3A_104] : memref<128x128xf32, #tpu.memory_space<vmem>> -> memref<128x128xf32, #tpu.memory_space<vmem>>
      tpu.wait_dma2 semaphore(%run_scoped3A_71 : memref<!tpu.dma_semaphore, #tpu.memory_space<semaphore_mem>>) src(%dma_wait3A_105 : memref<128x128xf32, #tpu.memory_space<vmem>>) dst(%dma_wait3A_98 : memref<128x128xf32, #tpu.memory_space<vmem_shared>>)
      tpu.yield
    }) : () -> ()
    %add3A_9 = arith.constant 384 : i32
    %add3A_10 = arith.addi %mul3A_0, %add3A_9 : i32
    %run_scoped3A_11 = arith.constant 0 : i32
    "tpu.region"() ({
      %run_scoped3A_71 = tpu.sem_alloc : memref<!tpu.dma_semaphore, #tpu.memory_space<semaphore_mem>>
      %dma_start3A = arith.constant 0 : i32
      %dma_start3A_72 = arith.constant 0 : i32
      %dma_start3A_73 = tpu.memref_slice %arg19[%run_scoped3A_11, %dma_start3A, %dma_start3A_72] : memref<2x128x128xf32, #tpu.memory_space<vmem>> -> memref<1x128x128xf32, #tpu.memory_space<vmem>>
      %dma_start3A_74 = tpu.memref_squeeze %dma_start3A_73 : memref<1x128x128xf32, #tpu.memory_space<vmem>> -> memref<128x128xf32, #tpu.memory_space<vmem>>
      %dma_start3A_75 = arith.constant 0 : i32
      %dma_start3A_76 = arith.constant 0 : i32
      %dma_start3A_77 = tpu.memref_slice %dma_start3A_74[%dma_start3A_75, %dma_start3A_76] : memref<128x128xf32, #tpu.memory_space<vmem>> -> memref<128x128xf32, #tpu.memory_space<vmem>>
      %dma_start3A_78 = arith.constant 0 : i32
      %dma_start3A_79 = tpu.memref_slice %arg16[%add3A_10, %dma_start3A_78] : memref<10240x128xf32, #tpu.memory_space<vmem_shared>> -> memref<128x128xf32, #tpu.memory_space<vmem_shared>>
      %dma_start3A_80 = arith.constant 0 : i32
      %dma_start3A_81 = tpu.memref_slice %arg16[%add3A_10, %dma_start3A_80] : memref<10240x128xf32, #tpu.memory_space<vmem_shared>> -> memref<128x128xf32, #tpu.memory_space<vmem_shared>>
      %dma_start3A_82 = arith.constant 0 : i32
      %dma_start3A_83 = arith.constant 0 : i32
      %dma_start3A_84 = tpu.memref_slice %arg19[%run_scoped3A_11, %dma_start3A_82, %dma_start3A_83] : memref<2x128x128xf32, #tpu.memory_space<vmem>> -> memref<1x128x128xf32, #tpu.memory_space<vmem>>
      %dma_start3A_85 = tpu.memref_squeeze %dma_start3A_84 : memref<1x128x128xf32, #tpu.memory_space<vmem>> -> memref<128x128xf32, #tpu.memory_space<vmem>>
      %dma_start3A_86 = arith.constant 0 : i32
      %dma_start3A_87 = arith.constant 0 : i32
      %dma_start3A_88 = tpu.memref_slice %dma_start3A_85[%dma_start3A_86, %dma_start3A_87] : memref<128x128xf32, #tpu.memory_space<vmem>> -> memref<128x128xf32, #tpu.memory_space<vmem>>
      tpu.enqueue_dma source(%dma_start3A_88 : memref<128x128xf32, #tpu.memory_space<vmem>>) target(%dma_start3A_81 : memref<128x128xf32, #tpu.memory_space<vmem_shared>>) target_semaphore(%run_scoped3A_71 : memref<!tpu.dma_semaphore, #tpu.memory_space<semaphore_mem>>)
      %dma_wait3A = arith.constant 0 : i32
      %dma_wait3A_89 = arith.constant 0 : i32
      %dma_wait3A_90 = tpu.memref_slice %arg19[%run_scoped3A_11, %dma_wait3A, %dma_wait3A_89] : memref<2x128x128xf32, #tpu.memory_space<vmem>> -> memref<1x128x128xf32, #tpu.memory_space<vmem>>
      %dma_wait3A_91 = tpu.memref_squeeze %dma_wait3A_90 : memref<1x128x128xf32, #tpu.memory_space<vmem>> -> memref<128x128xf32, #tpu.memory_space<vmem>>
      %dma_wait3A_92 = arith.constant 0 : i32
      %dma_wait3A_93 = arith.constant 0 : i32
      %dma_wait3A_94 = tpu.memref_slice %dma_wait3A_91[%dma_wait3A_92, %dma_wait3A_93] : memref<128x128xf32, #tpu.memory_space<vmem>> -> memref<128x128xf32, #tpu.memory_space<vmem>>
      %dma_wait3A_95 = arith.constant 0 : i32
      %dma_wait3A_96 = tpu.memref_slice %arg16[%add3A_10, %dma_wait3A_95] : memref<10240x128xf32, #tpu.memory_space<vmem_shared>> -> memref<128x128xf32, #tpu.memory_space<vmem_shared>>
      %dma_wait3A_97 = arith.constant 0 : i32
      %dma_wait3A_98 = tpu.memref_slice %arg16[%add3A_10, %dma_wait3A_97] : memref<10240x128xf32, #tpu.memory_space<vmem_shared>> -> memref<128x128xf32, #tpu.memory_space<vmem_shared>>
      %dma_wait3A_99 = arith.constant 0 : i32
      %dma_wait3A_100 = arith.constant 0 : i32
      %dma_wait3A_101 = tpu.memref_slice %arg19[%run_scoped3A_11, %dma_wait3A_99, %dma_wait3A_100] : memref<2x128x128xf32, #tpu.memory_space<vmem>> -> memref<1x128x128xf32, #tpu.memory_space<vmem>>
      %dma_wait3A_102 = tpu.memref_squeeze %dma_wait3A_101 : memref<1x128x128xf32, #tpu.memory_space<vmem>> -> memref<128x128xf32, #tpu.memory_space<vmem>>
      %dma_wait3A_103 = arith.constant 0 : i32
      %dma_wait3A_104 = arith.constant 0 : i32
      %dma_wait3A_105 = tpu.memref_slice %dma_wait3A_102[%dma_wait3A_103, %dma_wait3A_104] : memref<128x128xf32, #tpu.memory_space<vmem>> -> memref<128x128xf32, #tpu.memory_space<vmem>>
      tpu.wait_dma2 semaphore(%run_scoped3A_71 : memref<!tpu.dma_semaphore, #tpu.memory_space<semaphore_mem>>) src(%dma_wait3A_105 : memref<128x128xf32, #tpu.memory_space<vmem>>) dst(%dma_wait3A_98 : memref<128x128xf32, #tpu.memory_space<vmem_shared>>)
      tpu.yield
    }) : () -> ()
    %add3A_12 = arith.constant 512 : i32
    %add3A_13 = arith.addi %mul3A_0, %add3A_12 : i32
    %run_scoped3A_14 = arith.constant 0 : i32
    "tpu.region"() ({
      %run_scoped3A_71 = tpu.sem_alloc : memref<!tpu.dma_semaphore, #tpu.memory_space<semaphore_mem>>
      %dma_start3A = arith.constant 0 : i32
      %dma_start3A_72 = arith.constant 0 : i32
      %dma_start3A_73 = tpu.memref_slice %arg19[%run_scoped3A_14, %dma_start3A, %dma_start3A_72] : memref<2x128x128xf32, #tpu.memory_space<vmem>> -> memref<1x128x128xf32, #tpu.memory_space<vmem>>
      %dma_start3A_74 = tpu.memref_squeeze %dma_start3A_73 : memref<1x128x128xf32, #tpu.memory_space<vmem>> -> memref<128x128xf32, #tpu.memory_space<vmem>>
      %dma_start3A_75 = arith.constant 0 : i32
      %dma_start3A_76 = arith.constant 0 : i32
      %dma_start3A_77 = tpu.memref_slice %dma_start3A_74[%dma_start3A_75, %dma_start3A_76] : memref<128x128xf32, #tpu.memory_space<vmem>> -> memref<128x128xf32, #tpu.memory_space<vmem>>
      %dma_start3A_78 = arith.constant 0 : i32
      %dma_start3A_79 = tpu.memref_slice %arg16[%add3A_13, %dma_start3A_78] : memref<10240x128xf32, #tpu.memory_space<vmem_shared>> -> memref<128x128xf32, #tpu.memory_space<vmem_shared>>
      %dma_start3A_80 = arith.constant 0 : i32
      %dma_start3A_81 = tpu.memref_slice %arg16[%add3A_13, %dma_start3A_80] : memref<10240x128xf32, #tpu.memory_space<vmem_shared>> -> memref<128x128xf32, #tpu.memory_space<vmem_shared>>
      %dma_start3A_82 = arith.constant 0 : i32
      %dma_start3A_83 = arith.constant 0 : i32
      %dma_start3A_84 = tpu.memref_slice %arg19[%run_scoped3A_14, %dma_start3A_82, %dma_start3A_83] : memref<2x128x128xf32, #tpu.memory_space<vmem>> -> memref<1x128x128xf32, #tpu.memory_space<vmem>>
      %dma_start3A_85 = tpu.memref_squeeze %dma_start3A_84 : memref<1x128x128xf32, #tpu.memory_space<vmem>> -> memref<128x128xf32, #tpu.memory_space<vmem>>
      %dma_start3A_86 = arith.constant 0 : i32
      %dma_start3A_87 = arith.constant 0 : i32
      %dma_start3A_88 = tpu.memref_slice %dma_start3A_85[%dma_start3A_86, %dma_start3A_87] : memref<128x128xf32, #tpu.memory_space<vmem>> -> memref<128x128xf32, #tpu.memory_space<vmem>>
      tpu.enqueue_dma source(%dma_start3A_88 : memref<128x128xf32, #tpu.memory_space<vmem>>) target(%dma_start3A_81 : memref<128x128xf32, #tpu.memory_space<vmem_shared>>) target_semaphore(%run_scoped3A_71 : memref<!tpu.dma_semaphore, #tpu.memory_space<semaphore_mem>>)
      %dma_wait3A = arith.constant 0 : i32
      %dma_wait3A_89 = arith.constant 0 : i32
      %dma_wait3A_90 = tpu.memref_slice %arg19[%run_scoped3A_14, %dma_wait3A, %dma_wait3A_89] : memref<2x128x128xf32, #tpu.memory_space<vmem>> -> memref<1x128x128xf32, #tpu.memory_space<vmem>>
      %dma_wait3A_91 = tpu.memref_squeeze %dma_wait3A_90 : memref<1x128x128xf32, #tpu.memory_space<vmem>> -> memref<128x128xf32, #tpu.memory_space<vmem>>
      %dma_wait3A_92 = arith.constant 0 : i32
      %dma_wait3A_93 = arith.constant 0 : i32
      %dma_wait3A_94 = tpu.memref_slice %dma_wait3A_91[%dma_wait3A_92, %dma_wait3A_93] : memref<128x128xf32, #tpu.memory_space<vmem>> -> memref<128x128xf32, #tpu.memory_space<vmem>>
      %dma_wait3A_95 = arith.constant 0 : i32
      %dma_wait3A_96 = tpu.memref_slice %arg16[%add3A_13, %dma_wait3A_95] : memref<10240x128xf32, #tpu.memory_space<vmem_shared>> -> memref<128x128xf32, #tpu.memory_space<vmem_shared>>
      %dma_wait3A_97 = arith.constant 0 : i32
      %dma_wait3A_98 = tpu.memref_slice %arg16[%add3A_13, %dma_wait3A_97] : memref<10240x128xf32, #tpu.memory_space<vmem_shared>> -> memref<128x128xf32, #tpu.memory_space<vmem_shared>>
      %dma_wait3A_99 = arith.constant 0 : i32
      %dma_wait3A_100 = arith.constant 0 : i32
      %dma_wait3A_101 = tpu.memref_slice %arg19[%run_scoped3A_14, %dma_wait3A_99, %dma_wait3A_100] : memref<2x128x128xf32, #tpu.memory_space<vmem>> -> memref<1x128x128xf32, #tpu.memory_space<vmem>>
      %dma_wait3A_102 = tpu.memref_squeeze %dma_wait3A_101 : memref<1x128x128xf32, #tpu.memory_space<vmem>> -> memref<128x128xf32, #tpu.memory_space<vmem>>
      %dma_wait3A_103 = arith.constant 0 : i32
      %dma_wait3A_104 = arith.constant 0 : i32
      %dma_wait3A_105 = tpu.memref_slice %dma_wait3A_102[%dma_wait3A_103, %dma_wait3A_104] : memref<128x128xf32, #tpu.memory_space<vmem>> -> memref<128x128xf32, #tpu.memory_space<vmem>>
      tpu.wait_dma2 semaphore(%run_scoped3A_71 : memref<!tpu.dma_semaphore, #tpu.memory_space<semaphore_mem>>) src(%dma_wait3A_105 : memref<128x128xf32, #tpu.memory_space<vmem>>) dst(%dma_wait3A_98 : memref<128x128xf32, #tpu.memory_space<vmem_shared>>)
      tpu.yield
    }) : () -> ()
    %barrier3A = arith.constant 0 : index
    tpu.barrier barrier_id(%barrier3A)
    %eq3A = arith.constant 0 : i32
    %eq3A_15 = arith.cmpi eq, %arg0, %eq3A : i32
    %convert_element_type3A = arith.extui %eq3A_15 : i1 to i32
    %cond3A = arith.constant 0 : i32
    %cond3A_16 = arith.cmpi ne, %convert_element_type3A, %cond3A : i32
    scf.if %cond3A_16 {
      %scan3A = arith.constant 0 : i32
      %scan3A_71 = arith.constant 5 : i32
      %scan3A_72 = arith.addi %scan3A, %scan3A_71 : i32
      %scan3A_73 = arith.constant 1 : i32
      scf.for %scan3A_75 = %scan3A to %scan3A_72 step %scan3A_73  : i32 {
        %mul3A_76 = arith.constant 32 : i32
        %mul3A_77 = arith.muli %scan3A_75, %mul3A_76 : i32
        %add3A_78 = arith.constant 0 : i32
        %add3A_79 = arith.addi %add3A_78, %mul3A_77 : i32
        %add3A_80 = arith.constant 0 : i32
        %add3A_81 = arith.addi %add3A_80, %add3A_79 : i32
        "tpu.region"() ({
          %run_scoped3A_100 = tpu.sem_alloc : memref<!tpu.dma_semaphore, #tpu.memory_space<semaphore_mem>>
          %dma_start3A_101 = arith.constant 0 : i32
          %dma_start3A_102 = arith.constant 0 : i32
          %dma_start3A_103 = tpu.memref_slice %arg17[%dma_start3A_101, %dma_start3A_102] : memref<32x128xi32, #tpu.memory_space<vmem>> -> memref<32x128xi32, #tpu.memory_space<vmem>>
          %dma_start3A_104 = arith.constant 0 : i32
          %dma_start3A_105 = tpu.memref_slice %arg5[%arg1, %add3A_81, %dma_start3A_104] : memref<16x160x128xi32, #tpu.memory_space<hbm>> -> memref<1x32x128xi32, #tpu.memory_space<hbm>>
          %dma_start3A_106 = tpu.memref_squeeze %dma_start3A_105 : memref<1x32x128xi32, #tpu.memory_space<hbm>> -> memref<32x128xi32, #tpu.memory_space<hbm>>
          %dma_start3A_107 = arith.constant 0 : i32
          %dma_start3A_108 = arith.constant 0 : i32
          %dma_start3A_109 = tpu.memref_slice %arg17[%dma_start3A_107, %dma_start3A_108] : memref<32x128xi32, #tpu.memory_space<vmem>> -> memref<32x128xi32, #tpu.memory_space<vmem>>
          %dma_start3A_110 = arith.constant 0 : i32
          %dma_start3A_111 = tpu.memref_slice %arg5[%arg1, %add3A_81, %dma_start3A_110] : memref<16x160x128xi32, #tpu.memory_space<hbm>> -> memref<1x32x128xi32, #tpu.memory_space<hbm>>
          %dma_start3A_112 = tpu.memref_squeeze %dma_start3A_111 : memref<1x32x128xi32, #tpu.memory_space<hbm>> -> memref<32x128xi32, #tpu.memory_space<hbm>>
          tpu.enqueue_dma source(%dma_start3A_112 : memref<32x128xi32, #tpu.memory_space<hbm>>) target(%dma_start3A_109 : memref<32x128xi32, #tpu.memory_space<vmem>>) target_semaphore(%run_scoped3A_100 : memref<!tpu.dma_semaphore, #tpu.memory_space<semaphore_mem>>)
          %dma_wait3A = arith.constant 0 : i32
          %dma_wait3A_113 = arith.constant 0 : i32
          %dma_wait3A_114 = tpu.memref_slice %arg17[%dma_wait3A, %dma_wait3A_113] : memref<32x128xi32, #tpu.memory_space<vmem>> -> memref<32x128xi32, #tpu.memory_space<vmem>>
          %dma_wait3A_115 = arith.constant 0 : i32
          %dma_wait3A_116 = tpu.memref_slice %arg5[%arg1, %add3A_81, %dma_wait3A_115] : memref<16x160x128xi32, #tpu.memory_space<hbm>> -> memref<1x32x128xi32, #tpu.memory_space<hbm>>
          %dma_wait3A_117 = tpu.memref_squeeze %dma_wait3A_116 : memref<1x32x128xi32, #tpu.memory_space<hbm>> -> memref<32x128xi32, #tpu.memory_space<hbm>>
          %dma_wait3A_118 = arith.constant 0 : i32
          %dma_wait3A_119 = arith.constant 0 : i32
          %dma_wait3A_120 = tpu.memref_slice %arg17[%dma_wait3A_118, %dma_wait3A_119] : memref<32x128xi32, #tpu.memory_space<vmem>> -> memref<32x128xi32, #tpu.memory_space<vmem>>
          %dma_wait3A_121 = arith.constant 0 : i32
          %dma_wait3A_122 = tpu.memref_slice %arg5[%arg1, %add3A_81, %dma_wait3A_121] : memref<16x160x128xi32, #tpu.memory_space<hbm>> -> memref<1x32x128xi32, #tpu.memory_space<hbm>>
          %dma_wait3A_123 = tpu.memref_squeeze %dma_wait3A_122 : memref<1x32x128xi32, #tpu.memory_space<hbm>> -> memref<32x128xi32, #tpu.memory_space<hbm>>
          tpu.wait_dma2 semaphore(%run_scoped3A_100 : memref<!tpu.dma_semaphore, #tpu.memory_space<semaphore_mem>>) src(%dma_wait3A_123 : memref<32x128xi32, #tpu.memory_space<hbm>>) dst(%dma_wait3A_120 : memref<32x128xi32, #tpu.memory_space<vmem>>)
          tpu.yield
        }) : () -> ()
        %add3A_82 = arith.constant 0 : i32
        %add3A_83 = arith.addi %add3A_82, %add3A_79 : i32
        "tpu.region"() ({
          %run_scoped3A_100 = tpu.sem_alloc : memref<!tpu.dma_semaphore, #tpu.memory_space<semaphore_mem>>
          %dma_start3A_101 = arith.constant 0 : i32
          %dma_start3A_102 = arith.constant 0 : i32
          %dma_start3A_103 = tpu.memref_slice %arg18[%dma_start3A_101, %dma_start3A_102] : memref<32x128xi32, #tpu.memory_space<vmem>> -> memref<32x128xi32, #tpu.memory_space<vmem>>
          %dma_start3A_104 = arith.constant 0 : i32
          %dma_start3A_105 = tpu.memref_slice %arg6[%arg1, %add3A_83, %dma_start3A_104] : memref<16x160x128xi32, #tpu.memory_space<hbm>> -> memref<1x32x128xi32, #tpu.memory_space<hbm>>
          %dma_start3A_106 = tpu.memref_squeeze %dma_start3A_105 : memref<1x32x128xi32, #tpu.memory_space<hbm>> -> memref<32x128xi32, #tpu.memory_space<hbm>>
          %dma_start3A_107 = arith.constant 0 : i32
          %dma_start3A_108 = arith.constant 0 : i32
          %dma_start3A_109 = tpu.memref_slice %arg18[%dma_start3A_107, %dma_start3A_108] : memref<32x128xi32, #tpu.memory_space<vmem>> -> memref<32x128xi32, #tpu.memory_space<vmem>>
          %dma_start3A_110 = arith.constant 0 : i32
          %dma_start3A_111 = tpu.memref_slice %arg6[%arg1, %add3A_83, %dma_start3A_110] : memref<16x160x128xi32, #tpu.memory_space<hbm>> -> memref<1x32x128xi32, #tpu.memory_space<hbm>>
          %dma_start3A_112 = tpu.memref_squeeze %dma_start3A_111 : memref<1x32x128xi32, #tpu.memory_space<hbm>> -> memref<32x128xi32, #tpu.memory_space<hbm>>
          tpu.enqueue_dma source(%dma_start3A_112 : memref<32x128xi32, #tpu.memory_space<hbm>>) target(%dma_start3A_109 : memref<32x128xi32, #tpu.memory_space<vmem>>) target_semaphore(%run_scoped3A_100 : memref<!tpu.dma_semaphore, #tpu.memory_space<semaphore_mem>>)
          %dma_wait3A = arith.constant 0 : i32
          %dma_wait3A_113 = arith.constant 0 : i32
          %dma_wait3A_114 = tpu.memref_slice %arg18[%dma_wait3A, %dma_wait3A_113] : memref<32x128xi32, #tpu.memory_space<vmem>> -> memref<32x128xi32, #tpu.memory_space<vmem>>
          %dma_wait3A_115 = arith.constant 0 : i32
          %dma_wait3A_116 = tpu.memref_slice %arg6[%arg1, %add3A_83, %dma_wait3A_115] : memref<16x160x128xi32, #tpu.memory_space<hbm>> -> memref<1x32x128xi32, #tpu.memory_space<hbm>>
          %dma_wait3A_117 = tpu.memref_squeeze %dma_wait3A_116 : memref<1x32x128xi32, #tpu.memory_space<hbm>> -> memref<32x128xi32, #tpu.memory_space<hbm>>
          %dma_wait3A_118 = arith.constant 0 : i32
          %dma_wait3A_119 = arith.constant 0 : i32
          %dma_wait3A_120 = tpu.memref_slice %arg18[%dma_wait3A_118, %dma_wait3A_119] : memref<32x128xi32, #tpu.memory_space<vmem>> -> memref<32x128xi32, #tpu.memory_space<vmem>>
          %dma_wait3A_121 = arith.constant 0 : i32
          %dma_wait3A_122 = tpu.memref_slice %arg6[%arg1, %add3A_83, %dma_wait3A_121] : memref<16x160x128xi32, #tpu.memory_space<hbm>> -> memref<1x32x128xi32, #tpu.memory_space<hbm>>
          %dma_wait3A_123 = tpu.memref_squeeze %dma_wait3A_122 : memref<1x32x128xi32, #tpu.memory_space<hbm>> -> memref<32x128xi32, #tpu.memory_space<hbm>>
          tpu.wait_dma2 semaphore(%run_scoped3A_100 : memref<!tpu.dma_semaphore, #tpu.memory_space<semaphore_mem>>) src(%dma_wait3A_123 : memref<32x128xi32, #tpu.memory_space<hbm>>) dst(%dma_wait3A_120 : memref<32x128xi32, #tpu.memory_space<vmem>>)
          tpu.yield
        }) : () -> ()
        %dma_start3A = arith.constant 0 : i32
        %dma_start3A_84 = arith.constant 0 : i32
        %dma_start3A_85 = arith.constant 0 : i32
        %dma_start3A_86 = arith.constant 0 : i32
        %dma_start3A_87 = tpu.memref_slice %arg19[%dma_start3A_84, %dma_start3A_85, %dma_start3A_86] : memref<2x128x128xf32, #tpu.memory_space<vmem>> -> memref<1x128x128xf32, #tpu.memory_space<vmem>>
        %dma_start3A_88 = tpu.memref_squeeze %dma_start3A_87 : memref<1x128x128xf32, #tpu.memory_space<vmem>> -> memref<128x128xf32, #tpu.memory_space<vmem>>
        %dma_start3A_89 = arith.constant 0 : i32
        %dma_start3A_90 = tpu.memref_slice %arg17[%dma_start3A, %dma_start3A_89] : memref<32x128xi32, #tpu.memory_space<vmem>> -> memref<1x128xi32, #tpu.memory_space<vmem>>
        %dma_start3A_91 = tpu.memref_squeeze %dma_start3A_90 : memref<1x128xi32, #tpu.memory_space<vmem>> -> memref<128xi32, #tpu.memory_space<vmem>>
        %dma_start3A_92 = arith.constant 0 : i32
        %dma_start3A_93 = arith.constant 0 : i32
        %dma_start3A_94 = tpu.memref_slice %arg3[%dma_start3A_92, %dma_start3A_93] : memref<10000x128xf32, #tpu.memory_space<hbm>> -> memref<10000x128xf32, #tpu.memory_space<hbm>>
        tpu.enqueue_indirect_dma source(%dma_start3A_94 : memref<10000x128xf32, #tpu.memory_space<hbm>>) target(%dma_start3A_88 : memref<128x128xf32, #tpu.memory_space<vmem>>) offsets(%dma_start3A_91 : memref<128xi32, #tpu.memory_space<vmem>>) semaphore(%arg20 : memref<!tpu.dma_semaphore, #tpu.memory_space<semaphore_mem>>)
        %scan3A_95 = arith.constant 0 : i32
        %scan3A_96 = arith.constant 16 : i32
        %scan3A_97 = arith.addi %scan3A_95, %scan3A_96 : i32
        %scan3A_98 = arith.constant 1 : i32
        scf.for %scan3A_100 = %scan3A_95 to %scan3A_97 step %scan3A_98  : i32 {
          %mul3A_101 = arith.constant 2 : i32
          %mul3A_102 = arith.muli %scan3A_100, %mul3A_101 : i32
          %add3A_103 = arith.constant 0 : i32
          %add3A_104 = arith.addi %add3A_103, %mul3A_102 : i32
          %dma_wait3A = arith.constant 0 : i32
          %dma_wait3A_105 = arith.constant 0 : i32
          %dma_wait3A_106 = arith.constant 0 : i32
          %dma_wait3A_107 = tpu.memref_slice %arg19[%dma_wait3A, %dma_wait3A_105, %dma_wait3A_106] : memref<2x128x128xf32, #tpu.memory_space<vmem>> -> memref<1x128x128xf32, #tpu.memory_space<vmem>>
          %dma_wait3A_108 = tpu.memref_squeeze %dma_wait3A_107 : memref<1x128x128xf32, #tpu.memory_space<vmem>> -> memref<128x128xf32, #tpu.memory_space<vmem>>
          %dma_wait3A_109 = arith.constant 0 : i32
          %dma_wait3A_110 = tpu.memref_slice %arg17[%add3A_104, %dma_wait3A_109] : memref<32x128xi32, #tpu.memory_space<vmem>> -> memref<1x128xi32, #tpu.memory_space<vmem>>
          %dma_wait3A_111 = tpu.memref_squeeze %dma_wait3A_110 : memref<1x128xi32, #tpu.memory_space<vmem>> -> memref<128xi32, #tpu.memory_space<vmem>>
          %dma_wait3A_112 = arith.constant 0 : i32
          %dma_wait3A_113 = arith.constant 0 : i32
          %dma_wait3A_114 = tpu.memref_slice %arg3[%dma_wait3A_112, %dma_wait3A_113] : memref<10000x128xf32, #tpu.memory_space<hbm>> -> memref<10000x128xf32, #tpu.memory_space<hbm>>
          tpu.wait_indirect_dma semaphore(%arg20 : memref<!tpu.dma_semaphore, #tpu.memory_space<semaphore_mem>>) src(%dma_wait3A_114 : memref<10000x128xf32, #tpu.memory_space<hbm>>) dst(%dma_wait3A_108 : memref<128x128xf32, #tpu.memory_space<vmem>>)
          %add3A_115 = arith.constant 1 : i32
          %add3A_116 = arith.addi %add3A_104, %add3A_115 : i32
          %dma_start3A_117 = arith.constant 1 : i32
          %dma_start3A_118 = arith.constant 0 : i32
          %dma_start3A_119 = arith.constant 0 : i32
          %dma_start3A_120 = tpu.memref_slice %arg19[%dma_start3A_117, %dma_start3A_118, %dma_start3A_119] : memref<2x128x128xf32, #tpu.memory_space<vmem>> -> memref<1x128x128xf32, #tpu.memory_space<vmem>>
          %dma_start3A_121 = tpu.memref_squeeze %dma_start3A_120 : memref<1x128x128xf32, #tpu.memory_space<vmem>> -> memref<128x128xf32, #tpu.memory_space<vmem>>
          %dma_start3A_122 = arith.constant 0 : i32
          %dma_start3A_123 = tpu.memref_slice %arg17[%add3A_116, %dma_start3A_122] : memref<32x128xi32, #tpu.memory_space<vmem>> -> memref<1x128xi32, #tpu.memory_space<vmem>>
          %dma_start3A_124 = tpu.memref_squeeze %dma_start3A_123 : memref<1x128xi32, #tpu.memory_space<vmem>> -> memref<128xi32, #tpu.memory_space<vmem>>
          %dma_start3A_125 = arith.constant 0 : i32
          %dma_start3A_126 = arith.constant 0 : i32
          %dma_start3A_127 = tpu.memref_slice %arg3[%dma_start3A_125, %dma_start3A_126] : memref<10000x128xf32, #tpu.memory_space<hbm>> -> memref<10000x128xf32, #tpu.memory_space<hbm>>
          tpu.enqueue_indirect_dma source(%dma_start3A_127 : memref<10000x128xf32, #tpu.memory_space<hbm>>) target(%dma_start3A_121 : memref<128x128xf32, #tpu.memory_space<vmem>>) offsets(%dma_start3A_124 : memref<128xi32, #tpu.memory_space<vmem>>) semaphore(%arg22 : memref<!tpu.dma_semaphore, #tpu.memory_space<semaphore_mem>>)
          %run_scoped3A_128 = arith.constant 0 : i32
          "tpu.region"() ({
            %run_scoped3A_151 = tpu.sem_alloc : memref<!tpu.dma_semaphore, #tpu.memory_space<semaphore_mem>>
            %dma_start3A_152 = arith.constant 0 : i32
            %dma_start3A_153 = arith.constant 0 : i32
            %dma_start3A_154 = tpu.memref_slice %arg19[%run_scoped3A_128, %dma_start3A_152, %dma_start3A_153] : memref<2x128x128xf32, #tpu.memory_space<vmem>> -> memref<1x128x128xf32, #tpu.memory_space<vmem>>
            %dma_start3A_155 = tpu.memref_squeeze %dma_start3A_154 : memref<1x128x128xf32, #tpu.memory_space<vmem>> -> memref<128x128xf32, #tpu.memory_space<vmem>>
            %dma_start3A_156 = arith.constant 0 : i32
            %dma_start3A_157 = tpu.memref_slice %arg18[%add3A_104, %dma_start3A_156] : memref<32x128xi32, #tpu.memory_space<vmem>> -> memref<1x128xi32, #tpu.memory_space<vmem>>
            %dma_start3A_158 = tpu.memref_squeeze %dma_start3A_157 : memref<1x128xi32, #tpu.memory_space<vmem>> -> memref<128xi32, #tpu.memory_space<vmem>>
            %dma_start3A_159 = arith.constant 0 : i32
            %dma_start3A_160 = arith.constant 0 : i32
            %dma_start3A_161 = tpu.memref_slice %arg16[%dma_start3A_159, %dma_start3A_160] : memref<10240x128xf32, #tpu.memory_space<vmem_shared>> -> memref<10240x128xf32, #tpu.memory_space<vmem_shared>>
            tpu.enqueue_indirect_dma source(%dma_start3A_155 : memref<128x128xf32, #tpu.memory_space<vmem>>) target(%dma_start3A_161 : memref<10240x128xf32, #tpu.memory_space<vmem_shared>>) offsets(%dma_start3A_158 : memref<128xi32, #tpu.memory_space<vmem>>) semaphore(%run_scoped3A_151 : memref<!tpu.dma_semaphore, #tpu.memory_space<semaphore_mem>>) {add = true}
            %dma_wait3A_162 = arith.constant 0 : i32
            %dma_wait3A_163 = arith.constant 0 : i32
            %dma_wait3A_164 = tpu.memref_slice %arg19[%run_scoped3A_128, %dma_wait3A_162, %dma_wait3A_163] : memref<2x128x128xf32, #tpu.memory_space<vmem>> -> memref<1x128x128xf32, #tpu.memory_space<vmem>>
            %dma_wait3A_165 = tpu.memref_squeeze %dma_wait3A_164 : memref<1x128x128xf32, #tpu.memory_space<vmem>> -> memref<128x128xf32, #tpu.memory_space<vmem>>
            %dma_wait3A_166 = arith.constant 0 : i32
            %dma_wait3A_167 = tpu.memref_slice %arg18[%add3A_104, %dma_wait3A_166] : memref<32x128xi32, #tpu.memory_space<vmem>> -> memref<1x128xi32, #tpu.memory_space<vmem>>
            %dma_wait3A_168 = tpu.memref_squeeze %dma_wait3A_167 : memref<1x128xi32, #tpu.memory_space<vmem>> -> memref<128xi32, #tpu.memory_space<vmem>>
            %dma_wait3A_169 = arith.constant 0 : i32
            %dma_wait3A_170 = arith.constant 0 : i32
            %dma_wait3A_171 = tpu.memref_slice %arg16[%dma_wait3A_169, %dma_wait3A_170] : memref<10240x128xf32, #tpu.memory_space<vmem_shared>> -> memref<10240x128xf32, #tpu.memory_space<vmem_shared>>
            tpu.wait_indirect_dma semaphore(%run_scoped3A_151 : memref<!tpu.dma_semaphore, #tpu.memory_space<semaphore_mem>>) src(%dma_wait3A_165 : memref<128x128xf32, #tpu.memory_space<vmem>>) dst(%dma_wait3A_171 : memref<10240x128xf32, #tpu.memory_space<vmem_shared>>)
            tpu.yield
          }) : () -> ()
          %add3A_129 = arith.constant 1 : i32
          %add3A_130 = arith.addi %add3A_104, %add3A_129 : i32
          %dma_wait3A_131 = arith.constant 1 : i32
          %dma_wait3A_132 = arith.constant 0 : i32
          %dma_wait3A_133 = arith.constant 0 : i32
          %dma_wait3A_134 = tpu.memref_slice %arg19[%dma_wait3A_131, %dma_wait3A_132, %dma_wait3A_133] : memref<2x128x128xf32, #tpu.memory_space<vmem>> -> memref<1x128x128xf32, #tpu.memory_space<vmem>>
          %dma_wait3A_135 = tpu.memref_squeeze %dma_wait3A_134 : memref<1x128x128xf32, #tpu.memory_space<vmem>> -> memref<128x128xf32, #tpu.memory_space<vmem>>
          %dma_wait3A_136 = arith.constant 0 : i32
          %dma_wait3A_137 = tpu.memref_slice %arg17[%add3A_130, %dma_wait3A_136] : memref<32x128xi32, #tpu.memory_space<vmem>> -> memref<1x128xi32, #tpu.memory_space<vmem>>
          %dma_wait3A_138 = tpu.memref_squeeze %dma_wait3A_137 : memref<1x128xi32, #tpu.memory_space<vmem>> -> memref<128xi32, #tpu.memory_space<vmem>>
          %dma_wait3A_139 = arith.constant 0 : i32
          %dma_wait3A_140 = arith.constant 0 : i32
          %dma_wait3A_141 = tpu.memref_slice %arg3[%dma_wait3A_139, %dma_wait3A_140] : memref<10000x128xf32, #tpu.memory_space<hbm>> -> memref<10000x128xf32, #tpu.memory_space<hbm>>
          tpu.wait_indirect_dma semaphore(%arg22 : memref<!tpu.dma_semaphore, #tpu.memory_space<semaphore_mem>>) src(%dma_wait3A_141 : memref<10000x128xf32, #tpu.memory_space<hbm>>) dst(%dma_wait3A_135 : memref<128x128xf32, #tpu.memory_space<vmem>>)
          %add3A_142 = arith.constant 2 : i32
          %add3A_143 = arith.addi %add3A_104, %add3A_142 : i32
          %lt3A = arith.constant 32 : i32
          %lt3A_144 = arith.cmpi slt, %add3A_143, %lt3A : i32
          %convert_element_type3A_145 = arith.extui %lt3A_144 : i1 to i32
          %cond3A_146 = arith.constant 0 : i32
          %cond3A_147 = arith.cmpi ne, %convert_element_type3A_145, %cond3A_146 : i32
          scf.if %cond3A_147 {
            %add3A_151 = arith.constant 2 : i32
            %add3A_152 = arith.addi %add3A_104, %add3A_151 : i32
            %dma_start3A_153 = arith.constant 0 : i32
            %dma_start3A_154 = arith.constant 0 : i32
            %dma_start3A_155 = arith.constant 0 : i32
            %dma_start3A_156 = tpu.memref_slice %arg19[%dma_start3A_153, %dma_start3A_154, %dma_start3A_155] : memref<2x128x128xf32, #tpu.memory_space<vmem>> -> memref<1x128x128xf32, #tpu.memory_space<vmem>>
            %dma_start3A_157 = tpu.memref_squeeze %dma_start3A_156 : memref<1x128x128xf32, #tpu.memory_space<vmem>> -> memref<128x128xf32, #tpu.memory_space<vmem>>
            %dma_start3A_158 = arith.constant 0 : i32
            %dma_start3A_159 = tpu.memref_slice %arg17[%add3A_152, %dma_start3A_158] : memref<32x128xi32, #tpu.memory_space<vmem>> -> memref<1x128xi32, #tpu.memory_space<vmem>>
            %dma_start3A_160 = tpu.memref_squeeze %dma_start3A_159 : memref<1x128xi32, #tpu.memory_space<vmem>> -> memref<128xi32, #tpu.memory_space<vmem>>
            %dma_start3A_161 = arith.constant 0 : i32
            %dma_start3A_162 = arith.constant 0 : i32
            %dma_start3A_163 = tpu.memref_slice %arg3[%dma_start3A_161, %dma_start3A_162] : memref<10000x128xf32, #tpu.memory_space<hbm>> -> memref<10000x128xf32, #tpu.memory_space<hbm>>
            tpu.enqueue_indirect_dma source(%dma_start3A_163 : memref<10000x128xf32, #tpu.memory_space<hbm>>) target(%dma_start3A_157 : memref<128x128xf32, #tpu.memory_space<vmem>>) offsets(%dma_start3A_160 : memref<128xi32, #tpu.memory_space<vmem>>) semaphore(%arg20 : memref<!tpu.dma_semaphore, #tpu.memory_space<semaphore_mem>>)
          } else {
          }
          %add3A_148 = arith.constant 1 : i32
          %add3A_149 = arith.addi %add3A_104, %add3A_148 : i32
          %run_scoped3A_150 = arith.constant 1 : i32
          "tpu.region"() ({
            %run_scoped3A_151 = tpu.sem_alloc : memref<!tpu.dma_semaphore, #tpu.memory_space<semaphore_mem>>
            %dma_start3A_152 = arith.constant 0 : i32
            %dma_start3A_153 = arith.constant 0 : i32
            %dma_start3A_154 = tpu.memref_slice %arg19[%run_scoped3A_150, %dma_start3A_152, %dma_start3A_153] : memref<2x128x128xf32, #tpu.memory_space<vmem>> -> memref<1x128x128xf32, #tpu.memory_space<vmem>>
            %dma_start3A_155 = tpu.memref_squeeze %dma_start3A_154 : memref<1x128x128xf32, #tpu.memory_space<vmem>> -> memref<128x128xf32, #tpu.memory_space<vmem>>
            %dma_start3A_156 = arith.constant 0 : i32
            %dma_start3A_157 = tpu.memref_slice %arg18[%add3A_149, %dma_start3A_156] : memref<32x128xi32, #tpu.memory_space<vmem>> -> memref<1x128xi32, #tpu.memory_space<vmem>>
            %dma_start3A_158 = tpu.memref_squeeze %dma_start3A_157 : memref<1x128xi32, #tpu.memory_space<vmem>> -> memref<128xi32, #tpu.memory_space<vmem>>
            %dma_start3A_159 = arith.constant 0 : i32
            %dma_start3A_160 = arith.constant 0 : i32
            %dma_start3A_161 = tpu.memref_slice %arg16[%dma_start3A_159, %dma_start3A_160] : memref<10240x128xf32, #tpu.memory_space<vmem_shared>> -> memref<10240x128xf32, #tpu.memory_space<vmem_shared>>
            tpu.enqueue_indirect_dma source(%dma_start3A_155 : memref<128x128xf32, #tpu.memory_space<vmem>>) target(%dma_start3A_161 : memref<10240x128xf32, #tpu.memory_space<vmem_shared>>) offsets(%dma_start3A_158 : memref<128xi32, #tpu.memory_space<vmem>>) semaphore(%run_scoped3A_151 : memref<!tpu.dma_semaphore, #tpu.memory_space<semaphore_mem>>) {add = true}
            %dma_wait3A_162 = arith.constant 0 : i32
            %dma_wait3A_163 = arith.constant 0 : i32
            %dma_wait3A_164 = tpu.memref_slice %arg19[%run_scoped3A_150, %dma_wait3A_162, %dma_wait3A_163] : memref<2x128x128xf32, #tpu.memory_space<vmem>> -> memref<1x128x128xf32, #tpu.memory_space<vmem>>
            %dma_wait3A_165 = tpu.memref_squeeze %dma_wait3A_164 : memref<1x128x128xf32, #tpu.memory_space<vmem>> -> memref<128x128xf32, #tpu.memory_space<vmem>>
            %dma_wait3A_166 = arith.constant 0 : i32
            %dma_wait3A_167 = tpu.memref_slice %arg18[%add3A_149, %dma_wait3A_166] : memref<32x128xi32, #tpu.memory_space<vmem>> -> memref<1x128xi32, #tpu.memory_space<vmem>>
            %dma_wait3A_168 = tpu.memref_squeeze %dma_wait3A_167 : memref<1x128xi32, #tpu.memory_space<vmem>> -> memref<128xi32, #tpu.memory_space<vmem>>
            %dma_wait3A_169 = arith.constant 0 : i32
            %dma_wait3A_170 = arith.constant 0 : i32
            %dma_wait3A_171 = tpu.memref_slice %arg16[%dma_wait3A_169, %dma_wait3A_170] : memref<10240x128xf32, #tpu.memory_space<vmem_shared>> -> memref<10240x128xf32, #tpu.memory_space<vmem_shared>>
            tpu.wait_indirect_dma semaphore(%run_scoped3A_151 : memref<!tpu.dma_semaphore, #tpu.memory_space<semaphore_mem>>) src(%dma_wait3A_165 : memref<128x128xf32, #tpu.memory_space<vmem>>) dst(%dma_wait3A_171 : memref<10240x128xf32, #tpu.memory_space<vmem_shared>>)
            tpu.yield
          }) : () -> ()
        }
        %scan3A_99 = arith.constant 16 : i32
      }
      %scan3A_74 = arith.constant 5 : i32
    } else {
    }
    %eq3A_17 = arith.constant 1 : i32
    %eq3A_18 = arith.cmpi eq, %arg0, %eq3A_17 : i32
    %convert_element_type3A_19 = arith.extui %eq3A_18 : i1 to i32
    %cond3A_20 = arith.constant 0 : i32
    %cond3A_21 = arith.cmpi ne, %convert_element_type3A_19, %cond3A_20 : i32
    scf.if %cond3A_21 {
      %scan3A = arith.constant 0 : i32
      %scan3A_71 = arith.constant 5 : i32
      %scan3A_72 = arith.addi %scan3A, %scan3A_71 : i32
      %scan3A_73 = arith.constant 1 : i32
      scf.for %scan3A_75 = %scan3A to %scan3A_72 step %scan3A_73  : i32 {
        %mul3A_76 = arith.constant 32 : i32
        %mul3A_77 = arith.muli %scan3A_75, %mul3A_76 : i32
        %add3A_78 = arith.constant 0 : i32
        %add3A_79 = arith.addi %add3A_78, %mul3A_77 : i32
        %add3A_80 = arith.constant 0 : i32
        %add3A_81 = arith.addi %add3A_80, %add3A_79 : i32
        "tpu.region"() ({
          %run_scoped3A_100 = tpu.sem_alloc : memref<!tpu.dma_semaphore, #tpu.memory_space<semaphore_mem>>
          %dma_start3A_101 = arith.constant 0 : i32
          %dma_start3A_102 = arith.constant 0 : i32
          %dma_start3A_103 = tpu.memref_slice %arg17[%dma_start3A_101, %dma_start3A_102] : memref<32x128xi32, #tpu.memory_space<vmem>> -> memref<32x128xi32, #tpu.memory_space<vmem>>
          %dma_start3A_104 = arith.constant 0 : i32
          %dma_start3A_105 = tpu.memref_slice %arg7[%arg1, %add3A_81, %dma_start3A_104] : memref<16x160x128xi32, #tpu.memory_space<hbm>> -> memref<1x32x128xi32, #tpu.memory_space<hbm>>
          %dma_start3A_106 = tpu.memref_squeeze %dma_start3A_105 : memref<1x32x128xi32, #tpu.memory_space<hbm>> -> memref<32x128xi32, #tpu.memory_space<hbm>>
          %dma_start3A_107 = arith.constant 0 : i32
          %dma_start3A_108 = arith.constant 0 : i32
          %dma_start3A_109 = tpu.memref_slice %arg17[%dma_start3A_107, %dma_start3A_108] : memref<32x128xi32, #tpu.memory_space<vmem>> -> memref<32x128xi32, #tpu.memory_space<vmem>>
          %dma_start3A_110 = arith.constant 0 : i32
          %dma_start3A_111 = tpu.memref_slice %arg7[%arg1, %add3A_81, %dma_start3A_110] : memref<16x160x128xi32, #tpu.memory_space<hbm>> -> memref<1x32x128xi32, #tpu.memory_space<hbm>>
          %dma_start3A_112 = tpu.memref_squeeze %dma_start3A_111 : memref<1x32x128xi32, #tpu.memory_space<hbm>> -> memref<32x128xi32, #tpu.memory_space<hbm>>
          tpu.enqueue_dma source(%dma_start3A_112 : memref<32x128xi32, #tpu.memory_space<hbm>>) target(%dma_start3A_109 : memref<32x128xi32, #tpu.memory_space<vmem>>) target_semaphore(%run_scoped3A_100 : memref<!tpu.dma_semaphore, #tpu.memory_space<semaphore_mem>>)
          %dma_wait3A = arith.constant 0 : i32
          %dma_wait3A_113 = arith.constant 0 : i32
          %dma_wait3A_114 = tpu.memref_slice %arg17[%dma_wait3A, %dma_wait3A_113] : memref<32x128xi32, #tpu.memory_space<vmem>> -> memref<32x128xi32, #tpu.memory_space<vmem>>
          %dma_wait3A_115 = arith.constant 0 : i32
          %dma_wait3A_116 = tpu.memref_slice %arg7[%arg1, %add3A_81, %dma_wait3A_115] : memref<16x160x128xi32, #tpu.memory_space<hbm>> -> memref<1x32x128xi32, #tpu.memory_space<hbm>>
          %dma_wait3A_117 = tpu.memref_squeeze %dma_wait3A_116 : memref<1x32x128xi32, #tpu.memory_space<hbm>> -> memref<32x128xi32, #tpu.memory_space<hbm>>
          %dma_wait3A_118 = arith.constant 0 : i32
          %dma_wait3A_119 = arith.constant 0 : i32
          %dma_wait3A_120 = tpu.memref_slice %arg17[%dma_wait3A_118, %dma_wait3A_119] : memref<32x128xi32, #tpu.memory_space<vmem>> -> memref<32x128xi32, #tpu.memory_space<vmem>>
          %dma_wait3A_121 = arith.constant 0 : i32
          %dma_wait3A_122 = tpu.memref_slice %arg7[%arg1, %add3A_81, %dma_wait3A_121] : memref<16x160x128xi32, #tpu.memory_space<hbm>> -> memref<1x32x128xi32, #tpu.memory_space<hbm>>
          %dma_wait3A_123 = tpu.memref_squeeze %dma_wait3A_122 : memref<1x32x128xi32, #tpu.memory_space<hbm>> -> memref<32x128xi32, #tpu.memory_space<hbm>>
          tpu.wait_dma2 semaphore(%run_scoped3A_100 : memref<!tpu.dma_semaphore, #tpu.memory_space<semaphore_mem>>) src(%dma_wait3A_123 : memref<32x128xi32, #tpu.memory_space<hbm>>) dst(%dma_wait3A_120 : memref<32x128xi32, #tpu.memory_space<vmem>>)
          tpu.yield
        }) : () -> ()
        %add3A_82 = arith.constant 0 : i32
        %add3A_83 = arith.addi %add3A_82, %add3A_79 : i32
        "tpu.region"() ({
          %run_scoped3A_100 = tpu.sem_alloc : memref<!tpu.dma_semaphore, #tpu.memory_space<semaphore_mem>>
          %dma_start3A_101 = arith.constant 0 : i32
          %dma_start3A_102 = arith.constant 0 : i32
          %dma_start3A_103 = tpu.memref_slice %arg18[%dma_start3A_101, %dma_start3A_102] : memref<32x128xi32, #tpu.memory_space<vmem>> -> memref<32x128xi32, #tpu.memory_space<vmem>>
          %dma_start3A_104 = arith.constant 0 : i32
          %dma_start3A_105 = tpu.memref_slice %arg8[%arg1, %add3A_83, %dma_start3A_104] : memref<16x160x128xi32, #tpu.memory_space<hbm>> -> memref<1x32x128xi32, #tpu.memory_space<hbm>>
          %dma_start3A_106 = tpu.memref_squeeze %dma_start3A_105 : memref<1x32x128xi32, #tpu.memory_space<hbm>> -> memref<32x128xi32, #tpu.memory_space<hbm>>
          %dma_start3A_107 = arith.constant 0 : i32
          %dma_start3A_108 = arith.constant 0 : i32
          %dma_start3A_109 = tpu.memref_slice %arg18[%dma_start3A_107, %dma_start3A_108] : memref<32x128xi32, #tpu.memory_space<vmem>> -> memref<32x128xi32, #tpu.memory_space<vmem>>
          %dma_start3A_110 = arith.constant 0 : i32
          %dma_start3A_111 = tpu.memref_slice %arg8[%arg1, %add3A_83, %dma_start3A_110] : memref<16x160x128xi32, #tpu.memory_space<hbm>> -> memref<1x32x128xi32, #tpu.memory_space<hbm>>
          %dma_start3A_112 = tpu.memref_squeeze %dma_start3A_111 : memref<1x32x128xi32, #tpu.memory_space<hbm>> -> memref<32x128xi32, #tpu.memory_space<hbm>>
          tpu.enqueue_dma source(%dma_start3A_112 : memref<32x128xi32, #tpu.memory_space<hbm>>) target(%dma_start3A_109 : memref<32x128xi32, #tpu.memory_space<vmem>>) target_semaphore(%run_scoped3A_100 : memref<!tpu.dma_semaphore, #tpu.memory_space<semaphore_mem>>)
          %dma_wait3A = arith.constant 0 : i32
          %dma_wait3A_113 = arith.constant 0 : i32
          %dma_wait3A_114 = tpu.memref_slice %arg18[%dma_wait3A, %dma_wait3A_113] : memref<32x128xi32, #tpu.memory_space<vmem>> -> memref<32x128xi32, #tpu.memory_space<vmem>>
          %dma_wait3A_115 = arith.constant 0 : i32
          %dma_wait3A_116 = tpu.memref_slice %arg8[%arg1, %add3A_83, %dma_wait3A_115] : memref<16x160x128xi32, #tpu.memory_space<hbm>> -> memref<1x32x128xi32, #tpu.memory_space<hbm>>
          %dma_wait3A_117 = tpu.memref_squeeze %dma_wait3A_116 : memref<1x32x128xi32, #tpu.memory_space<hbm>> -> memref<32x128xi32, #tpu.memory_space<hbm>>
          %dma_wait3A_118 = arith.constant 0 : i32
          %dma_wait3A_119 = arith.constant 0 : i32
          %dma_wait3A_120 = tpu.memref_slice %arg18[%dma_wait3A_118, %dma_wait3A_119] : memref<32x128xi32, #tpu.memory_space<vmem>> -> memref<32x128xi32, #tpu.memory_space<vmem>>
          %dma_wait3A_121 = arith.constant 0 : i32
          %dma_wait3A_122 = tpu.memref_slice %arg8[%arg1, %add3A_83, %dma_wait3A_121] : memref<16x160x128xi32, #tpu.memory_space<hbm>> -> memref<1x32x128xi32, #tpu.memory_space<hbm>>
          %dma_wait3A_123 = tpu.memref_squeeze %dma_wait3A_122 : memref<1x32x128xi32, #tpu.memory_space<hbm>> -> memref<32x128xi32, #tpu.memory_space<hbm>>
          tpu.wait_dma2 semaphore(%run_scoped3A_100 : memref<!tpu.dma_semaphore, #tpu.memory_space<semaphore_mem>>) src(%dma_wait3A_123 : memref<32x128xi32, #tpu.memory_space<hbm>>) dst(%dma_wait3A_120 : memref<32x128xi32, #tpu.memory_space<vmem>>)
          tpu.yield
        }) : () -> ()
        %dma_start3A = arith.constant 0 : i32
        %dma_start3A_84 = arith.constant 0 : i32
        %dma_start3A_85 = arith.constant 0 : i32
        %dma_start3A_86 = arith.constant 0 : i32
        %dma_start3A_87 = tpu.memref_slice %arg19[%dma_start3A_84, %dma_start3A_85, %dma_start3A_86] : memref<2x128x128xf32, #tpu.memory_space<vmem>> -> memref<1x128x128xf32, #tpu.memory_space<vmem>>
        %dma_start3A_88 = tpu.memref_squeeze %dma_start3A_87 : memref<1x128x128xf32, #tpu.memory_space<vmem>> -> memref<128x128xf32, #tpu.memory_space<vmem>>
        %dma_start3A_89 = arith.constant 0 : i32
        %dma_start3A_90 = tpu.memref_slice %arg17[%dma_start3A, %dma_start3A_89] : memref<32x128xi32, #tpu.memory_space<vmem>> -> memref<1x128xi32, #tpu.memory_space<vmem>>
        %dma_start3A_91 = tpu.memref_squeeze %dma_start3A_90 : memref<1x128xi32, #tpu.memory_space<vmem>> -> memref<128xi32, #tpu.memory_space<vmem>>
        %dma_start3A_92 = arith.constant 0 : i32
        %dma_start3A_93 = arith.constant 0 : i32
        %dma_start3A_94 = tpu.memref_slice %arg2[%dma_start3A_92, %dma_start3A_93] : memref<10000x128xf32, #tpu.memory_space<hbm>> -> memref<10000x128xf32, #tpu.memory_space<hbm>>
        tpu.enqueue_indirect_dma source(%dma_start3A_94 : memref<10000x128xf32, #tpu.memory_space<hbm>>) target(%dma_start3A_88 : memref<128x128xf32, #tpu.memory_space<vmem>>) offsets(%dma_start3A_91 : memref<128xi32, #tpu.memory_space<vmem>>) semaphore(%arg20 : memref<!tpu.dma_semaphore, #tpu.memory_space<semaphore_mem>>)
        %scan3A_95 = arith.constant 0 : i32
        %scan3A_96 = arith.constant 16 : i32
        %scan3A_97 = arith.addi %scan3A_95, %scan3A_96 : i32
        %scan3A_98 = arith.constant 1 : i32
        scf.for %scan3A_100 = %scan3A_95 to %scan3A_97 step %scan3A_98  : i32 {
          %mul3A_101 = arith.constant 2 : i32
          %mul3A_102 = arith.muli %scan3A_100, %mul3A_101 : i32
          %add3A_103 = arith.constant 0 : i32
          %add3A_104 = arith.addi %add3A_103, %mul3A_102 : i32
          %dma_wait3A = arith.constant 0 : i32
          %dma_wait3A_105 = arith.constant 0 : i32
          %dma_wait3A_106 = arith.constant 0 : i32
          %dma_wait3A_107 = tpu.memref_slice %arg19[%dma_wait3A, %dma_wait3A_105, %dma_wait3A_106] : memref<2x128x128xf32, #tpu.memory_space<vmem>> -> memref<1x128x128xf32, #tpu.memory_space<vmem>>
          %dma_wait3A_108 = tpu.memref_squeeze %dma_wait3A_107 : memref<1x128x128xf32, #tpu.memory_space<vmem>> -> memref<128x128xf32, #tpu.memory_space<vmem>>
          %dma_wait3A_109 = arith.constant 0 : i32
          %dma_wait3A_110 = tpu.memref_slice %arg17[%add3A_104, %dma_wait3A_109] : memref<32x128xi32, #tpu.memory_space<vmem>> -> memref<1x128xi32, #tpu.memory_space<vmem>>
          %dma_wait3A_111 = tpu.memref_squeeze %dma_wait3A_110 : memref<1x128xi32, #tpu.memory_space<vmem>> -> memref<128xi32, #tpu.memory_space<vmem>>
          %dma_wait3A_112 = arith.constant 0 : i32
          %dma_wait3A_113 = arith.constant 0 : i32
          %dma_wait3A_114 = tpu.memref_slice %arg2[%dma_wait3A_112, %dma_wait3A_113] : memref<10000x128xf32, #tpu.memory_space<hbm>> -> memref<10000x128xf32, #tpu.memory_space<hbm>>
          tpu.wait_indirect_dma semaphore(%arg20 : memref<!tpu.dma_semaphore, #tpu.memory_space<semaphore_mem>>) src(%dma_wait3A_114 : memref<10000x128xf32, #tpu.memory_space<hbm>>) dst(%dma_wait3A_108 : memref<128x128xf32, #tpu.memory_space<vmem>>)
          %add3A_115 = arith.constant 1 : i32
          %add3A_116 = arith.addi %add3A_104, %add3A_115 : i32
          %dma_start3A_117 = arith.constant 1 : i32
          %dma_start3A_118 = arith.constant 0 : i32
          %dma_start3A_119 = arith.constant 0 : i32
          %dma_start3A_120 = tpu.memref_slice %arg19[%dma_start3A_117, %dma_start3A_118, %dma_start3A_119] : memref<2x128x128xf32, #tpu.memory_space<vmem>> -> memref<1x128x128xf32, #tpu.memory_space<vmem>>
          %dma_start3A_121 = tpu.memref_squeeze %dma_start3A_120 : memref<1x128x128xf32, #tpu.memory_space<vmem>> -> memref<128x128xf32, #tpu.memory_space<vmem>>
          %dma_start3A_122 = arith.constant 0 : i32
          %dma_start3A_123 = tpu.memref_slice %arg17[%add3A_116, %dma_start3A_122] : memref<32x128xi32, #tpu.memory_space<vmem>> -> memref<1x128xi32, #tpu.memory_space<vmem>>
          %dma_start3A_124 = tpu.memref_squeeze %dma_start3A_123 : memref<1x128xi32, #tpu.memory_space<vmem>> -> memref<128xi32, #tpu.memory_space<vmem>>
          %dma_start3A_125 = arith.constant 0 : i32
          %dma_start3A_126 = arith.constant 0 : i32
          %dma_start3A_127 = tpu.memref_slice %arg2[%dma_start3A_125, %dma_start3A_126] : memref<10000x128xf32, #tpu.memory_space<hbm>> -> memref<10000x128xf32, #tpu.memory_space<hbm>>
          tpu.enqueue_indirect_dma source(%dma_start3A_127 : memref<10000x128xf32, #tpu.memory_space<hbm>>) target(%dma_start3A_121 : memref<128x128xf32, #tpu.memory_space<vmem>>) offsets(%dma_start3A_124 : memref<128xi32, #tpu.memory_space<vmem>>) semaphore(%arg22 : memref<!tpu.dma_semaphore, #tpu.memory_space<semaphore_mem>>)
          %run_scoped3A_128 = arith.constant 0 : i32
          "tpu.region"() ({
            %run_scoped3A_151 = tpu.sem_alloc : memref<!tpu.dma_semaphore, #tpu.memory_space<semaphore_mem>>
            %dma_start3A_152 = arith.constant 0 : i32
            %dma_start3A_153 = arith.constant 0 : i32
            %dma_start3A_154 = tpu.memref_slice %arg19[%run_scoped3A_128, %dma_start3A_152, %dma_start3A_153] : memref<2x128x128xf32, #tpu.memory_space<vmem>> -> memref<1x128x128xf32, #tpu.memory_space<vmem>>
            %dma_start3A_155 = tpu.memref_squeeze %dma_start3A_154 : memref<1x128x128xf32, #tpu.memory_space<vmem>> -> memref<128x128xf32, #tpu.memory_space<vmem>>
            %dma_start3A_156 = arith.constant 0 : i32
            %dma_start3A_157 = tpu.memref_slice %arg18[%add3A_104, %dma_start3A_156] : memref<32x128xi32, #tpu.memory_space<vmem>> -> memref<1x128xi32, #tpu.memory_space<vmem>>
            %dma_start3A_158 = tpu.memref_squeeze %dma_start3A_157 : memref<1x128xi32, #tpu.memory_space<vmem>> -> memref<128xi32, #tpu.memory_space<vmem>>
            %dma_start3A_159 = arith.constant 0 : i32
            %dma_start3A_160 = arith.constant 0 : i32
            %dma_start3A_161 = tpu.memref_slice %arg16[%dma_start3A_159, %dma_start3A_160] : memref<10240x128xf32, #tpu.memory_space<vmem_shared>> -> memref<10240x128xf32, #tpu.memory_space<vmem_shared>>
            tpu.enqueue_indirect_dma source(%dma_start3A_155 : memref<128x128xf32, #tpu.memory_space<vmem>>) target(%dma_start3A_161 : memref<10240x128xf32, #tpu.memory_space<vmem_shared>>) offsets(%dma_start3A_158 : memref<128xi32, #tpu.memory_space<vmem>>) semaphore(%run_scoped3A_151 : memref<!tpu.dma_semaphore, #tpu.memory_space<semaphore_mem>>) {add = true}
            %dma_wait3A_162 = arith.constant 0 : i32
            %dma_wait3A_163 = arith.constant 0 : i32
            %dma_wait3A_164 = tpu.memref_slice %arg19[%run_scoped3A_128, %dma_wait3A_162, %dma_wait3A_163] : memref<2x128x128xf32, #tpu.memory_space<vmem>> -> memref<1x128x128xf32, #tpu.memory_space<vmem>>
            %dma_wait3A_165 = tpu.memref_squeeze %dma_wait3A_164 : memref<1x128x128xf32, #tpu.memory_space<vmem>> -> memref<128x128xf32, #tpu.memory_space<vmem>>
            %dma_wait3A_166 = arith.constant 0 : i32
            %dma_wait3A_167 = tpu.memref_slice %arg18[%add3A_104, %dma_wait3A_166] : memref<32x128xi32, #tpu.memory_space<vmem>> -> memref<1x128xi32, #tpu.memory_space<vmem>>
            %dma_wait3A_168 = tpu.memref_squeeze %dma_wait3A_167 : memref<1x128xi32, #tpu.memory_space<vmem>> -> memref<128xi32, #tpu.memory_space<vmem>>
            %dma_wait3A_169 = arith.constant 0 : i32
            %dma_wait3A_170 = arith.constant 0 : i32
            %dma_wait3A_171 = tpu.memref_slice %arg16[%dma_wait3A_169, %dma_wait3A_170] : memref<10240x128xf32, #tpu.memory_space<vmem_shared>> -> memref<10240x128xf32, #tpu.memory_space<vmem_shared>>
            tpu.wait_indirect_dma semaphore(%run_scoped3A_151 : memref<!tpu.dma_semaphore, #tpu.memory_space<semaphore_mem>>) src(%dma_wait3A_165 : memref<128x128xf32, #tpu.memory_space<vmem>>) dst(%dma_wait3A_171 : memref<10240x128xf32, #tpu.memory_space<vmem_shared>>)
            tpu.yield
          }) : () -> ()
          %add3A_129 = arith.constant 1 : i32
          %add3A_130 = arith.addi %add3A_104, %add3A_129 : i32
          %dma_wait3A_131 = arith.constant 1 : i32
          %dma_wait3A_132 = arith.constant 0 : i32
          %dma_wait3A_133 = arith.constant 0 : i32
          %dma_wait3A_134 = tpu.memref_slice %arg19[%dma_wait3A_131, %dma_wait3A_132, %dma_wait3A_133] : memref<2x128x128xf32, #tpu.memory_space<vmem>> -> memref<1x128x128xf32, #tpu.memory_space<vmem>>
          %dma_wait3A_135 = tpu.memref_squeeze %dma_wait3A_134 : memref<1x128x128xf32, #tpu.memory_space<vmem>> -> memref<128x128xf32, #tpu.memory_space<vmem>>
          %dma_wait3A_136 = arith.constant 0 : i32
          %dma_wait3A_137 = tpu.memref_slice %arg17[%add3A_130, %dma_wait3A_136] : memref<32x128xi32, #tpu.memory_space<vmem>> -> memref<1x128xi32, #tpu.memory_space<vmem>>
          %dma_wait3A_138 = tpu.memref_squeeze %dma_wait3A_137 : memref<1x128xi32, #tpu.memory_space<vmem>> -> memref<128xi32, #tpu.memory_space<vmem>>
          %dma_wait3A_139 = arith.constant 0 : i32
          %dma_wait3A_140 = arith.constant 0 : i32
          %dma_wait3A_141 = tpu.memref_slice %arg2[%dma_wait3A_139, %dma_wait3A_140] : memref<10000x128xf32, #tpu.memory_space<hbm>> -> memref<10000x128xf32, #tpu.memory_space<hbm>>
          tpu.wait_indirect_dma semaphore(%arg22 : memref<!tpu.dma_semaphore, #tpu.memory_space<semaphore_mem>>) src(%dma_wait3A_141 : memref<10000x128xf32, #tpu.memory_space<hbm>>) dst(%dma_wait3A_135 : memref<128x128xf32, #tpu.memory_space<vmem>>)
          %add3A_142 = arith.constant 2 : i32
          %add3A_143 = arith.addi %add3A_104, %add3A_142 : i32
          %lt3A = arith.constant 32 : i32
          %lt3A_144 = arith.cmpi slt, %add3A_143, %lt3A : i32
          %convert_element_type3A_145 = arith.extui %lt3A_144 : i1 to i32
          %cond3A_146 = arith.constant 0 : i32
          %cond3A_147 = arith.cmpi ne, %convert_element_type3A_145, %cond3A_146 : i32
          scf.if %cond3A_147 {
            %add3A_151 = arith.constant 2 : i32
            %add3A_152 = arith.addi %add3A_104, %add3A_151 : i32
            %dma_start3A_153 = arith.constant 0 : i32
            %dma_start3A_154 = arith.constant 0 : i32
            %dma_start3A_155 = arith.constant 0 : i32
            %dma_start3A_156 = tpu.memref_slice %arg19[%dma_start3A_153, %dma_start3A_154, %dma_start3A_155] : memref<2x128x128xf32, #tpu.memory_space<vmem>> -> memref<1x128x128xf32, #tpu.memory_space<vmem>>
            %dma_start3A_157 = tpu.memref_squeeze %dma_start3A_156 : memref<1x128x128xf32, #tpu.memory_space<vmem>> -> memref<128x128xf32, #tpu.memory_space<vmem>>
            %dma_start3A_158 = arith.constant 0 : i32
            %dma_start3A_159 = tpu.memref_slice %arg17[%add3A_152, %dma_start3A_158] : memref<32x128xi32, #tpu.memory_space<vmem>> -> memref<1x128xi32, #tpu.memory_space<vmem>>
            %dma_start3A_160 = tpu.memref_squeeze %dma_start3A_159 : memref<1x128xi32, #tpu.memory_space<vmem>> -> memref<128xi32, #tpu.memory_space<vmem>>
            %dma_start3A_161 = arith.constant 0 : i32
            %dma_start3A_162 = arith.constant 0 : i32
            %dma_start3A_163 = tpu.memref_slice %arg2[%dma_start3A_161, %dma_start3A_162] : memref<10000x128xf32, #tpu.memory_space<hbm>> -> memref<10000x128xf32, #tpu.memory_space<hbm>>
            tpu.enqueue_indirect_dma source(%dma_start3A_163 : memref<10000x128xf32, #tpu.memory_space<hbm>>) target(%dma_start3A_157 : memref<128x128xf32, #tpu.memory_space<vmem>>) offsets(%dma_start3A_160 : memref<128xi32, #tpu.memory_space<vmem>>) semaphore(%arg20 : memref<!tpu.dma_semaphore, #tpu.memory_space<semaphore_mem>>)
          } else {
          }
          %add3A_148 = arith.constant 1 : i32
          %add3A_149 = arith.addi %add3A_104, %add3A_148 : i32
          %run_scoped3A_150 = arith.constant 1 : i32
          "tpu.region"() ({
            %run_scoped3A_151 = tpu.sem_alloc : memref<!tpu.dma_semaphore, #tpu.memory_space<semaphore_mem>>
            %dma_start3A_152 = arith.constant 0 : i32
            %dma_start3A_153 = arith.constant 0 : i32
            %dma_start3A_154 = tpu.memref_slice %arg19[%run_scoped3A_150, %dma_start3A_152, %dma_start3A_153] : memref<2x128x128xf32, #tpu.memory_space<vmem>> -> memref<1x128x128xf32, #tpu.memory_space<vmem>>
            %dma_start3A_155 = tpu.memref_squeeze %dma_start3A_154 : memref<1x128x128xf32, #tpu.memory_space<vmem>> -> memref<128x128xf32, #tpu.memory_space<vmem>>
            %dma_start3A_156 = arith.constant 0 : i32
            %dma_start3A_157 = tpu.memref_slice %arg18[%add3A_149, %dma_start3A_156] : memref<32x128xi32, #tpu.memory_space<vmem>> -> memref<1x128xi32, #tpu.memory_space<vmem>>
            %dma_start3A_158 = tpu.memref_squeeze %dma_start3A_157 : memref<1x128xi32, #tpu.memory_space<vmem>> -> memref<128xi32, #tpu.memory_space<vmem>>
            %dma_start3A_159 = arith.constant 0 : i32
            %dma_start3A_160 = arith.constant 0 : i32
            %dma_start3A_161 = tpu.memref_slice %arg16[%dma_start3A_159, %dma_start3A_160] : memref<10240x128xf32, #tpu.memory_space<vmem_shared>> -> memref<10240x128xf32, #tpu.memory_space<vmem_shared>>
            tpu.enqueue_indirect_dma source(%dma_start3A_155 : memref<128x128xf32, #tpu.memory_space<vmem>>) target(%dma_start3A_161 : memref<10240x128xf32, #tpu.memory_space<vmem_shared>>) offsets(%dma_start3A_158 : memref<128xi32, #tpu.memory_space<vmem>>) semaphore(%run_scoped3A_151 : memref<!tpu.dma_semaphore, #tpu.memory_space<semaphore_mem>>) {add = true}
            %dma_wait3A_162 = arith.constant 0 : i32
            %dma_wait3A_163 = arith.constant 0 : i32
            %dma_wait3A_164 = tpu.memref_slice %arg19[%run_scoped3A_150, %dma_wait3A_162, %dma_wait3A_163] : memref<2x128x128xf32, #tpu.memory_space<vmem>> -> memref<1x128x128xf32, #tpu.memory_space<vmem>>
            %dma_wait3A_165 = tpu.memref_squeeze %dma_wait3A_164 : memref<1x128x128xf32, #tpu.memory_space<vmem>> -> memref<128x128xf32, #tpu.memory_space<vmem>>
            %dma_wait3A_166 = arith.constant 0 : i32
            %dma_wait3A_167 = tpu.memref_slice %arg18[%add3A_149, %dma_wait3A_166] : memref<32x128xi32, #tpu.memory_space<vmem>> -> memref<1x128xi32, #tpu.memory_space<vmem>>
            %dma_wait3A_168 = tpu.memref_squeeze %dma_wait3A_167 : memref<1x128xi32, #tpu.memory_space<vmem>> -> memref<128xi32, #tpu.memory_space<vmem>>
            %dma_wait3A_169 = arith.constant 0 : i32
            %dma_wait3A_170 = arith.constant 0 : i32
            %dma_wait3A_171 = tpu.memref_slice %arg16[%dma_wait3A_169, %dma_wait3A_170] : memref<10240x128xf32, #tpu.memory_space<vmem_shared>> -> memref<10240x128xf32, #tpu.memory_space<vmem_shared>>
            tpu.wait_indirect_dma semaphore(%run_scoped3A_151 : memref<!tpu.dma_semaphore, #tpu.memory_space<semaphore_mem>>) src(%dma_wait3A_165 : memref<128x128xf32, #tpu.memory_space<vmem>>) dst(%dma_wait3A_171 : memref<10240x128xf32, #tpu.memory_space<vmem_shared>>)
            tpu.yield
          }) : () -> ()
        }
        %scan3A_99 = arith.constant 16 : i32
      }
      %scan3A_74 = arith.constant 5 : i32
    } else {
    }
    %barrier3A_22 = arith.constant 0 : index
    tpu.barrier barrier_id(%barrier3A_22)
    %eq3A_23 = arith.constant 0 : i32
    %eq3A_24 = arith.cmpi eq, %arg0, %eq3A_23 : i32
    %convert_element_type3A_25 = arith.extui %eq3A_24 : i1 to i32
    %cond3A_26 = arith.constant 0 : i32
    %cond3A_27 = arith.cmpi ne, %convert_element_type3A_25, %cond3A_26 : i32
    scf.if %cond3A_27 {
      "tpu.region"() ({
        %run_scoped3A_71 = tpu.sem_alloc : memref<!tpu.dma_semaphore, #tpu.memory_space<semaphore_mem>>
        %dma_start3A = arith.constant 0 : i32
        %dma_start3A_72 = tpu.memref_slice %arg12[%mul3A_0, %dma_start3A] : memref<10240x128xf32, #tpu.memory_space<hbm>> -> memref<640x128xf32, #tpu.memory_space<hbm>>
        %dma_start3A_73 = arith.constant 0 : i32
        %dma_start3A_74 = tpu.memref_slice %arg16[%mul3A_0, %dma_start3A_73] : memref<10240x128xf32, #tpu.memory_space<vmem_shared>> -> memref<640x128xf32, #tpu.memory_space<vmem_shared>>
        tpu.enqueue_dma source(%dma_start3A_74 : memref<640x128xf32, #tpu.memory_space<vmem_shared>>) target(%dma_start3A_72 : memref<640x128xf32, #tpu.memory_space<hbm>>) target_semaphore(%run_scoped3A_71 : memref<!tpu.dma_semaphore, #tpu.memory_space<semaphore_mem>>)
        %dma_wait3A = arith.constant 0 : i32
        %dma_wait3A_75 = tpu.memref_slice %arg12[%mul3A_0, %dma_wait3A] : memref<10240x128xf32, #tpu.memory_space<hbm>> -> memref<640x128xf32, #tpu.memory_space<hbm>>
        %dma_wait3A_76 = arith.constant 0 : i32
        %dma_wait3A_77 = tpu.memref_slice %arg16[%mul3A_0, %dma_wait3A_76] : memref<10240x128xf32, #tpu.memory_space<vmem_shared>> -> memref<640x128xf32, #tpu.memory_space<vmem_shared>>
        tpu.wait_dma2 semaphore(%run_scoped3A_71 : memref<!tpu.dma_semaphore, #tpu.memory_space<semaphore_mem>>) src(%dma_wait3A_77 : memref<640x128xf32, #tpu.memory_space<vmem_shared>>) dst(%dma_wait3A_75 : memref<640x128xf32, #tpu.memory_space<hbm>>)
        tpu.yield
      }) : () -> ()
    } else {
    }
    %eq3A_28 = arith.constant 1 : i32
    %eq3A_29 = arith.cmpi eq, %arg0, %eq3A_28 : i32
    %convert_element_type3A_30 = arith.extui %eq3A_29 : i1 to i32
    %cond3A_31 = arith.constant 0 : i32
    %cond3A_32 = arith.cmpi ne, %convert_element_type3A_30, %cond3A_31 : i32
    scf.if %cond3A_32 {
      "tpu.region"() ({
        %run_scoped3A_71 = tpu.sem_alloc : memref<!tpu.dma_semaphore, #tpu.memory_space<semaphore_mem>>
        %dma_start3A = arith.constant 0 : i32
        %dma_start3A_72 = tpu.memref_slice %arg13[%mul3A_0, %dma_start3A] : memref<10240x128xf32, #tpu.memory_space<hbm>> -> memref<640x128xf32, #tpu.memory_space<hbm>>
        %dma_start3A_73 = arith.constant 0 : i32
        %dma_start3A_74 = tpu.memref_slice %arg16[%mul3A_0, %dma_start3A_73] : memref<10240x128xf32, #tpu.memory_space<vmem_shared>> -> memref<640x128xf32, #tpu.memory_space<vmem_shared>>
        tpu.enqueue_dma source(%dma_start3A_74 : memref<640x128xf32, #tpu.memory_space<vmem_shared>>) target(%dma_start3A_72 : memref<640x128xf32, #tpu.memory_space<hbm>>) target_semaphore(%run_scoped3A_71 : memref<!tpu.dma_semaphore, #tpu.memory_space<semaphore_mem>>)
        %dma_wait3A = arith.constant 0 : i32
        %dma_wait3A_75 = tpu.memref_slice %arg13[%mul3A_0, %dma_wait3A] : memref<10240x128xf32, #tpu.memory_space<hbm>> -> memref<640x128xf32, #tpu.memory_space<hbm>>
        %dma_wait3A_76 = arith.constant 0 : i32
        %dma_wait3A_77 = tpu.memref_slice %arg16[%mul3A_0, %dma_wait3A_76] : memref<10240x128xf32, #tpu.memory_space<vmem_shared>> -> memref<640x128xf32, #tpu.memory_space<vmem_shared>>
        tpu.wait_dma2 semaphore(%run_scoped3A_71 : memref<!tpu.dma_semaphore, #tpu.memory_space<semaphore_mem>>) src(%dma_wait3A_77 : memref<640x128xf32, #tpu.memory_space<vmem_shared>>) dst(%dma_wait3A_75 : memref<640x128xf32, #tpu.memory_space<hbm>>)
        tpu.yield
      }) : () -> ()
    } else {
    }
    %run_scoped3A_33 = arith.constant 0 : i32
    "tpu.region"() ({
      %run_scoped3A_71 = tpu.sem_alloc : memref<!tpu.dma_semaphore, #tpu.memory_space<semaphore_mem>>
      %dma_start3A = arith.constant 0 : i32
      %dma_start3A_72 = arith.constant 0 : i32
      %dma_start3A_73 = tpu.memref_slice %arg19[%run_scoped3A_33, %dma_start3A, %dma_start3A_72] : memref<2x128x128xf32, #tpu.memory_space<vmem>> -> memref<1x128x128xf32, #tpu.memory_space<vmem>>
      %dma_start3A_74 = tpu.memref_squeeze %dma_start3A_73 : memref<1x128x128xf32, #tpu.memory_space<vmem>> -> memref<128x128xf32, #tpu.memory_space<vmem>>
      %dma_start3A_75 = arith.constant 0 : i32
      %dma_start3A_76 = arith.constant 0 : i32
      %dma_start3A_77 = tpu.memref_slice %arg19[%run_scoped3A_33, %dma_start3A_75, %dma_start3A_76] : memref<2x128x128xf32, #tpu.memory_space<vmem>> -> memref<1x128x128xf32, #tpu.memory_space<vmem>>
      %dma_start3A_78 = tpu.memref_squeeze %dma_start3A_77 : memref<1x128x128xf32, #tpu.memory_space<vmem>> -> memref<128x128xf32, #tpu.memory_space<vmem>>
      tpu.enqueue_dma source(%arg11 : memref<128x128xf32, #tpu.memory_space<hbm>>) target(%dma_start3A_78 : memref<128x128xf32, #tpu.memory_space<vmem>>) target_semaphore(%run_scoped3A_71 : memref<!tpu.dma_semaphore, #tpu.memory_space<semaphore_mem>>)
      %dma_wait3A = arith.constant 0 : i32
      %dma_wait3A_79 = arith.constant 0 : i32
      %dma_wait3A_80 = tpu.memref_slice %arg19[%run_scoped3A_33, %dma_wait3A, %dma_wait3A_79] : memref<2x128x128xf32, #tpu.memory_space<vmem>> -> memref<1x128x128xf32, #tpu.memory_space<vmem>>
      %dma_wait3A_81 = tpu.memref_squeeze %dma_wait3A_80 : memref<1x128x128xf32, #tpu.memory_space<vmem>> -> memref<128x128xf32, #tpu.memory_space<vmem>>
      %dma_wait3A_82 = arith.constant 0 : i32
      %dma_wait3A_83 = arith.constant 0 : i32
      %dma_wait3A_84 = tpu.memref_slice %arg19[%run_scoped3A_33, %dma_wait3A_82, %dma_wait3A_83] : memref<2x128x128xf32, #tpu.memory_space<vmem>> -> memref<1x128x128xf32, #tpu.memory_space<vmem>>
      %dma_wait3A_85 = tpu.memref_squeeze %dma_wait3A_84 : memref<1x128x128xf32, #tpu.memory_space<vmem>> -> memref<128x128xf32, #tpu.memory_space<vmem>>
      tpu.wait_dma2 semaphore(%run_scoped3A_71 : memref<!tpu.dma_semaphore, #tpu.memory_space<semaphore_mem>>) src(%arg11 : memref<128x128xf32, #tpu.memory_space<hbm>>) dst(%dma_wait3A_85 : memref<128x128xf32, #tpu.memory_space<vmem>>)
      tpu.yield
    }) : () -> ()
    %add3A_34 = arith.constant 0 : i32
    %add3A_35 = arith.addi %mul3A_0, %add3A_34 : i32
    %run_scoped3A_36 = arith.constant 0 : i32
    "tpu.region"() ({
      %run_scoped3A_71 = tpu.sem_alloc : memref<!tpu.dma_semaphore, #tpu.memory_space<semaphore_mem>>
      %dma_start3A = arith.constant 0 : i32
      %dma_start3A_72 = arith.constant 0 : i32
      %dma_start3A_73 = tpu.memref_slice %arg19[%run_scoped3A_36, %dma_start3A, %dma_start3A_72] : memref<2x128x128xf32, #tpu.memory_space<vmem>> -> memref<1x128x128xf32, #tpu.memory_space<vmem>>
      %dma_start3A_74 = tpu.memref_squeeze %dma_start3A_73 : memref<1x128x128xf32, #tpu.memory_space<vmem>> -> memref<128x128xf32, #tpu.memory_space<vmem>>
      %dma_start3A_75 = arith.constant 0 : i32
      %dma_start3A_76 = arith.constant 0 : i32
      %dma_start3A_77 = tpu.memref_slice %dma_start3A_74[%dma_start3A_75, %dma_start3A_76] : memref<128x128xf32, #tpu.memory_space<vmem>> -> memref<128x128xf32, #tpu.memory_space<vmem>>
      %dma_start3A_78 = arith.constant 0 : i32
      %dma_start3A_79 = tpu.memref_slice %arg16[%add3A_35, %dma_start3A_78] : memref<10240x128xf32, #tpu.memory_space<vmem_shared>> -> memref<128x128xf32, #tpu.memory_space<vmem_shared>>
      %dma_start3A_80 = arith.constant 0 : i32
      %dma_start3A_81 = tpu.memref_slice %arg16[%add3A_35, %dma_start3A_80] : memref<10240x128xf32, #tpu.memory_space<vmem_shared>> -> memref<128x128xf32, #tpu.memory_space<vmem_shared>>
      %dma_start3A_82 = arith.constant 0 : i32
      %dma_start3A_83 = arith.constant 0 : i32
      %dma_start3A_84 = tpu.memref_slice %arg19[%run_scoped3A_36, %dma_start3A_82, %dma_start3A_83] : memref<2x128x128xf32, #tpu.memory_space<vmem>> -> memref<1x128x128xf32, #tpu.memory_space<vmem>>
      %dma_start3A_85 = tpu.memref_squeeze %dma_start3A_84 : memref<1x128x128xf32, #tpu.memory_space<vmem>> -> memref<128x128xf32, #tpu.memory_space<vmem>>
      %dma_start3A_86 = arith.constant 0 : i32
      %dma_start3A_87 = arith.constant 0 : i32
      %dma_start3A_88 = tpu.memref_slice %dma_start3A_85[%dma_start3A_86, %dma_start3A_87] : memref<128x128xf32, #tpu.memory_space<vmem>> -> memref<128x128xf32, #tpu.memory_space<vmem>>
      tpu.enqueue_dma source(%dma_start3A_88 : memref<128x128xf32, #tpu.memory_space<vmem>>) target(%dma_start3A_81 : memref<128x128xf32, #tpu.memory_space<vmem_shared>>) target_semaphore(%run_scoped3A_71 : memref<!tpu.dma_semaphore, #tpu.memory_space<semaphore_mem>>)
      %dma_wait3A = arith.constant 0 : i32
      %dma_wait3A_89 = arith.constant 0 : i32
      %dma_wait3A_90 = tpu.memref_slice %arg19[%run_scoped3A_36, %dma_wait3A, %dma_wait3A_89] : memref<2x128x128xf32, #tpu.memory_space<vmem>> -> memref<1x128x128xf32, #tpu.memory_space<vmem>>
      %dma_wait3A_91 = tpu.memref_squeeze %dma_wait3A_90 : memref<1x128x128xf32, #tpu.memory_space<vmem>> -> memref<128x128xf32, #tpu.memory_space<vmem>>
      %dma_wait3A_92 = arith.constant 0 : i32
      %dma_wait3A_93 = arith.constant 0 : i32
      %dma_wait3A_94 = tpu.memref_slice %dma_wait3A_91[%dma_wait3A_92, %dma_wait3A_93] : memref<128x128xf32, #tpu.memory_space<vmem>> -> memref<128x128xf32, #tpu.memory_space<vmem>>
      %dma_wait3A_95 = arith.constant 0 : i32
      %dma_wait3A_96 = tpu.memref_slice %arg16[%add3A_35, %dma_wait3A_95] : memref<10240x128xf32, #tpu.memory_space<vmem_shared>> -> memref<128x128xf32, #tpu.memory_space<vmem_shared>>
      %dma_wait3A_97 = arith.constant 0 : i32
      %dma_wait3A_98 = tpu.memref_slice %arg16[%add3A_35, %dma_wait3A_97] : memref<10240x128xf32, #tpu.memory_space<vmem_shared>> -> memref<128x128xf32, #tpu.memory_space<vmem_shared>>
      %dma_wait3A_99 = arith.constant 0 : i32
      %dma_wait3A_100 = arith.constant 0 : i32
      %dma_wait3A_101 = tpu.memref_slice %arg19[%run_scoped3A_36, %dma_wait3A_99, %dma_wait3A_100] : memref<2x128x128xf32, #tpu.memory_space<vmem>> -> memref<1x128x128xf32, #tpu.memory_space<vmem>>
      %dma_wait3A_102 = tpu.memref_squeeze %dma_wait3A_101 : memref<1x128x128xf32, #tpu.memory_space<vmem>> -> memref<128x128xf32, #tpu.memory_space<vmem>>
      %dma_wait3A_103 = arith.constant 0 : i32
      %dma_wait3A_104 = arith.constant 0 : i32
      %dma_wait3A_105 = tpu.memref_slice %dma_wait3A_102[%dma_wait3A_103, %dma_wait3A_104] : memref<128x128xf32, #tpu.memory_space<vmem>> -> memref<128x128xf32, #tpu.memory_space<vmem>>
      tpu.wait_dma2 semaphore(%run_scoped3A_71 : memref<!tpu.dma_semaphore, #tpu.memory_space<semaphore_mem>>) src(%dma_wait3A_105 : memref<128x128xf32, #tpu.memory_space<vmem>>) dst(%dma_wait3A_98 : memref<128x128xf32, #tpu.memory_space<vmem_shared>>)
      tpu.yield
    }) : () -> ()
    %add3A_37 = arith.constant 128 : i32
    %add3A_38 = arith.addi %mul3A_0, %add3A_37 : i32
    %run_scoped3A_39 = arith.constant 0 : i32
    "tpu.region"() ({
      %run_scoped3A_71 = tpu.sem_alloc : memref<!tpu.dma_semaphore, #tpu.memory_space<semaphore_mem>>
      %dma_start3A = arith.constant 0 : i32
      %dma_start3A_72 = arith.constant 0 : i32
      %dma_start3A_73 = tpu.memref_slice %arg19[%run_scoped3A_39, %dma_start3A, %dma_start3A_72] : memref<2x128x128xf32, #tpu.memory_space<vmem>> -> memref<1x128x128xf32, #tpu.memory_space<vmem>>
      %dma_start3A_74 = tpu.memref_squeeze %dma_start3A_73 : memref<1x128x128xf32, #tpu.memory_space<vmem>> -> memref<128x128xf32, #tpu.memory_space<vmem>>
      %dma_start3A_75 = arith.constant 0 : i32
      %dma_start3A_76 = arith.constant 0 : i32
      %dma_start3A_77 = tpu.memref_slice %dma_start3A_74[%dma_start3A_75, %dma_start3A_76] : memref<128x128xf32, #tpu.memory_space<vmem>> -> memref<128x128xf32, #tpu.memory_space<vmem>>
      %dma_start3A_78 = arith.constant 0 : i32
      %dma_start3A_79 = tpu.memref_slice %arg16[%add3A_38, %dma_start3A_78] : memref<10240x128xf32, #tpu.memory_space<vmem_shared>> -> memref<128x128xf32, #tpu.memory_space<vmem_shared>>
      %dma_start3A_80 = arith.constant 0 : i32
      %dma_start3A_81 = tpu.memref_slice %arg16[%add3A_38, %dma_start3A_80] : memref<10240x128xf32, #tpu.memory_space<vmem_shared>> -> memref<128x128xf32, #tpu.memory_space<vmem_shared>>
      %dma_start3A_82 = arith.constant 0 : i32
      %dma_start3A_83 = arith.constant 0 : i32
      %dma_start3A_84 = tpu.memref_slice %arg19[%run_scoped3A_39, %dma_start3A_82, %dma_start3A_83] : memref<2x128x128xf32, #tpu.memory_space<vmem>> -> memref<1x128x128xf32, #tpu.memory_space<vmem>>
      %dma_start3A_85 = tpu.memref_squeeze %dma_start3A_84 : memref<1x128x128xf32, #tpu.memory_space<vmem>> -> memref<128x128xf32, #tpu.memory_space<vmem>>
      %dma_start3A_86 = arith.constant 0 : i32
      %dma_start3A_87 = arith.constant 0 : i32
      %dma_start3A_88 = tpu.memref_slice %dma_start3A_85[%dma_start3A_86, %dma_start3A_87] : memref<128x128xf32, #tpu.memory_space<vmem>> -> memref<128x128xf32, #tpu.memory_space<vmem>>
      tpu.enqueue_dma source(%dma_start3A_88 : memref<128x128xf32, #tpu.memory_space<vmem>>) target(%dma_start3A_81 : memref<128x128xf32, #tpu.memory_space<vmem_shared>>) target_semaphore(%run_scoped3A_71 : memref<!tpu.dma_semaphore, #tpu.memory_space<semaphore_mem>>)
      %dma_wait3A = arith.constant 0 : i32
      %dma_wait3A_89 = arith.constant 0 : i32
      %dma_wait3A_90 = tpu.memref_slice %arg19[%run_scoped3A_39, %dma_wait3A, %dma_wait3A_89] : memref<2x128x128xf32, #tpu.memory_space<vmem>> -> memref<1x128x128xf32, #tpu.memory_space<vmem>>
      %dma_wait3A_91 = tpu.memref_squeeze %dma_wait3A_90 : memref<1x128x128xf32, #tpu.memory_space<vmem>> -> memref<128x128xf32, #tpu.memory_space<vmem>>
      %dma_wait3A_92 = arith.constant 0 : i32
      %dma_wait3A_93 = arith.constant 0 : i32
      %dma_wait3A_94 = tpu.memref_slice %dma_wait3A_91[%dma_wait3A_92, %dma_wait3A_93] : memref<128x128xf32, #tpu.memory_space<vmem>> -> memref<128x128xf32, #tpu.memory_space<vmem>>
      %dma_wait3A_95 = arith.constant 0 : i32
      %dma_wait3A_96 = tpu.memref_slice %arg16[%add3A_38, %dma_wait3A_95] : memref<10240x128xf32, #tpu.memory_space<vmem_shared>> -> memref<128x128xf32, #tpu.memory_space<vmem_shared>>
      %dma_wait3A_97 = arith.constant 0 : i32
      %dma_wait3A_98 = tpu.memref_slice %arg16[%add3A_38, %dma_wait3A_97] : memref<10240x128xf32, #tpu.memory_space<vmem_shared>> -> memref<128x128xf32, #tpu.memory_space<vmem_shared>>
      %dma_wait3A_99 = arith.constant 0 : i32
      %dma_wait3A_100 = arith.constant 0 : i32
      %dma_wait3A_101 = tpu.memref_slice %arg19[%run_scoped3A_39, %dma_wait3A_99, %dma_wait3A_100] : memref<2x128x128xf32, #tpu.memory_space<vmem>> -> memref<1x128x128xf32, #tpu.memory_space<vmem>>
      %dma_wait3A_102 = tpu.memref_squeeze %dma_wait3A_101 : memref<1x128x128xf32, #tpu.memory_space<vmem>> -> memref<128x128xf32, #tpu.memory_space<vmem>>
      %dma_wait3A_103 = arith.constant 0 : i32
      %dma_wait3A_104 = arith.constant 0 : i32
      %dma_wait3A_105 = tpu.memref_slice %dma_wait3A_102[%dma_wait3A_103, %dma_wait3A_104] : memref<128x128xf32, #tpu.memory_space<vmem>> -> memref<128x128xf32, #tpu.memory_space<vmem>>
      tpu.wait_dma2 semaphore(%run_scoped3A_71 : memref<!tpu.dma_semaphore, #tpu.memory_space<semaphore_mem>>) src(%dma_wait3A_105 : memref<128x128xf32, #tpu.memory_space<vmem>>) dst(%dma_wait3A_98 : memref<128x128xf32, #tpu.memory_space<vmem_shared>>)
      tpu.yield
    }) : () -> ()
    %add3A_40 = arith.constant 256 : i32
    %add3A_41 = arith.addi %mul3A_0, %add3A_40 : i32
    %run_scoped3A_42 = arith.constant 0 : i32
    "tpu.region"() ({
      %run_scoped3A_71 = tpu.sem_alloc : memref<!tpu.dma_semaphore, #tpu.memory_space<semaphore_mem>>
      %dma_start3A = arith.constant 0 : i32
      %dma_start3A_72 = arith.constant 0 : i32
      %dma_start3A_73 = tpu.memref_slice %arg19[%run_scoped3A_42, %dma_start3A, %dma_start3A_72] : memref<2x128x128xf32, #tpu.memory_space<vmem>> -> memref<1x128x128xf32, #tpu.memory_space<vmem>>
      %dma_start3A_74 = tpu.memref_squeeze %dma_start3A_73 : memref<1x128x128xf32, #tpu.memory_space<vmem>> -> memref<128x128xf32, #tpu.memory_space<vmem>>
      %dma_start3A_75 = arith.constant 0 : i32
      %dma_start3A_76 = arith.constant 0 : i32
      %dma_start3A_77 = tpu.memref_slice %dma_start3A_74[%dma_start3A_75, %dma_start3A_76] : memref<128x128xf32, #tpu.memory_space<vmem>> -> memref<128x128xf32, #tpu.memory_space<vmem>>
      %dma_start3A_78 = arith.constant 0 : i32
      %dma_start3A_79 = tpu.memref_slice %arg16[%add3A_41, %dma_start3A_78] : memref<10240x128xf32, #tpu.memory_space<vmem_shared>> -> memref<128x128xf32, #tpu.memory_space<vmem_shared>>
      %dma_start3A_80 = arith.constant 0 : i32
      %dma_start3A_81 = tpu.memref_slice %arg16[%add3A_41, %dma_start3A_80] : memref<10240x128xf32, #tpu.memory_space<vmem_shared>> -> memref<128x128xf32, #tpu.memory_space<vmem_shared>>
      %dma_start3A_82 = arith.constant 0 : i32
      %dma_start3A_83 = arith.constant 0 : i32
      %dma_start3A_84 = tpu.memref_slice %arg19[%run_scoped3A_42, %dma_start3A_82, %dma_start3A_83] : memref<2x128x128xf32, #tpu.memory_space<vmem>> -> memref<1x128x128xf32, #tpu.memory_space<vmem>>
      %dma_start3A_85 = tpu.memref_squeeze %dma_start3A_84 : memref<1x128x128xf32, #tpu.memory_space<vmem>> -> memref<128x128xf32, #tpu.memory_space<vmem>>
      %dma_start3A_86 = arith.constant 0 : i32
      %dma_start3A_87 = arith.constant 0 : i32
      %dma_start3A_88 = tpu.memref_slice %dma_start3A_85[%dma_start3A_86, %dma_start3A_87] : memref<128x128xf32, #tpu.memory_space<vmem>> -> memref<128x128xf32, #tpu.memory_space<vmem>>
      tpu.enqueue_dma source(%dma_start3A_88 : memref<128x128xf32, #tpu.memory_space<vmem>>) target(%dma_start3A_81 : memref<128x128xf32, #tpu.memory_space<vmem_shared>>) target_semaphore(%run_scoped3A_71 : memref<!tpu.dma_semaphore, #tpu.memory_space<semaphore_mem>>)
      %dma_wait3A = arith.constant 0 : i32
      %dma_wait3A_89 = arith.constant 0 : i32
      %dma_wait3A_90 = tpu.memref_slice %arg19[%run_scoped3A_42, %dma_wait3A, %dma_wait3A_89] : memref<2x128x128xf32, #tpu.memory_space<vmem>> -> memref<1x128x128xf32, #tpu.memory_space<vmem>>
      %dma_wait3A_91 = tpu.memref_squeeze %dma_wait3A_90 : memref<1x128x128xf32, #tpu.memory_space<vmem>> -> memref<128x128xf32, #tpu.memory_space<vmem>>
      %dma_wait3A_92 = arith.constant 0 : i32
      %dma_wait3A_93 = arith.constant 0 : i32
      %dma_wait3A_94 = tpu.memref_slice %dma_wait3A_91[%dma_wait3A_92, %dma_wait3A_93] : memref<128x128xf32, #tpu.memory_space<vmem>> -> memref<128x128xf32, #tpu.memory_space<vmem>>
      %dma_wait3A_95 = arith.constant 0 : i32
      %dma_wait3A_96 = tpu.memref_slice %arg16[%add3A_41, %dma_wait3A_95] : memref<10240x128xf32, #tpu.memory_space<vmem_shared>> -> memref<128x128xf32, #tpu.memory_space<vmem_shared>>
      %dma_wait3A_97 = arith.constant 0 : i32
      %dma_wait3A_98 = tpu.memref_slice %arg16[%add3A_41, %dma_wait3A_97] : memref<10240x128xf32, #tpu.memory_space<vmem_shared>> -> memref<128x128xf32, #tpu.memory_space<vmem_shared>>
      %dma_wait3A_99 = arith.constant 0 : i32
      %dma_wait3A_100 = arith.constant 0 : i32
      %dma_wait3A_101 = tpu.memref_slice %arg19[%run_scoped3A_42, %dma_wait3A_99, %dma_wait3A_100] : memref<2x128x128xf32, #tpu.memory_space<vmem>> -> memref<1x128x128xf32, #tpu.memory_space<vmem>>
      %dma_wait3A_102 = tpu.memref_squeeze %dma_wait3A_101 : memref<1x128x128xf32, #tpu.memory_space<vmem>> -> memref<128x128xf32, #tpu.memory_space<vmem>>
      %dma_wait3A_103 = arith.constant 0 : i32
      %dma_wait3A_104 = arith.constant 0 : i32
      %dma_wait3A_105 = tpu.memref_slice %dma_wait3A_102[%dma_wait3A_103, %dma_wait3A_104] : memref<128x128xf32, #tpu.memory_space<vmem>> -> memref<128x128xf32, #tpu.memory_space<vmem>>
      tpu.wait_dma2 semaphore(%run_scoped3A_71 : memref<!tpu.dma_semaphore, #tpu.memory_space<semaphore_mem>>) src(%dma_wait3A_105 : memref<128x128xf32, #tpu.memory_space<vmem>>) dst(%dma_wait3A_98 : memref<128x128xf32, #tpu.memory_space<vmem_shared>>)
      tpu.yield
    }) : () -> ()
    %add3A_43 = arith.constant 384 : i32
    %add3A_44 = arith.addi %mul3A_0, %add3A_43 : i32
    %run_scoped3A_45 = arith.constant 0 : i32
    "tpu.region"() ({
      %run_scoped3A_71 = tpu.sem_alloc : memref<!tpu.dma_semaphore, #tpu.memory_space<semaphore_mem>>
      %dma_start3A = arith.constant 0 : i32
      %dma_start3A_72 = arith.constant 0 : i32
      %dma_start3A_73 = tpu.memref_slice %arg19[%run_scoped3A_45, %dma_start3A, %dma_start3A_72] : memref<2x128x128xf32, #tpu.memory_space<vmem>> -> memref<1x128x128xf32, #tpu.memory_space<vmem>>
      %dma_start3A_74 = tpu.memref_squeeze %dma_start3A_73 : memref<1x128x128xf32, #tpu.memory_space<vmem>> -> memref<128x128xf32, #tpu.memory_space<vmem>>
      %dma_start3A_75 = arith.constant 0 : i32
      %dma_start3A_76 = arith.constant 0 : i32
      %dma_start3A_77 = tpu.memref_slice %dma_start3A_74[%dma_start3A_75, %dma_start3A_76] : memref<128x128xf32, #tpu.memory_space<vmem>> -> memref<128x128xf32, #tpu.memory_space<vmem>>
      %dma_start3A_78 = arith.constant 0 : i32
      %dma_start3A_79 = tpu.memref_slice %arg16[%add3A_44, %dma_start3A_78] : memref<10240x128xf32, #tpu.memory_space<vmem_shared>> -> memref<128x128xf32, #tpu.memory_space<vmem_shared>>
      %dma_start3A_80 = arith.constant 0 : i32
      %dma_start3A_81 = tpu.memref_slice %arg16[%add3A_44, %dma_start3A_80] : memref<10240x128xf32, #tpu.memory_space<vmem_shared>> -> memref<128x128xf32, #tpu.memory_space<vmem_shared>>
      %dma_start3A_82 = arith.constant 0 : i32
      %dma_start3A_83 = arith.constant 0 : i32
      %dma_start3A_84 = tpu.memref_slice %arg19[%run_scoped3A_45, %dma_start3A_82, %dma_start3A_83] : memref<2x128x128xf32, #tpu.memory_space<vmem>> -> memref<1x128x128xf32, #tpu.memory_space<vmem>>
      %dma_start3A_85 = tpu.memref_squeeze %dma_start3A_84 : memref<1x128x128xf32, #tpu.memory_space<vmem>> -> memref<128x128xf32, #tpu.memory_space<vmem>>
      %dma_start3A_86 = arith.constant 0 : i32
      %dma_start3A_87 = arith.constant 0 : i32
      %dma_start3A_88 = tpu.memref_slice %dma_start3A_85[%dma_start3A_86, %dma_start3A_87] : memref<128x128xf32, #tpu.memory_space<vmem>> -> memref<128x128xf32, #tpu.memory_space<vmem>>
      tpu.enqueue_dma source(%dma_start3A_88 : memref<128x128xf32, #tpu.memory_space<vmem>>) target(%dma_start3A_81 : memref<128x128xf32, #tpu.memory_space<vmem_shared>>) target_semaphore(%run_scoped3A_71 : memref<!tpu.dma_semaphore, #tpu.memory_space<semaphore_mem>>)
      %dma_wait3A = arith.constant 0 : i32
      %dma_wait3A_89 = arith.constant 0 : i32
      %dma_wait3A_90 = tpu.memref_slice %arg19[%run_scoped3A_45, %dma_wait3A, %dma_wait3A_89] : memref<2x128x128xf32, #tpu.memory_space<vmem>> -> memref<1x128x128xf32, #tpu.memory_space<vmem>>
      %dma_wait3A_91 = tpu.memref_squeeze %dma_wait3A_90 : memref<1x128x128xf32, #tpu.memory_space<vmem>> -> memref<128x128xf32, #tpu.memory_space<vmem>>
      %dma_wait3A_92 = arith.constant 0 : i32
      %dma_wait3A_93 = arith.constant 0 : i32
      %dma_wait3A_94 = tpu.memref_slice %dma_wait3A_91[%dma_wait3A_92, %dma_wait3A_93] : memref<128x128xf32, #tpu.memory_space<vmem>> -> memref<128x128xf32, #tpu.memory_space<vmem>>
      %dma_wait3A_95 = arith.constant 0 : i32
      %dma_wait3A_96 = tpu.memref_slice %arg16[%add3A_44, %dma_wait3A_95] : memref<10240x128xf32, #tpu.memory_space<vmem_shared>> -> memref<128x128xf32, #tpu.memory_space<vmem_shared>>
      %dma_wait3A_97 = arith.constant 0 : i32
      %dma_wait3A_98 = tpu.memref_slice %arg16[%add3A_44, %dma_wait3A_97] : memref<10240x128xf32, #tpu.memory_space<vmem_shared>> -> memref<128x128xf32, #tpu.memory_space<vmem_shared>>
      %dma_wait3A_99 = arith.constant 0 : i32
      %dma_wait3A_100 = arith.constant 0 : i32
      %dma_wait3A_101 = tpu.memref_slice %arg19[%run_scoped3A_45, %dma_wait3A_99, %dma_wait3A_100] : memref<2x128x128xf32, #tpu.memory_space<vmem>> -> memref<1x128x128xf32, #tpu.memory_space<vmem>>
      %dma_wait3A_102 = tpu.memref_squeeze %dma_wait3A_101 : memref<1x128x128xf32, #tpu.memory_space<vmem>> -> memref<128x128xf32, #tpu.memory_space<vmem>>
      %dma_wait3A_103 = arith.constant 0 : i32
      %dma_wait3A_104 = arith.constant 0 : i32
      %dma_wait3A_105 = tpu.memref_slice %dma_wait3A_102[%dma_wait3A_103, %dma_wait3A_104] : memref<128x128xf32, #tpu.memory_space<vmem>> -> memref<128x128xf32, #tpu.memory_space<vmem>>
      tpu.wait_dma2 semaphore(%run_scoped3A_71 : memref<!tpu.dma_semaphore, #tpu.memory_space<semaphore_mem>>) src(%dma_wait3A_105 : memref<128x128xf32, #tpu.memory_space<vmem>>) dst(%dma_wait3A_98 : memref<128x128xf32, #tpu.memory_space<vmem_shared>>)
      tpu.yield
    }) : () -> ()
    %add3A_46 = arith.constant 512 : i32
    %add3A_47 = arith.addi %mul3A_0, %add3A_46 : i32
    %run_scoped3A_48 = arith.constant 0 : i32
    "tpu.region"() ({
      %run_scoped3A_71 = tpu.sem_alloc : memref<!tpu.dma_semaphore, #tpu.memory_space<semaphore_mem>>
      %dma_start3A = arith.constant 0 : i32
      %dma_start3A_72 = arith.constant 0 : i32
      %dma_start3A_73 = tpu.memref_slice %arg19[%run_scoped3A_48, %dma_start3A, %dma_start3A_72] : memref<2x128x128xf32, #tpu.memory_space<vmem>> -> memref<1x128x128xf32, #tpu.memory_space<vmem>>
      %dma_start3A_74 = tpu.memref_squeeze %dma_start3A_73 : memref<1x128x128xf32, #tpu.memory_space<vmem>> -> memref<128x128xf32, #tpu.memory_space<vmem>>
      %dma_start3A_75 = arith.constant 0 : i32
      %dma_start3A_76 = arith.constant 0 : i32
      %dma_start3A_77 = tpu.memref_slice %dma_start3A_74[%dma_start3A_75, %dma_start3A_76] : memref<128x128xf32, #tpu.memory_space<vmem>> -> memref<128x128xf32, #tpu.memory_space<vmem>>
      %dma_start3A_78 = arith.constant 0 : i32
      %dma_start3A_79 = tpu.memref_slice %arg16[%add3A_47, %dma_start3A_78] : memref<10240x128xf32, #tpu.memory_space<vmem_shared>> -> memref<128x128xf32, #tpu.memory_space<vmem_shared>>
      %dma_start3A_80 = arith.constant 0 : i32
      %dma_start3A_81 = tpu.memref_slice %arg16[%add3A_47, %dma_start3A_80] : memref<10240x128xf32, #tpu.memory_space<vmem_shared>> -> memref<128x128xf32, #tpu.memory_space<vmem_shared>>
      %dma_start3A_82 = arith.constant 0 : i32
      %dma_start3A_83 = arith.constant 0 : i32
      %dma_start3A_84 = tpu.memref_slice %arg19[%run_scoped3A_48, %dma_start3A_82, %dma_start3A_83] : memref<2x128x128xf32, #tpu.memory_space<vmem>> -> memref<1x128x128xf32, #tpu.memory_space<vmem>>
      %dma_start3A_85 = tpu.memref_squeeze %dma_start3A_84 : memref<1x128x128xf32, #tpu.memory_space<vmem>> -> memref<128x128xf32, #tpu.memory_space<vmem>>
      %dma_start3A_86 = arith.constant 0 : i32
      %dma_start3A_87 = arith.constant 0 : i32
      %dma_start3A_88 = tpu.memref_slice %dma_start3A_85[%dma_start3A_86, %dma_start3A_87] : memref<128x128xf32, #tpu.memory_space<vmem>> -> memref<128x128xf32, #tpu.memory_space<vmem>>
      tpu.enqueue_dma source(%dma_start3A_88 : memref<128x128xf32, #tpu.memory_space<vmem>>) target(%dma_start3A_81 : memref<128x128xf32, #tpu.memory_space<vmem_shared>>) target_semaphore(%run_scoped3A_71 : memref<!tpu.dma_semaphore, #tpu.memory_space<semaphore_mem>>)
      %dma_wait3A = arith.constant 0 : i32
      %dma_wait3A_89 = arith.constant 0 : i32
      %dma_wait3A_90 = tpu.memref_slice %arg19[%run_scoped3A_48, %dma_wait3A, %dma_wait3A_89] : memref<2x128x128xf32, #tpu.memory_space<vmem>> -> memref<1x128x128xf32, #tpu.memory_space<vmem>>
      %dma_wait3A_91 = tpu.memref_squeeze %dma_wait3A_90 : memref<1x128x128xf32, #tpu.memory_space<vmem>> -> memref<128x128xf32, #tpu.memory_space<vmem>>
      %dma_wait3A_92 = arith.constant 0 : i32
      %dma_wait3A_93 = arith.constant 0 : i32
      %dma_wait3A_94 = tpu.memref_slice %dma_wait3A_91[%dma_wait3A_92, %dma_wait3A_93] : memref<128x128xf32, #tpu.memory_space<vmem>> -> memref<128x128xf32, #tpu.memory_space<vmem>>
      %dma_wait3A_95 = arith.constant 0 : i32
      %dma_wait3A_96 = tpu.memref_slice %arg16[%add3A_47, %dma_wait3A_95] : memref<10240x128xf32, #tpu.memory_space<vmem_shared>> -> memref<128x128xf32, #tpu.memory_space<vmem_shared>>
      %dma_wait3A_97 = arith.constant 0 : i32
      %dma_wait3A_98 = tpu.memref_slice %arg16[%add3A_47, %dma_wait3A_97] : memref<10240x128xf32, #tpu.memory_space<vmem_shared>> -> memref<128x128xf32, #tpu.memory_space<vmem_shared>>
      %dma_wait3A_99 = arith.constant 0 : i32
      %dma_wait3A_100 = arith.constant 0 : i32
      %dma_wait3A_101 = tpu.memref_slice %arg19[%run_scoped3A_48, %dma_wait3A_99, %dma_wait3A_100] : memref<2x128x128xf32, #tpu.memory_space<vmem>> -> memref<1x128x128xf32, #tpu.memory_space<vmem>>
      %dma_wait3A_102 = tpu.memref_squeeze %dma_wait3A_101 : memref<1x128x128xf32, #tpu.memory_space<vmem>> -> memref<128x128xf32, #tpu.memory_space<vmem>>
      %dma_wait3A_103 = arith.constant 0 : i32
      %dma_wait3A_104 = arith.constant 0 : i32
      %dma_wait3A_105 = tpu.memref_slice %dma_wait3A_102[%dma_wait3A_103, %dma_wait3A_104] : memref<128x128xf32, #tpu.memory_space<vmem>> -> memref<128x128xf32, #tpu.memory_space<vmem>>
      tpu.wait_dma2 semaphore(%run_scoped3A_71 : memref<!tpu.dma_semaphore, #tpu.memory_space<semaphore_mem>>) src(%dma_wait3A_105 : memref<128x128xf32, #tpu.memory_space<vmem>>) dst(%dma_wait3A_98 : memref<128x128xf32, #tpu.memory_space<vmem_shared>>)
      tpu.yield
    }) : () -> ()
    %barrier3A_49 = arith.constant 0 : index
    tpu.barrier barrier_id(%barrier3A_49)
    %eq3A_50 = arith.constant 0 : i32
    %eq3A_51 = arith.cmpi eq, %arg0, %eq3A_50 : i32
    %convert_element_type3A_52 = arith.extui %eq3A_51 : i1 to i32
    %cond3A_53 = arith.constant 0 : i32
    %cond3A_54 = arith.cmpi ne, %convert_element_type3A_52, %cond3A_53 : i32
    scf.if %cond3A_54 {
      %scan3A = arith.constant 0 : i32
      %scan3A_71 = arith.constant 7 : i32
      %scan3A_72 = arith.addi %scan3A, %scan3A_71 : i32
      %scan3A_73 = arith.constant 1 : i32
      scf.for %scan3A_75 = %scan3A to %scan3A_72 step %scan3A_73  : i32 {
        %mul3A_76 = arith.constant 8 : i32
        %mul3A_77 = arith.muli %scan3A_75, %mul3A_76 : i32
        %add3A_78 = arith.constant 0 : i32
        %add3A_79 = arith.addi %add3A_78, %mul3A_77 : i32
        %add3A_80 = arith.constant 0 : i32
        %add3A_81 = arith.addi %add3A_80, %add3A_79 : i32
        "tpu.region"() ({
          %run_scoped3A_100 = tpu.sem_alloc : memref<!tpu.dma_semaphore, #tpu.memory_space<semaphore_mem>>
          %dma_start3A_101 = arith.constant 0 : i32
          %dma_start3A_102 = arith.constant 0 : i32
          %dma_start3A_103 = tpu.memref_slice %arg17[%dma_start3A_101, %dma_start3A_102] : memref<32x128xi32, #tpu.memory_space<vmem>> -> memref<8x128xi32, #tpu.memory_space<vmem>>
          %dma_start3A_104 = arith.constant 0 : i32
          %dma_start3A_105 = tpu.memref_slice %arg9[%arg1, %add3A_81, %dma_start3A_104] : memref<16x80x128xi32, #tpu.memory_space<hbm>> -> memref<1x8x128xi32, #tpu.memory_space<hbm>>
          %dma_start3A_106 = tpu.memref_squeeze %dma_start3A_105 : memref<1x8x128xi32, #tpu.memory_space<hbm>> -> memref<8x128xi32, #tpu.memory_space<hbm>>
          %dma_start3A_107 = arith.constant 0 : i32
          %dma_start3A_108 = arith.constant 0 : i32
          %dma_start3A_109 = tpu.memref_slice %arg17[%dma_start3A_107, %dma_start3A_108] : memref<32x128xi32, #tpu.memory_space<vmem>> -> memref<8x128xi32, #tpu.memory_space<vmem>>
          %dma_start3A_110 = arith.constant 0 : i32
          %dma_start3A_111 = tpu.memref_slice %arg9[%arg1, %add3A_81, %dma_start3A_110] : memref<16x80x128xi32, #tpu.memory_space<hbm>> -> memref<1x8x128xi32, #tpu.memory_space<hbm>>
          %dma_start3A_112 = tpu.memref_squeeze %dma_start3A_111 : memref<1x8x128xi32, #tpu.memory_space<hbm>> -> memref<8x128xi32, #tpu.memory_space<hbm>>
          tpu.enqueue_dma source(%dma_start3A_112 : memref<8x128xi32, #tpu.memory_space<hbm>>) target(%dma_start3A_109 : memref<8x128xi32, #tpu.memory_space<vmem>>) target_semaphore(%run_scoped3A_100 : memref<!tpu.dma_semaphore, #tpu.memory_space<semaphore_mem>>)
          %dma_wait3A = arith.constant 0 : i32
          %dma_wait3A_113 = arith.constant 0 : i32
          %dma_wait3A_114 = tpu.memref_slice %arg17[%dma_wait3A, %dma_wait3A_113] : memref<32x128xi32, #tpu.memory_space<vmem>> -> memref<8x128xi32, #tpu.memory_space<vmem>>
          %dma_wait3A_115 = arith.constant 0 : i32
          %dma_wait3A_116 = tpu.memref_slice %arg9[%arg1, %add3A_81, %dma_wait3A_115] : memref<16x80x128xi32, #tpu.memory_space<hbm>> -> memref<1x8x128xi32, #tpu.memory_space<hbm>>
          %dma_wait3A_117 = tpu.memref_squeeze %dma_wait3A_116 : memref<1x8x128xi32, #tpu.memory_space<hbm>> -> memref<8x128xi32, #tpu.memory_space<hbm>>
          %dma_wait3A_118 = arith.constant 0 : i32
          %dma_wait3A_119 = arith.constant 0 : i32
          %dma_wait3A_120 = tpu.memref_slice %arg17[%dma_wait3A_118, %dma_wait3A_119] : memref<32x128xi32, #tpu.memory_space<vmem>> -> memref<8x128xi32, #tpu.memory_space<vmem>>
          %dma_wait3A_121 = arith.constant 0 : i32
          %dma_wait3A_122 = tpu.memref_slice %arg9[%arg1, %add3A_81, %dma_wait3A_121] : memref<16x80x128xi32, #tpu.memory_space<hbm>> -> memref<1x8x128xi32, #tpu.memory_space<hbm>>
          %dma_wait3A_123 = tpu.memref_squeeze %dma_wait3A_122 : memref<1x8x128xi32, #tpu.memory_space<hbm>> -> memref<8x128xi32, #tpu.memory_space<hbm>>
          tpu.wait_dma2 semaphore(%run_scoped3A_100 : memref<!tpu.dma_semaphore, #tpu.memory_space<semaphore_mem>>) src(%dma_wait3A_123 : memref<8x128xi32, #tpu.memory_space<hbm>>) dst(%dma_wait3A_120 : memref<8x128xi32, #tpu.memory_space<vmem>>)
          tpu.yield
        }) : () -> ()
        %add3A_82 = arith.constant 0 : i32
        %add3A_83 = arith.addi %add3A_82, %add3A_79 : i32
        "tpu.region"() ({
          %run_scoped3A_100 = tpu.sem_alloc : memref<!tpu.dma_semaphore, #tpu.memory_space<semaphore_mem>>
          %dma_start3A_101 = arith.constant 0 : i32
          %dma_start3A_102 = arith.constant 0 : i32
          %dma_start3A_103 = tpu.memref_slice %arg18[%dma_start3A_101, %dma_start3A_102] : memref<32x128xi32, #tpu.memory_space<vmem>> -> memref<8x128xi32, #tpu.memory_space<vmem>>
          %dma_start3A_104 = arith.constant 0 : i32
          %dma_start3A_105 = tpu.memref_slice %arg10[%arg1, %add3A_83, %dma_start3A_104] : memref<16x80x128xi32, #tpu.memory_space<hbm>> -> memref<1x8x128xi32, #tpu.memory_space<hbm>>
          %dma_start3A_106 = tpu.memref_squeeze %dma_start3A_105 : memref<1x8x128xi32, #tpu.memory_space<hbm>> -> memref<8x128xi32, #tpu.memory_space<hbm>>
          %dma_start3A_107 = arith.constant 0 : i32
          %dma_start3A_108 = arith.constant 0 : i32
          %dma_start3A_109 = tpu.memref_slice %arg18[%dma_start3A_107, %dma_start3A_108] : memref<32x128xi32, #tpu.memory_space<vmem>> -> memref<8x128xi32, #tpu.memory_space<vmem>>
          %dma_start3A_110 = arith.constant 0 : i32
          %dma_start3A_111 = tpu.memref_slice %arg10[%arg1, %add3A_83, %dma_start3A_110] : memref<16x80x128xi32, #tpu.memory_space<hbm>> -> memref<1x8x128xi32, #tpu.memory_space<hbm>>
          %dma_start3A_112 = tpu.memref_squeeze %dma_start3A_111 : memref<1x8x128xi32, #tpu.memory_space<hbm>> -> memref<8x128xi32, #tpu.memory_space<hbm>>
          tpu.enqueue_dma source(%dma_start3A_112 : memref<8x128xi32, #tpu.memory_space<hbm>>) target(%dma_start3A_109 : memref<8x128xi32, #tpu.memory_space<vmem>>) target_semaphore(%run_scoped3A_100 : memref<!tpu.dma_semaphore, #tpu.memory_space<semaphore_mem>>)
          %dma_wait3A = arith.constant 0 : i32
          %dma_wait3A_113 = arith.constant 0 : i32
          %dma_wait3A_114 = tpu.memref_slice %arg18[%dma_wait3A, %dma_wait3A_113] : memref<32x128xi32, #tpu.memory_space<vmem>> -> memref<8x128xi32, #tpu.memory_space<vmem>>
          %dma_wait3A_115 = arith.constant 0 : i32
          %dma_wait3A_116 = tpu.memref_slice %arg10[%arg1, %add3A_83, %dma_wait3A_115] : memref<16x80x128xi32, #tpu.memory_space<hbm>> -> memref<1x8x128xi32, #tpu.memory_space<hbm>>
          %dma_wait3A_117 = tpu.memref_squeeze %dma_wait3A_116 : memref<1x8x128xi32, #tpu.memory_space<hbm>> -> memref<8x128xi32, #tpu.memory_space<hbm>>
          %dma_wait3A_118 = arith.constant 0 : i32
          %dma_wait3A_119 = arith.constant 0 : i32
          %dma_wait3A_120 = tpu.memref_slice %arg18[%dma_wait3A_118, %dma_wait3A_119] : memref<32x128xi32, #tpu.memory_space<vmem>> -> memref<8x128xi32, #tpu.memory_space<vmem>>
          %dma_wait3A_121 = arith.constant 0 : i32
          %dma_wait3A_122 = tpu.memref_slice %arg10[%arg1, %add3A_83, %dma_wait3A_121] : memref<16x80x128xi32, #tpu.memory_space<hbm>> -> memref<1x8x128xi32, #tpu.memory_space<hbm>>
          %dma_wait3A_123 = tpu.memref_squeeze %dma_wait3A_122 : memref<1x8x128xi32, #tpu.memory_space<hbm>> -> memref<8x128xi32, #tpu.memory_space<hbm>>
          tpu.wait_dma2 semaphore(%run_scoped3A_100 : memref<!tpu.dma_semaphore, #tpu.memory_space<semaphore_mem>>) src(%dma_wait3A_123 : memref<8x128xi32, #tpu.memory_space<hbm>>) dst(%dma_wait3A_120 : memref<8x128xi32, #tpu.memory_space<vmem>>)
          tpu.yield
        }) : () -> ()
        %dma_start3A = arith.constant 0 : i32
        %dma_start3A_84 = arith.constant 0 : i32
        %dma_start3A_85 = arith.constant 0 : i32
        %dma_start3A_86 = arith.constant 0 : i32
        %dma_start3A_87 = tpu.memref_slice %arg19[%dma_start3A_84, %dma_start3A_85, %dma_start3A_86] : memref<2x128x128xf32, #tpu.memory_space<vmem>> -> memref<1x128x128xf32, #tpu.memory_space<vmem>>
        %dma_start3A_88 = tpu.memref_squeeze %dma_start3A_87 : memref<1x128x128xf32, #tpu.memory_space<vmem>> -> memref<128x128xf32, #tpu.memory_space<vmem>>
        %dma_start3A_89 = arith.constant 0 : i32
        %dma_start3A_90 = tpu.memref_slice %arg17[%dma_start3A, %dma_start3A_89] : memref<32x128xi32, #tpu.memory_space<vmem>> -> memref<1x128xi32, #tpu.memory_space<vmem>>
        %dma_start3A_91 = tpu.memref_squeeze %dma_start3A_90 : memref<1x128xi32, #tpu.memory_space<vmem>> -> memref<128xi32, #tpu.memory_space<vmem>>
        %dma_start3A_92 = arith.constant 0 : i32
        %dma_start3A_93 = arith.constant 0 : i32
        %dma_start3A_94 = tpu.memref_slice %arg4[%dma_start3A_92, %dma_start3A_93] : memref<10000x128xf32, #tpu.memory_space<hbm>> -> memref<10000x128xf32, #tpu.memory_space<hbm>>
        tpu.enqueue_indirect_dma source(%dma_start3A_94 : memref<10000x128xf32, #tpu.memory_space<hbm>>) target(%dma_start3A_88 : memref<128x128xf32, #tpu.memory_space<vmem>>) offsets(%dma_start3A_91 : memref<128xi32, #tpu.memory_space<vmem>>) semaphore(%arg20 : memref<!tpu.dma_semaphore, #tpu.memory_space<semaphore_mem>>)
        %scan3A_95 = arith.constant 0 : i32
        %scan3A_96 = arith.constant 4 : i32
        %scan3A_97 = arith.addi %scan3A_95, %scan3A_96 : i32
        %scan3A_98 = arith.constant 1 : i32
        scf.for %scan3A_100 = %scan3A_95 to %scan3A_97 step %scan3A_98  : i32 {
          %mul3A_101 = arith.constant 2 : i32
          %mul3A_102 = arith.muli %scan3A_100, %mul3A_101 : i32
          %add3A_103 = arith.constant 0 : i32
          %add3A_104 = arith.addi %add3A_103, %mul3A_102 : i32
          %dma_wait3A = arith.constant 0 : i32
          %dma_wait3A_105 = arith.constant 0 : i32
          %dma_wait3A_106 = arith.constant 0 : i32
          %dma_wait3A_107 = tpu.memref_slice %arg19[%dma_wait3A, %dma_wait3A_105, %dma_wait3A_106] : memref<2x128x128xf32, #tpu.memory_space<vmem>> -> memref<1x128x128xf32, #tpu.memory_space<vmem>>
          %dma_wait3A_108 = tpu.memref_squeeze %dma_wait3A_107 : memref<1x128x128xf32, #tpu.memory_space<vmem>> -> memref<128x128xf32, #tpu.memory_space<vmem>>
          %dma_wait3A_109 = arith.constant 0 : i32
          %dma_wait3A_110 = tpu.memref_slice %arg17[%add3A_104, %dma_wait3A_109] : memref<32x128xi32, #tpu.memory_space<vmem>> -> memref<1x128xi32, #tpu.memory_space<vmem>>
          %dma_wait3A_111 = tpu.memref_squeeze %dma_wait3A_110 : memref<1x128xi32, #tpu.memory_space<vmem>> -> memref<128xi32, #tpu.memory_space<vmem>>
          %dma_wait3A_112 = arith.constant 0 : i32
          %dma_wait3A_113 = arith.constant 0 : i32
          %dma_wait3A_114 = tpu.memref_slice %arg4[%dma_wait3A_112, %dma_wait3A_113] : memref<10000x128xf32, #tpu.memory_space<hbm>> -> memref<10000x128xf32, #tpu.memory_space<hbm>>
          tpu.wait_indirect_dma semaphore(%arg20 : memref<!tpu.dma_semaphore, #tpu.memory_space<semaphore_mem>>) src(%dma_wait3A_114 : memref<10000x128xf32, #tpu.memory_space<hbm>>) dst(%dma_wait3A_108 : memref<128x128xf32, #tpu.memory_space<vmem>>)
          %add3A_115 = arith.constant 1 : i32
          %add3A_116 = arith.addi %add3A_104, %add3A_115 : i32
          %dma_start3A_117 = arith.constant 1 : i32
          %dma_start3A_118 = arith.constant 0 : i32
          %dma_start3A_119 = arith.constant 0 : i32
          %dma_start3A_120 = tpu.memref_slice %arg19[%dma_start3A_117, %dma_start3A_118, %dma_start3A_119] : memref<2x128x128xf32, #tpu.memory_space<vmem>> -> memref<1x128x128xf32, #tpu.memory_space<vmem>>
          %dma_start3A_121 = tpu.memref_squeeze %dma_start3A_120 : memref<1x128x128xf32, #tpu.memory_space<vmem>> -> memref<128x128xf32, #tpu.memory_space<vmem>>
          %dma_start3A_122 = arith.constant 0 : i32
          %dma_start3A_123 = tpu.memref_slice %arg17[%add3A_116, %dma_start3A_122] : memref<32x128xi32, #tpu.memory_space<vmem>> -> memref<1x128xi32, #tpu.memory_space<vmem>>
          %dma_start3A_124 = tpu.memref_squeeze %dma_start3A_123 : memref<1x128xi32, #tpu.memory_space<vmem>> -> memref<128xi32, #tpu.memory_space<vmem>>
          %dma_start3A_125 = arith.constant 0 : i32
          %dma_start3A_126 = arith.constant 0 : i32
          %dma_start3A_127 = tpu.memref_slice %arg4[%dma_start3A_125, %dma_start3A_126] : memref<10000x128xf32, #tpu.memory_space<hbm>> -> memref<10000x128xf32, #tpu.memory_space<hbm>>
          tpu.enqueue_indirect_dma source(%dma_start3A_127 : memref<10000x128xf32, #tpu.memory_space<hbm>>) target(%dma_start3A_121 : memref<128x128xf32, #tpu.memory_space<vmem>>) offsets(%dma_start3A_124 : memref<128xi32, #tpu.memory_space<vmem>>) semaphore(%arg22 : memref<!tpu.dma_semaphore, #tpu.memory_space<semaphore_mem>>)
          %run_scoped3A_128 = arith.constant 0 : i32
          "tpu.region"() ({
            %run_scoped3A_151 = tpu.sem_alloc : memref<!tpu.dma_semaphore, #tpu.memory_space<semaphore_mem>>
            %dma_start3A_152 = arith.constant 0 : i32
            %dma_start3A_153 = arith.constant 0 : i32
            %dma_start3A_154 = tpu.memref_slice %arg19[%run_scoped3A_128, %dma_start3A_152, %dma_start3A_153] : memref<2x128x128xf32, #tpu.memory_space<vmem>> -> memref<1x128x128xf32, #tpu.memory_space<vmem>>
            %dma_start3A_155 = tpu.memref_squeeze %dma_start3A_154 : memref<1x128x128xf32, #tpu.memory_space<vmem>> -> memref<128x128xf32, #tpu.memory_space<vmem>>
            %dma_start3A_156 = arith.constant 0 : i32
            %dma_start3A_157 = tpu.memref_slice %arg18[%add3A_104, %dma_start3A_156] : memref<32x128xi32, #tpu.memory_space<vmem>> -> memref<1x128xi32, #tpu.memory_space<vmem>>
            %dma_start3A_158 = tpu.memref_squeeze %dma_start3A_157 : memref<1x128xi32, #tpu.memory_space<vmem>> -> memref<128xi32, #tpu.memory_space<vmem>>
            %dma_start3A_159 = arith.constant 0 : i32
            %dma_start3A_160 = arith.constant 0 : i32
            %dma_start3A_161 = tpu.memref_slice %arg16[%dma_start3A_159, %dma_start3A_160] : memref<10240x128xf32, #tpu.memory_space<vmem_shared>> -> memref<10240x128xf32, #tpu.memory_space<vmem_shared>>
            tpu.enqueue_indirect_dma source(%dma_start3A_155 : memref<128x128xf32, #tpu.memory_space<vmem>>) target(%dma_start3A_161 : memref<10240x128xf32, #tpu.memory_space<vmem_shared>>) offsets(%dma_start3A_158 : memref<128xi32, #tpu.memory_space<vmem>>) semaphore(%run_scoped3A_151 : memref<!tpu.dma_semaphore, #tpu.memory_space<semaphore_mem>>) {add = true}
            %dma_wait3A_162 = arith.constant 0 : i32
            %dma_wait3A_163 = arith.constant 0 : i32
            %dma_wait3A_164 = tpu.memref_slice %arg19[%run_scoped3A_128, %dma_wait3A_162, %dma_wait3A_163] : memref<2x128x128xf32, #tpu.memory_space<vmem>> -> memref<1x128x128xf32, #tpu.memory_space<vmem>>
            %dma_wait3A_165 = tpu.memref_squeeze %dma_wait3A_164 : memref<1x128x128xf32, #tpu.memory_space<vmem>> -> memref<128x128xf32, #tpu.memory_space<vmem>>
            %dma_wait3A_166 = arith.constant 0 : i32
            %dma_wait3A_167 = tpu.memref_slice %arg18[%add3A_104, %dma_wait3A_166] : memref<32x128xi32, #tpu.memory_space<vmem>> -> memref<1x128xi32, #tpu.memory_space<vmem>>
            %dma_wait3A_168 = tpu.memref_squeeze %dma_wait3A_167 : memref<1x128xi32, #tpu.memory_space<vmem>> -> memref<128xi32, #tpu.memory_space<vmem>>
            %dma_wait3A_169 = arith.constant 0 : i32
            %dma_wait3A_170 = arith.constant 0 : i32
            %dma_wait3A_171 = tpu.memref_slice %arg16[%dma_wait3A_169, %dma_wait3A_170] : memref<10240x128xf32, #tpu.memory_space<vmem_shared>> -> memref<10240x128xf32, #tpu.memory_space<vmem_shared>>
            tpu.wait_indirect_dma semaphore(%run_scoped3A_151 : memref<!tpu.dma_semaphore, #tpu.memory_space<semaphore_mem>>) src(%dma_wait3A_165 : memref<128x128xf32, #tpu.memory_space<vmem>>) dst(%dma_wait3A_171 : memref<10240x128xf32, #tpu.memory_space<vmem_shared>>)
            tpu.yield
          }) : () -> ()
          %add3A_129 = arith.constant 1 : i32
          %add3A_130 = arith.addi %add3A_104, %add3A_129 : i32
          %dma_wait3A_131 = arith.constant 1 : i32
          %dma_wait3A_132 = arith.constant 0 : i32
          %dma_wait3A_133 = arith.constant 0 : i32
          %dma_wait3A_134 = tpu.memref_slice %arg19[%dma_wait3A_131, %dma_wait3A_132, %dma_wait3A_133] : memref<2x128x128xf32, #tpu.memory_space<vmem>> -> memref<1x128x128xf32, #tpu.memory_space<vmem>>
          %dma_wait3A_135 = tpu.memref_squeeze %dma_wait3A_134 : memref<1x128x128xf32, #tpu.memory_space<vmem>> -> memref<128x128xf32, #tpu.memory_space<vmem>>
          %dma_wait3A_136 = arith.constant 0 : i32
          %dma_wait3A_137 = tpu.memref_slice %arg17[%add3A_130, %dma_wait3A_136] : memref<32x128xi32, #tpu.memory_space<vmem>> -> memref<1x128xi32, #tpu.memory_space<vmem>>
          %dma_wait3A_138 = tpu.memref_squeeze %dma_wait3A_137 : memref<1x128xi32, #tpu.memory_space<vmem>> -> memref<128xi32, #tpu.memory_space<vmem>>
          %dma_wait3A_139 = arith.constant 0 : i32
          %dma_wait3A_140 = arith.constant 0 : i32
          %dma_wait3A_141 = tpu.memref_slice %arg4[%dma_wait3A_139, %dma_wait3A_140] : memref<10000x128xf32, #tpu.memory_space<hbm>> -> memref<10000x128xf32, #tpu.memory_space<hbm>>
          tpu.wait_indirect_dma semaphore(%arg22 : memref<!tpu.dma_semaphore, #tpu.memory_space<semaphore_mem>>) src(%dma_wait3A_141 : memref<10000x128xf32, #tpu.memory_space<hbm>>) dst(%dma_wait3A_135 : memref<128x128xf32, #tpu.memory_space<vmem>>)
          %add3A_142 = arith.constant 2 : i32
          %add3A_143 = arith.addi %add3A_104, %add3A_142 : i32
          %lt3A = arith.constant 8 : i32
          %lt3A_144 = arith.cmpi slt, %add3A_143, %lt3A : i32
          %convert_element_type3A_145 = arith.extui %lt3A_144 : i1 to i32
          %cond3A_146 = arith.constant 0 : i32
          %cond3A_147 = arith.cmpi ne, %convert_element_type3A_145, %cond3A_146 : i32
          scf.if %cond3A_147 {
            %add3A_151 = arith.constant 2 : i32
            %add3A_152 = arith.addi %add3A_104, %add3A_151 : i32
            %dma_start3A_153 = arith.constant 0 : i32
            %dma_start3A_154 = arith.constant 0 : i32
            %dma_start3A_155 = arith.constant 0 : i32
            %dma_start3A_156 = tpu.memref_slice %arg19[%dma_start3A_153, %dma_start3A_154, %dma_start3A_155] : memref<2x128x128xf32, #tpu.memory_space<vmem>> -> memref<1x128x128xf32, #tpu.memory_space<vmem>>
            %dma_start3A_157 = tpu.memref_squeeze %dma_start3A_156 : memref<1x128x128xf32, #tpu.memory_space<vmem>> -> memref<128x128xf32, #tpu.memory_space<vmem>>
            %dma_start3A_158 = arith.constant 0 : i32
            %dma_start3A_159 = tpu.memref_slice %arg17[%add3A_152, %dma_start3A_158] : memref<32x128xi32, #tpu.memory_space<vmem>> -> memref<1x128xi32, #tpu.memory_space<vmem>>
            %dma_start3A_160 = tpu.memref_squeeze %dma_start3A_159 : memref<1x128xi32, #tpu.memory_space<vmem>> -> memref<128xi32, #tpu.memory_space<vmem>>
            %dma_start3A_161 = arith.constant 0 : i32
            %dma_start3A_162 = arith.constant 0 : i32
            %dma_start3A_163 = tpu.memref_slice %arg4[%dma_start3A_161, %dma_start3A_162] : memref<10000x128xf32, #tpu.memory_space<hbm>> -> memref<10000x128xf32, #tpu.memory_space<hbm>>
            tpu.enqueue_indirect_dma source(%dma_start3A_163 : memref<10000x128xf32, #tpu.memory_space<hbm>>) target(%dma_start3A_157 : memref<128x128xf32, #tpu.memory_space<vmem>>) offsets(%dma_start3A_160 : memref<128xi32, #tpu.memory_space<vmem>>) semaphore(%arg20 : memref<!tpu.dma_semaphore, #tpu.memory_space<semaphore_mem>>)
          } else {
          }
          %add3A_148 = arith.constant 1 : i32
          %add3A_149 = arith.addi %add3A_104, %add3A_148 : i32
          %run_scoped3A_150 = arith.constant 1 : i32
          "tpu.region"() ({
            %run_scoped3A_151 = tpu.sem_alloc : memref<!tpu.dma_semaphore, #tpu.memory_space<semaphore_mem>>
            %dma_start3A_152 = arith.constant 0 : i32
            %dma_start3A_153 = arith.constant 0 : i32
            %dma_start3A_154 = tpu.memref_slice %arg19[%run_scoped3A_150, %dma_start3A_152, %dma_start3A_153] : memref<2x128x128xf32, #tpu.memory_space<vmem>> -> memref<1x128x128xf32, #tpu.memory_space<vmem>>
            %dma_start3A_155 = tpu.memref_squeeze %dma_start3A_154 : memref<1x128x128xf32, #tpu.memory_space<vmem>> -> memref<128x128xf32, #tpu.memory_space<vmem>>
            %dma_start3A_156 = arith.constant 0 : i32
            %dma_start3A_157 = tpu.memref_slice %arg18[%add3A_149, %dma_start3A_156] : memref<32x128xi32, #tpu.memory_space<vmem>> -> memref<1x128xi32, #tpu.memory_space<vmem>>
            %dma_start3A_158 = tpu.memref_squeeze %dma_start3A_157 : memref<1x128xi32, #tpu.memory_space<vmem>> -> memref<128xi32, #tpu.memory_space<vmem>>
            %dma_start3A_159 = arith.constant 0 : i32
            %dma_start3A_160 = arith.constant 0 : i32
            %dma_start3A_161 = tpu.memref_slice %arg16[%dma_start3A_159, %dma_start3A_160] : memref<10240x128xf32, #tpu.memory_space<vmem_shared>> -> memref<10240x128xf32, #tpu.memory_space<vmem_shared>>
            tpu.enqueue_indirect_dma source(%dma_start3A_155 : memref<128x128xf32, #tpu.memory_space<vmem>>) target(%dma_start3A_161 : memref<10240x128xf32, #tpu.memory_space<vmem_shared>>) offsets(%dma_start3A_158 : memref<128xi32, #tpu.memory_space<vmem>>) semaphore(%run_scoped3A_151 : memref<!tpu.dma_semaphore, #tpu.memory_space<semaphore_mem>>) {add = true}
            %dma_wait3A_162 = arith.constant 0 : i32
            %dma_wait3A_163 = arith.constant 0 : i32
            %dma_wait3A_164 = tpu.memref_slice %arg19[%run_scoped3A_150, %dma_wait3A_162, %dma_wait3A_163] : memref<2x128x128xf32, #tpu.memory_space<vmem>> -> memref<1x128x128xf32, #tpu.memory_space<vmem>>
            %dma_wait3A_165 = tpu.memref_squeeze %dma_wait3A_164 : memref<1x128x128xf32, #tpu.memory_space<vmem>> -> memref<128x128xf32, #tpu.memory_space<vmem>>
            %dma_wait3A_166 = arith.constant 0 : i32
            %dma_wait3A_167 = tpu.memref_slice %arg18[%add3A_149, %dma_wait3A_166] : memref<32x128xi32, #tpu.memory_space<vmem>> -> memref<1x128xi32, #tpu.memory_space<vmem>>
            %dma_wait3A_168 = tpu.memref_squeeze %dma_wait3A_167 : memref<1x128xi32, #tpu.memory_space<vmem>> -> memref<128xi32, #tpu.memory_space<vmem>>
            %dma_wait3A_169 = arith.constant 0 : i32
            %dma_wait3A_170 = arith.constant 0 : i32
            %dma_wait3A_171 = tpu.memref_slice %arg16[%dma_wait3A_169, %dma_wait3A_170] : memref<10240x128xf32, #tpu.memory_space<vmem_shared>> -> memref<10240x128xf32, #tpu.memory_space<vmem_shared>>
            tpu.wait_indirect_dma semaphore(%run_scoped3A_151 : memref<!tpu.dma_semaphore, #tpu.memory_space<semaphore_mem>>) src(%dma_wait3A_165 : memref<128x128xf32, #tpu.memory_space<vmem>>) dst(%dma_wait3A_171 : memref<10240x128xf32, #tpu.memory_space<vmem_shared>>)
            tpu.yield
          }) : () -> ()
        }
        %scan3A_99 = arith.constant 4 : i32
      }
      %scan3A_74 = arith.constant 7 : i32
    } else {
    }
    %eq3A_55 = arith.constant 1 : i32
    %eq3A_56 = arith.cmpi eq, %arg0, %eq3A_55 : i32
    %convert_element_type3A_57 = arith.extui %eq3A_56 : i1 to i32
    %cond3A_58 = arith.constant 0 : i32
    %cond3A_59 = arith.cmpi ne, %convert_element_type3A_57, %cond3A_58 : i32
    scf.if %cond3A_59 {
      %scan3A = arith.constant 0 : i32
      %scan3A_71 = arith.constant 3 : i32
      %scan3A_72 = arith.addi %scan3A, %scan3A_71 : i32
      %scan3A_73 = arith.constant 1 : i32
      scf.for %scan3A_75 = %scan3A to %scan3A_72 step %scan3A_73  : i32 {
        %mul3A_76 = arith.constant 8 : i32
        %mul3A_77 = arith.muli %scan3A_75, %mul3A_76 : i32
        %add3A_78 = arith.constant 0 : i32
        %add3A_79 = arith.addi %add3A_78, %mul3A_77 : i32
        %add3A_80 = arith.constant 56 : i32
        %add3A_81 = arith.addi %add3A_80, %add3A_79 : i32
        "tpu.region"() ({
          %run_scoped3A_100 = tpu.sem_alloc : memref<!tpu.dma_semaphore, #tpu.memory_space<semaphore_mem>>
          %dma_start3A_101 = arith.constant 0 : i32
          %dma_start3A_102 = arith.constant 0 : i32
          %dma_start3A_103 = tpu.memref_slice %arg17[%dma_start3A_101, %dma_start3A_102] : memref<32x128xi32, #tpu.memory_space<vmem>> -> memref<8x128xi32, #tpu.memory_space<vmem>>
          %dma_start3A_104 = arith.constant 0 : i32
          %dma_start3A_105 = tpu.memref_slice %arg9[%arg1, %add3A_81, %dma_start3A_104] : memref<16x80x128xi32, #tpu.memory_space<hbm>> -> memref<1x8x128xi32, #tpu.memory_space<hbm>>
          %dma_start3A_106 = tpu.memref_squeeze %dma_start3A_105 : memref<1x8x128xi32, #tpu.memory_space<hbm>> -> memref<8x128xi32, #tpu.memory_space<hbm>>
          %dma_start3A_107 = arith.constant 0 : i32
          %dma_start3A_108 = arith.constant 0 : i32
          %dma_start3A_109 = tpu.memref_slice %arg17[%dma_start3A_107, %dma_start3A_108] : memref<32x128xi32, #tpu.memory_space<vmem>> -> memref<8x128xi32, #tpu.memory_space<vmem>>
          %dma_start3A_110 = arith.constant 0 : i32
          %dma_start3A_111 = tpu.memref_slice %arg9[%arg1, %add3A_81, %dma_start3A_110] : memref<16x80x128xi32, #tpu.memory_space<hbm>> -> memref<1x8x128xi32, #tpu.memory_space<hbm>>
          %dma_start3A_112 = tpu.memref_squeeze %dma_start3A_111 : memref<1x8x128xi32, #tpu.memory_space<hbm>> -> memref<8x128xi32, #tpu.memory_space<hbm>>
          tpu.enqueue_dma source(%dma_start3A_112 : memref<8x128xi32, #tpu.memory_space<hbm>>) target(%dma_start3A_109 : memref<8x128xi32, #tpu.memory_space<vmem>>) target_semaphore(%run_scoped3A_100 : memref<!tpu.dma_semaphore, #tpu.memory_space<semaphore_mem>>)
          %dma_wait3A = arith.constant 0 : i32
          %dma_wait3A_113 = arith.constant 0 : i32
          %dma_wait3A_114 = tpu.memref_slice %arg17[%dma_wait3A, %dma_wait3A_113] : memref<32x128xi32, #tpu.memory_space<vmem>> -> memref<8x128xi32, #tpu.memory_space<vmem>>
          %dma_wait3A_115 = arith.constant 0 : i32
          %dma_wait3A_116 = tpu.memref_slice %arg9[%arg1, %add3A_81, %dma_wait3A_115] : memref<16x80x128xi32, #tpu.memory_space<hbm>> -> memref<1x8x128xi32, #tpu.memory_space<hbm>>
          %dma_wait3A_117 = tpu.memref_squeeze %dma_wait3A_116 : memref<1x8x128xi32, #tpu.memory_space<hbm>> -> memref<8x128xi32, #tpu.memory_space<hbm>>
          %dma_wait3A_118 = arith.constant 0 : i32
          %dma_wait3A_119 = arith.constant 0 : i32
          %dma_wait3A_120 = tpu.memref_slice %arg17[%dma_wait3A_118, %dma_wait3A_119] : memref<32x128xi32, #tpu.memory_space<vmem>> -> memref<8x128xi32, #tpu.memory_space<vmem>>
          %dma_wait3A_121 = arith.constant 0 : i32
          %dma_wait3A_122 = tpu.memref_slice %arg9[%arg1, %add3A_81, %dma_wait3A_121] : memref<16x80x128xi32, #tpu.memory_space<hbm>> -> memref<1x8x128xi32, #tpu.memory_space<hbm>>
          %dma_wait3A_123 = tpu.memref_squeeze %dma_wait3A_122 : memref<1x8x128xi32, #tpu.memory_space<hbm>> -> memref<8x128xi32, #tpu.memory_space<hbm>>
          tpu.wait_dma2 semaphore(%run_scoped3A_100 : memref<!tpu.dma_semaphore, #tpu.memory_space<semaphore_mem>>) src(%dma_wait3A_123 : memref<8x128xi32, #tpu.memory_space<hbm>>) dst(%dma_wait3A_120 : memref<8x128xi32, #tpu.memory_space<vmem>>)
          tpu.yield
        }) : () -> ()
        %add3A_82 = arith.constant 56 : i32
        %add3A_83 = arith.addi %add3A_82, %add3A_79 : i32
        "tpu.region"() ({
          %run_scoped3A_100 = tpu.sem_alloc : memref<!tpu.dma_semaphore, #tpu.memory_space<semaphore_mem>>
          %dma_start3A_101 = arith.constant 0 : i32
          %dma_start3A_102 = arith.constant 0 : i32
          %dma_start3A_103 = tpu.memref_slice %arg18[%dma_start3A_101, %dma_start3A_102] : memref<32x128xi32, #tpu.memory_space<vmem>> -> memref<8x128xi32, #tpu.memory_space<vmem>>
          %dma_start3A_104 = arith.constant 0 : i32
          %dma_start3A_105 = tpu.memref_slice %arg10[%arg1, %add3A_83, %dma_start3A_104] : memref<16x80x128xi32, #tpu.memory_space<hbm>> -> memref<1x8x128xi32, #tpu.memory_space<hbm>>
          %dma_start3A_106 = tpu.memref_squeeze %dma_start3A_105 : memref<1x8x128xi32, #tpu.memory_space<hbm>> -> memref<8x128xi32, #tpu.memory_space<hbm>>
          %dma_start3A_107 = arith.constant 0 : i32
          %dma_start3A_108 = arith.constant 0 : i32
          %dma_start3A_109 = tpu.memref_slice %arg18[%dma_start3A_107, %dma_start3A_108] : memref<32x128xi32, #tpu.memory_space<vmem>> -> memref<8x128xi32, #tpu.memory_space<vmem>>
          %dma_start3A_110 = arith.constant 0 : i32
          %dma_start3A_111 = tpu.memref_slice %arg10[%arg1, %add3A_83, %dma_start3A_110] : memref<16x80x128xi32, #tpu.memory_space<hbm>> -> memref<1x8x128xi32, #tpu.memory_space<hbm>>
          %dma_start3A_112 = tpu.memref_squeeze %dma_start3A_111 : memref<1x8x128xi32, #tpu.memory_space<hbm>> -> memref<8x128xi32, #tpu.memory_space<hbm>>
          tpu.enqueue_dma source(%dma_start3A_112 : memref<8x128xi32, #tpu.memory_space<hbm>>) target(%dma_start3A_109 : memref<8x128xi32, #tpu.memory_space<vmem>>) target_semaphore(%run_scoped3A_100 : memref<!tpu.dma_semaphore, #tpu.memory_space<semaphore_mem>>)
          %dma_wait3A = arith.constant 0 : i32
          %dma_wait3A_113 = arith.constant 0 : i32
          %dma_wait3A_114 = tpu.memref_slice %arg18[%dma_wait3A, %dma_wait3A_113] : memref<32x128xi32, #tpu.memory_space<vmem>> -> memref<8x128xi32, #tpu.memory_space<vmem>>
          %dma_wait3A_115 = arith.constant 0 : i32
          %dma_wait3A_116 = tpu.memref_slice %arg10[%arg1, %add3A_83, %dma_wait3A_115] : memref<16x80x128xi32, #tpu.memory_space<hbm>> -> memref<1x8x128xi32, #tpu.memory_space<hbm>>
          %dma_wait3A_117 = tpu.memref_squeeze %dma_wait3A_116 : memref<1x8x128xi32, #tpu.memory_space<hbm>> -> memref<8x128xi32, #tpu.memory_space<hbm>>
          %dma_wait3A_118 = arith.constant 0 : i32
          %dma_wait3A_119 = arith.constant 0 : i32
          %dma_wait3A_120 = tpu.memref_slice %arg18[%dma_wait3A_118, %dma_wait3A_119] : memref<32x128xi32, #tpu.memory_space<vmem>> -> memref<8x128xi32, #tpu.memory_space<vmem>>
          %dma_wait3A_121 = arith.constant 0 : i32
          %dma_wait3A_122 = tpu.memref_slice %arg10[%arg1, %add3A_83, %dma_wait3A_121] : memref<16x80x128xi32, #tpu.memory_space<hbm>> -> memref<1x8x128xi32, #tpu.memory_space<hbm>>
          %dma_wait3A_123 = tpu.memref_squeeze %dma_wait3A_122 : memref<1x8x128xi32, #tpu.memory_space<hbm>> -> memref<8x128xi32, #tpu.memory_space<hbm>>
          tpu.wait_dma2 semaphore(%run_scoped3A_100 : memref<!tpu.dma_semaphore, #tpu.memory_space<semaphore_mem>>) src(%dma_wait3A_123 : memref<8x128xi32, #tpu.memory_space<hbm>>) dst(%dma_wait3A_120 : memref<8x128xi32, #tpu.memory_space<vmem>>)
          tpu.yield
        }) : () -> ()
        %dma_start3A = arith.constant 0 : i32
        %dma_start3A_84 = arith.constant 0 : i32
        %dma_start3A_85 = arith.constant 0 : i32
        %dma_start3A_86 = arith.constant 0 : i32
        %dma_start3A_87 = tpu.memref_slice %arg19[%dma_start3A_84, %dma_start3A_85, %dma_start3A_86] : memref<2x128x128xf32, #tpu.memory_space<vmem>> -> memref<1x128x128xf32, #tpu.memory_space<vmem>>
        %dma_start3A_88 = tpu.memref_squeeze %dma_start3A_87 : memref<1x128x128xf32, #tpu.memory_space<vmem>> -> memref<128x128xf32, #tpu.memory_space<vmem>>
        %dma_start3A_89 = arith.constant 0 : i32
        %dma_start3A_90 = tpu.memref_slice %arg17[%dma_start3A, %dma_start3A_89] : memref<32x128xi32, #tpu.memory_space<vmem>> -> memref<1x128xi32, #tpu.memory_space<vmem>>
        %dma_start3A_91 = tpu.memref_squeeze %dma_start3A_90 : memref<1x128xi32, #tpu.memory_space<vmem>> -> memref<128xi32, #tpu.memory_space<vmem>>
        %dma_start3A_92 = arith.constant 0 : i32
        %dma_start3A_93 = arith.constant 0 : i32
        %dma_start3A_94 = tpu.memref_slice %arg4[%dma_start3A_92, %dma_start3A_93] : memref<10000x128xf32, #tpu.memory_space<hbm>> -> memref<10000x128xf32, #tpu.memory_space<hbm>>
        tpu.enqueue_indirect_dma source(%dma_start3A_94 : memref<10000x128xf32, #tpu.memory_space<hbm>>) target(%dma_start3A_88 : memref<128x128xf32, #tpu.memory_space<vmem>>) offsets(%dma_start3A_91 : memref<128xi32, #tpu.memory_space<vmem>>) semaphore(%arg20 : memref<!tpu.dma_semaphore, #tpu.memory_space<semaphore_mem>>)
        %scan3A_95 = arith.constant 0 : i32
        %scan3A_96 = arith.constant 4 : i32
        %scan3A_97 = arith.addi %scan3A_95, %scan3A_96 : i32
        %scan3A_98 = arith.constant 1 : i32
        scf.for %scan3A_100 = %scan3A_95 to %scan3A_97 step %scan3A_98  : i32 {
          %mul3A_101 = arith.constant 2 : i32
          %mul3A_102 = arith.muli %scan3A_100, %mul3A_101 : i32
          %add3A_103 = arith.constant 0 : i32
          %add3A_104 = arith.addi %add3A_103, %mul3A_102 : i32
          %dma_wait3A = arith.constant 0 : i32
          %dma_wait3A_105 = arith.constant 0 : i32
          %dma_wait3A_106 = arith.constant 0 : i32
          %dma_wait3A_107 = tpu.memref_slice %arg19[%dma_wait3A, %dma_wait3A_105, %dma_wait3A_106] : memref<2x128x128xf32, #tpu.memory_space<vmem>> -> memref<1x128x128xf32, #tpu.memory_space<vmem>>
          %dma_wait3A_108 = tpu.memref_squeeze %dma_wait3A_107 : memref<1x128x128xf32, #tpu.memory_space<vmem>> -> memref<128x128xf32, #tpu.memory_space<vmem>>
          %dma_wait3A_109 = arith.constant 0 : i32
          %dma_wait3A_110 = tpu.memref_slice %arg17[%add3A_104, %dma_wait3A_109] : memref<32x128xi32, #tpu.memory_space<vmem>> -> memref<1x128xi32, #tpu.memory_space<vmem>>
          %dma_wait3A_111 = tpu.memref_squeeze %dma_wait3A_110 : memref<1x128xi32, #tpu.memory_space<vmem>> -> memref<128xi32, #tpu.memory_space<vmem>>
          %dma_wait3A_112 = arith.constant 0 : i32
          %dma_wait3A_113 = arith.constant 0 : i32
          %dma_wait3A_114 = tpu.memref_slice %arg4[%dma_wait3A_112, %dma_wait3A_113] : memref<10000x128xf32, #tpu.memory_space<hbm>> -> memref<10000x128xf32, #tpu.memory_space<hbm>>
          tpu.wait_indirect_dma semaphore(%arg20 : memref<!tpu.dma_semaphore, #tpu.memory_space<semaphore_mem>>) src(%dma_wait3A_114 : memref<10000x128xf32, #tpu.memory_space<hbm>>) dst(%dma_wait3A_108 : memref<128x128xf32, #tpu.memory_space<vmem>>)
          %add3A_115 = arith.constant 1 : i32
          %add3A_116 = arith.addi %add3A_104, %add3A_115 : i32
          %dma_start3A_117 = arith.constant 1 : i32
          %dma_start3A_118 = arith.constant 0 : i32
          %dma_start3A_119 = arith.constant 0 : i32
          %dma_start3A_120 = tpu.memref_slice %arg19[%dma_start3A_117, %dma_start3A_118, %dma_start3A_119] : memref<2x128x128xf32, #tpu.memory_space<vmem>> -> memref<1x128x128xf32, #tpu.memory_space<vmem>>
          %dma_start3A_121 = tpu.memref_squeeze %dma_start3A_120 : memref<1x128x128xf32, #tpu.memory_space<vmem>> -> memref<128x128xf32, #tpu.memory_space<vmem>>
          %dma_start3A_122 = arith.constant 0 : i32
          %dma_start3A_123 = tpu.memref_slice %arg17[%add3A_116, %dma_start3A_122] : memref<32x128xi32, #tpu.memory_space<vmem>> -> memref<1x128xi32, #tpu.memory_space<vmem>>
          %dma_start3A_124 = tpu.memref_squeeze %dma_start3A_123 : memref<1x128xi32, #tpu.memory_space<vmem>> -> memref<128xi32, #tpu.memory_space<vmem>>
          %dma_start3A_125 = arith.constant 0 : i32
          %dma_start3A_126 = arith.constant 0 : i32
          %dma_start3A_127 = tpu.memref_slice %arg4[%dma_start3A_125, %dma_start3A_126] : memref<10000x128xf32, #tpu.memory_space<hbm>> -> memref<10000x128xf32, #tpu.memory_space<hbm>>
          tpu.enqueue_indirect_dma source(%dma_start3A_127 : memref<10000x128xf32, #tpu.memory_space<hbm>>) target(%dma_start3A_121 : memref<128x128xf32, #tpu.memory_space<vmem>>) offsets(%dma_start3A_124 : memref<128xi32, #tpu.memory_space<vmem>>) semaphore(%arg22 : memref<!tpu.dma_semaphore, #tpu.memory_space<semaphore_mem>>)
          %run_scoped3A_128 = arith.constant 0 : i32
          "tpu.region"() ({
            %run_scoped3A_151 = tpu.sem_alloc : memref<!tpu.dma_semaphore, #tpu.memory_space<semaphore_mem>>
            %dma_start3A_152 = arith.constant 0 : i32
            %dma_start3A_153 = arith.constant 0 : i32
            %dma_start3A_154 = tpu.memref_slice %arg19[%run_scoped3A_128, %dma_start3A_152, %dma_start3A_153] : memref<2x128x128xf32, #tpu.memory_space<vmem>> -> memref<1x128x128xf32, #tpu.memory_space<vmem>>
            %dma_start3A_155 = tpu.memref_squeeze %dma_start3A_154 : memref<1x128x128xf32, #tpu.memory_space<vmem>> -> memref<128x128xf32, #tpu.memory_space<vmem>>
            %dma_start3A_156 = arith.constant 0 : i32
            %dma_start3A_157 = tpu.memref_slice %arg18[%add3A_104, %dma_start3A_156] : memref<32x128xi32, #tpu.memory_space<vmem>> -> memref<1x128xi32, #tpu.memory_space<vmem>>
            %dma_start3A_158 = tpu.memref_squeeze %dma_start3A_157 : memref<1x128xi32, #tpu.memory_space<vmem>> -> memref<128xi32, #tpu.memory_space<vmem>>
            %dma_start3A_159 = arith.constant 0 : i32
            %dma_start3A_160 = arith.constant 0 : i32
            %dma_start3A_161 = tpu.memref_slice %arg16[%dma_start3A_159, %dma_start3A_160] : memref<10240x128xf32, #tpu.memory_space<vmem_shared>> -> memref<10240x128xf32, #tpu.memory_space<vmem_shared>>
            tpu.enqueue_indirect_dma source(%dma_start3A_155 : memref<128x128xf32, #tpu.memory_space<vmem>>) target(%dma_start3A_161 : memref<10240x128xf32, #tpu.memory_space<vmem_shared>>) offsets(%dma_start3A_158 : memref<128xi32, #tpu.memory_space<vmem>>) semaphore(%run_scoped3A_151 : memref<!tpu.dma_semaphore, #tpu.memory_space<semaphore_mem>>) {add = true}
            %dma_wait3A_162 = arith.constant 0 : i32
            %dma_wait3A_163 = arith.constant 0 : i32
            %dma_wait3A_164 = tpu.memref_slice %arg19[%run_scoped3A_128, %dma_wait3A_162, %dma_wait3A_163] : memref<2x128x128xf32, #tpu.memory_space<vmem>> -> memref<1x128x128xf32, #tpu.memory_space<vmem>>
            %dma_wait3A_165 = tpu.memref_squeeze %dma_wait3A_164 : memref<1x128x128xf32, #tpu.memory_space<vmem>> -> memref<128x128xf32, #tpu.memory_space<vmem>>
            %dma_wait3A_166 = arith.constant 0 : i32
            %dma_wait3A_167 = tpu.memref_slice %arg18[%add3A_104, %dma_wait3A_166] : memref<32x128xi32, #tpu.memory_space<vmem>> -> memref<1x128xi32, #tpu.memory_space<vmem>>
            %dma_wait3A_168 = tpu.memref_squeeze %dma_wait3A_167 : memref<1x128xi32, #tpu.memory_space<vmem>> -> memref<128xi32, #tpu.memory_space<vmem>>
            %dma_wait3A_169 = arith.constant 0 : i32
            %dma_wait3A_170 = arith.constant 0 : i32
            %dma_wait3A_171 = tpu.memref_slice %arg16[%dma_wait3A_169, %dma_wait3A_170] : memref<10240x128xf32, #tpu.memory_space<vmem_shared>> -> memref<10240x128xf32, #tpu.memory_space<vmem_shared>>
            tpu.wait_indirect_dma semaphore(%run_scoped3A_151 : memref<!tpu.dma_semaphore, #tpu.memory_space<semaphore_mem>>) src(%dma_wait3A_165 : memref<128x128xf32, #tpu.memory_space<vmem>>) dst(%dma_wait3A_171 : memref<10240x128xf32, #tpu.memory_space<vmem_shared>>)
            tpu.yield
          }) : () -> ()
          %add3A_129 = arith.constant 1 : i32
          %add3A_130 = arith.addi %add3A_104, %add3A_129 : i32
          %dma_wait3A_131 = arith.constant 1 : i32
          %dma_wait3A_132 = arith.constant 0 : i32
          %dma_wait3A_133 = arith.constant 0 : i32
          %dma_wait3A_134 = tpu.memref_slice %arg19[%dma_wait3A_131, %dma_wait3A_132, %dma_wait3A_133] : memref<2x128x128xf32, #tpu.memory_space<vmem>> -> memref<1x128x128xf32, #tpu.memory_space<vmem>>
          %dma_wait3A_135 = tpu.memref_squeeze %dma_wait3A_134 : memref<1x128x128xf32, #tpu.memory_space<vmem>> -> memref<128x128xf32, #tpu.memory_space<vmem>>
          %dma_wait3A_136 = arith.constant 0 : i32
          %dma_wait3A_137 = tpu.memref_slice %arg17[%add3A_130, %dma_wait3A_136] : memref<32x128xi32, #tpu.memory_space<vmem>> -> memref<1x128xi32, #tpu.memory_space<vmem>>
          %dma_wait3A_138 = tpu.memref_squeeze %dma_wait3A_137 : memref<1x128xi32, #tpu.memory_space<vmem>> -> memref<128xi32, #tpu.memory_space<vmem>>
          %dma_wait3A_139 = arith.constant 0 : i32
          %dma_wait3A_140 = arith.constant 0 : i32
          %dma_wait3A_141 = tpu.memref_slice %arg4[%dma_wait3A_139, %dma_wait3A_140] : memref<10000x128xf32, #tpu.memory_space<hbm>> -> memref<10000x128xf32, #tpu.memory_space<hbm>>
          tpu.wait_indirect_dma semaphore(%arg22 : memref<!tpu.dma_semaphore, #tpu.memory_space<semaphore_mem>>) src(%dma_wait3A_141 : memref<10000x128xf32, #tpu.memory_space<hbm>>) dst(%dma_wait3A_135 : memref<128x128xf32, #tpu.memory_space<vmem>>)
          %add3A_142 = arith.constant 2 : i32
          %add3A_143 = arith.addi %add3A_104, %add3A_142 : i32
          %lt3A = arith.constant 8 : i32
          %lt3A_144 = arith.cmpi slt, %add3A_143, %lt3A : i32
          %convert_element_type3A_145 = arith.extui %lt3A_144 : i1 to i32
          %cond3A_146 = arith.constant 0 : i32
          %cond3A_147 = arith.cmpi ne, %convert_element_type3A_145, %cond3A_146 : i32
          scf.if %cond3A_147 {
            %add3A_151 = arith.constant 2 : i32
            %add3A_152 = arith.addi %add3A_104, %add3A_151 : i32
            %dma_start3A_153 = arith.constant 0 : i32
            %dma_start3A_154 = arith.constant 0 : i32
            %dma_start3A_155 = arith.constant 0 : i32
            %dma_start3A_156 = tpu.memref_slice %arg19[%dma_start3A_153, %dma_start3A_154, %dma_start3A_155] : memref<2x128x128xf32, #tpu.memory_space<vmem>> -> memref<1x128x128xf32, #tpu.memory_space<vmem>>
            %dma_start3A_157 = tpu.memref_squeeze %dma_start3A_156 : memref<1x128x128xf32, #tpu.memory_space<vmem>> -> memref<128x128xf32, #tpu.memory_space<vmem>>
            %dma_start3A_158 = arith.constant 0 : i32
            %dma_start3A_159 = tpu.memref_slice %arg17[%add3A_152, %dma_start3A_158] : memref<32x128xi32, #tpu.memory_space<vmem>> -> memref<1x128xi32, #tpu.memory_space<vmem>>
            %dma_start3A_160 = tpu.memref_squeeze %dma_start3A_159 : memref<1x128xi32, #tpu.memory_space<vmem>> -> memref<128xi32, #tpu.memory_space<vmem>>
            %dma_start3A_161 = arith.constant 0 : i32
            %dma_start3A_162 = arith.constant 0 : i32
            %dma_start3A_163 = tpu.memref_slice %arg4[%dma_start3A_161, %dma_start3A_162] : memref<10000x128xf32, #tpu.memory_space<hbm>> -> memref<10000x128xf32, #tpu.memory_space<hbm>>
            tpu.enqueue_indirect_dma source(%dma_start3A_163 : memref<10000x128xf32, #tpu.memory_space<hbm>>) target(%dma_start3A_157 : memref<128x128xf32, #tpu.memory_space<vmem>>) offsets(%dma_start3A_160 : memref<128xi32, #tpu.memory_space<vmem>>) semaphore(%arg20 : memref<!tpu.dma_semaphore, #tpu.memory_space<semaphore_mem>>)
          } else {
          }
          %add3A_148 = arith.constant 1 : i32
          %add3A_149 = arith.addi %add3A_104, %add3A_148 : i32
          %run_scoped3A_150 = arith.constant 1 : i32
          "tpu.region"() ({
            %run_scoped3A_151 = tpu.sem_alloc : memref<!tpu.dma_semaphore, #tpu.memory_space<semaphore_mem>>
            %dma_start3A_152 = arith.constant 0 : i32
            %dma_start3A_153 = arith.constant 0 : i32
            %dma_start3A_154 = tpu.memref_slice %arg19[%run_scoped3A_150, %dma_start3A_152, %dma_start3A_153] : memref<2x128x128xf32, #tpu.memory_space<vmem>> -> memref<1x128x128xf32, #tpu.memory_space<vmem>>
            %dma_start3A_155 = tpu.memref_squeeze %dma_start3A_154 : memref<1x128x128xf32, #tpu.memory_space<vmem>> -> memref<128x128xf32, #tpu.memory_space<vmem>>
            %dma_start3A_156 = arith.constant 0 : i32
            %dma_start3A_157 = tpu.memref_slice %arg18[%add3A_149, %dma_start3A_156] : memref<32x128xi32, #tpu.memory_space<vmem>> -> memref<1x128xi32, #tpu.memory_space<vmem>>
            %dma_start3A_158 = tpu.memref_squeeze %dma_start3A_157 : memref<1x128xi32, #tpu.memory_space<vmem>> -> memref<128xi32, #tpu.memory_space<vmem>>
            %dma_start3A_159 = arith.constant 0 : i32
            %dma_start3A_160 = arith.constant 0 : i32
            %dma_start3A_161 = tpu.memref_slice %arg16[%dma_start3A_159, %dma_start3A_160] : memref<10240x128xf32, #tpu.memory_space<vmem_shared>> -> memref<10240x128xf32, #tpu.memory_space<vmem_shared>>
            tpu.enqueue_indirect_dma source(%dma_start3A_155 : memref<128x128xf32, #tpu.memory_space<vmem>>) target(%dma_start3A_161 : memref<10240x128xf32, #tpu.memory_space<vmem_shared>>) offsets(%dma_start3A_158 : memref<128xi32, #tpu.memory_space<vmem>>) semaphore(%run_scoped3A_151 : memref<!tpu.dma_semaphore, #tpu.memory_space<semaphore_mem>>) {add = true}
            %dma_wait3A_162 = arith.constant 0 : i32
            %dma_wait3A_163 = arith.constant 0 : i32
            %dma_wait3A_164 = tpu.memref_slice %arg19[%run_scoped3A_150, %dma_wait3A_162, %dma_wait3A_163] : memref<2x128x128xf32, #tpu.memory_space<vmem>> -> memref<1x128x128xf32, #tpu.memory_space<vmem>>
            %dma_wait3A_165 = tpu.memref_squeeze %dma_wait3A_164 : memref<1x128x128xf32, #tpu.memory_space<vmem>> -> memref<128x128xf32, #tpu.memory_space<vmem>>
            %dma_wait3A_166 = arith.constant 0 : i32
            %dma_wait3A_167 = tpu.memref_slice %arg18[%add3A_149, %dma_wait3A_166] : memref<32x128xi32, #tpu.memory_space<vmem>> -> memref<1x128xi32, #tpu.memory_space<vmem>>
            %dma_wait3A_168 = tpu.memref_squeeze %dma_wait3A_167 : memref<1x128xi32, #tpu.memory_space<vmem>> -> memref<128xi32, #tpu.memory_space<vmem>>
            %dma_wait3A_169 = arith.constant 0 : i32
            %dma_wait3A_170 = arith.constant 0 : i32
            %dma_wait3A_171 = tpu.memref_slice %arg16[%dma_wait3A_169, %dma_wait3A_170] : memref<10240x128xf32, #tpu.memory_space<vmem_shared>> -> memref<10240x128xf32, #tpu.memory_space<vmem_shared>>
            tpu.wait_indirect_dma semaphore(%run_scoped3A_151 : memref<!tpu.dma_semaphore, #tpu.memory_space<semaphore_mem>>) src(%dma_wait3A_165 : memref<128x128xf32, #tpu.memory_space<vmem>>) dst(%dma_wait3A_171 : memref<10240x128xf32, #tpu.memory_space<vmem_shared>>)
            tpu.yield
          }) : () -> ()
        }
        %scan3A_99 = arith.constant 4 : i32
      }
      %scan3A_74 = arith.constant 3 : i32
    } else {
    }
    %barrier3A_60 = arith.constant 0 : index
    tpu.barrier barrier_id(%barrier3A_60)
    %eq3A_61 = arith.constant 0 : i32
    %eq3A_62 = arith.cmpi eq, %arg0, %eq3A_61 : i32
    %convert_element_type3A_63 = arith.extui %eq3A_62 : i1 to i32
    %cond3A_64 = arith.constant 0 : i32
    %cond3A_65 = arith.cmpi ne, %convert_element_type3A_63, %cond3A_64 : i32
    scf.if %cond3A_65 {
      "tpu.region"() ({
        %run_scoped3A_71 = tpu.sem_alloc : memref<!tpu.dma_semaphore, #tpu.memory_space<semaphore_mem>>
        %dma_start3A = arith.constant 0 : i32
        %dma_start3A_72 = tpu.memref_slice %arg14[%mul3A_0, %dma_start3A] : memref<10240x128xf32, #tpu.memory_space<hbm>> -> memref<640x128xf32, #tpu.memory_space<hbm>>
        %dma_start3A_73 = arith.constant 0 : i32
        %dma_start3A_74 = tpu.memref_slice %arg16[%mul3A_0, %dma_start3A_73] : memref<10240x128xf32, #tpu.memory_space<vmem_shared>> -> memref<640x128xf32, #tpu.memory_space<vmem_shared>>
        tpu.enqueue_dma source(%dma_start3A_74 : memref<640x128xf32, #tpu.memory_space<vmem_shared>>) target(%dma_start3A_72 : memref<640x128xf32, #tpu.memory_space<hbm>>) target_semaphore(%run_scoped3A_71 : memref<!tpu.dma_semaphore, #tpu.memory_space<semaphore_mem>>)
        %dma_wait3A = arith.constant 0 : i32
        %dma_wait3A_75 = tpu.memref_slice %arg14[%mul3A_0, %dma_wait3A] : memref<10240x128xf32, #tpu.memory_space<hbm>> -> memref<640x128xf32, #tpu.memory_space<hbm>>
        %dma_wait3A_76 = arith.constant 0 : i32
        %dma_wait3A_77 = tpu.memref_slice %arg16[%mul3A_0, %dma_wait3A_76] : memref<10240x128xf32, #tpu.memory_space<vmem_shared>> -> memref<640x128xf32, #tpu.memory_space<vmem_shared>>
        tpu.wait_dma2 semaphore(%run_scoped3A_71 : memref<!tpu.dma_semaphore, #tpu.memory_space<semaphore_mem>>) src(%dma_wait3A_77 : memref<640x128xf32, #tpu.memory_space<vmem_shared>>) dst(%dma_wait3A_75 : memref<640x128xf32, #tpu.memory_space<hbm>>)
        tpu.yield
      }) : () -> ()
    } else {
    }
    %eq3A_66 = arith.constant 1 : i32
    %eq3A_67 = arith.cmpi eq, %arg0, %eq3A_66 : i32
    %convert_element_type3A_68 = arith.extui %eq3A_67 : i1 to i32
    %cond3A_69 = arith.constant 0 : i32
    %cond3A_70 = arith.cmpi ne, %convert_element_type3A_68, %cond3A_69 : i32
    scf.if %cond3A_70 {
      "tpu.region"() ({
        %run_scoped3A_71 = tpu.sem_alloc : memref<!tpu.dma_semaphore, #tpu.memory_space<semaphore_mem>>
        %dma_start3A = arith.constant 0 : i32
        %dma_start3A_72 = tpu.memref_slice %arg15[%mul3A_0, %dma_start3A] : memref<10240x128xf32, #tpu.memory_space<hbm>> -> memref<640x128xf32, #tpu.memory_space<hbm>>
        %dma_start3A_73 = arith.constant 0 : i32
        %dma_start3A_74 = tpu.memref_slice %arg16[%mul3A_0, %dma_start3A_73] : memref<10240x128xf32, #tpu.memory_space<vmem_shared>> -> memref<640x128xf32, #tpu.memory_space<vmem_shared>>
        tpu.enqueue_dma source(%dma_start3A_74 : memref<640x128xf32, #tpu.memory_space<vmem_shared>>) target(%dma_start3A_72 : memref<640x128xf32, #tpu.memory_space<hbm>>) target_semaphore(%run_scoped3A_71 : memref<!tpu.dma_semaphore, #tpu.memory_space<semaphore_mem>>)
        %dma_wait3A = arith.constant 0 : i32
        %dma_wait3A_75 = tpu.memref_slice %arg15[%mul3A_0, %dma_wait3A] : memref<10240x128xf32, #tpu.memory_space<hbm>> -> memref<640x128xf32, #tpu.memory_space<hbm>>
        %dma_wait3A_76 = arith.constant 0 : i32
        %dma_wait3A_77 = tpu.memref_slice %arg16[%mul3A_0, %dma_wait3A_76] : memref<10240x128xf32, #tpu.memory_space<vmem_shared>> -> memref<640x128xf32, #tpu.memory_space<vmem_shared>>
        tpu.wait_dma2 semaphore(%run_scoped3A_71 : memref<!tpu.dma_semaphore, #tpu.memory_space<semaphore_mem>>) src(%dma_wait3A_77 : memref<640x128xf32, #tpu.memory_space<vmem_shared>>) dst(%dma_wait3A_75 : memref<640x128xf32, #tpu.memory_space<hbm>>)
        tpu.yield
      }) : () -> ()
    } else {
    }
    return
  }
}

module attributes {stable_mosaic.version = 14 : i64} {
  func.func @_prescale_body(%arg0: i32, %arg1: memref<1000x128xf32, #tpu.memory_space<vmem>>, %arg2: memref<1000x128xf32, #tpu.memory_space<vmem>>, %arg3: memref<1000x1xf32, #tpu.memory_space<vmem>>, %arg4: memref<1000x1xf32, #tpu.memory_space<vmem>>, %arg5: memref<1000x1xf32, #tpu.memory_space<vmem>>, %arg6: memref<1000x128xf32, #tpu.memory_space<vmem>>, %arg7: memref<1000x128xf32, #tpu.memory_space<vmem>>, %arg8: memref<1000x128xf32, #tpu.memory_space<vmem>>) attributes {dimension_semantics = [#tpu.dimension_semantics<arbitrary>], iteration_bounds = array<i64: 10>, scalar_prefetch = 0 : i64, scratch_operands = 0 : i64, tpu.core_type = #tpu.core_type<tc>, window_params = [{transform_indices = @transform_0, window_bounds = array<i64: 1000, 128>}, {transform_indices = @transform_1, window_bounds = array<i64: 1000, 128>}, {transform_indices = @transform_2, window_bounds = array<i64: 1000, 1>}, {transform_indices = @transform_3, window_bounds = array<i64: 1000, 1>}, {transform_indices = @transform_4, window_bounds = array<i64: 1000, 1>}, {transform_indices = @transform_5, window_bounds = array<i64: 1000, 128>}, {transform_indices = @transform_6, window_bounds = array<i64: 1000, 128>}, {transform_indices = @transform_7, window_bounds = array<i64: 1000, 128>}]} {
    %get3A = arith.constant 0 : index
    %get3A_0 = arith.constant 0 : index
    %get3A_1 = vector.load %arg1[%get3A, %get3A_0] : memref<1000x128xf32, #tpu.memory_space<vmem>>, vector<1000x128xf32>
    %get3A_2 = arith.constant 0 : index
    %get3A_3 = arith.constant 0 : index
    %get3A_4 = vector.load %arg3[%get3A_2, %get3A_3] : memref<1000x1xf32, #tpu.memory_space<vmem>>, vector<1000x1xf32>
    %mul3A = vector.broadcast %get3A_4 : vector<1000x1xf32> to vector<1000x128xf32>
    %mul3A_5 = arith.mulf %get3A_1, %mul3A : vector<1000x128xf32>
    %swap3A = arith.constant 0 : index
    %swap3A_6 = arith.constant 0 : index
    %swap3A_7 = vector.load %arg6[%swap3A, %swap3A_6] : memref<1000x128xf32, #tpu.memory_space<vmem>>, vector<1000x128xf32>
    tpu.vector_store %arg6[%swap3A, %swap3A_6], %mul3A_5 {strides = array<i32>} : memref<1000x128xf32, #tpu.memory_space<vmem>>, vector<1000x128xf32>,
    %get3A_8 = arith.constant 0 : index
    %get3A_9 = arith.constant 0 : index
    %get3A_10 = vector.load %arg2[%get3A_8, %get3A_9] : memref<1000x128xf32, #tpu.memory_space<vmem>>, vector<1000x128xf32>
    %get3A_11 = arith.constant 0 : index
    %get3A_12 = arith.constant 0 : index
    %get3A_13 = vector.load %arg4[%get3A_11, %get3A_12] : memref<1000x1xf32, #tpu.memory_space<vmem>>, vector<1000x1xf32>
    %mul3A_14 = vector.broadcast %get3A_13 : vector<1000x1xf32> to vector<1000x128xf32>
    %mul3A_15 = arith.mulf %get3A_10, %mul3A_14 : vector<1000x128xf32>
    %swap3A_16 = arith.constant 0 : index
    %swap3A_17 = arith.constant 0 : index
    %swap3A_18 = vector.load %arg7[%swap3A_16, %swap3A_17] : memref<1000x128xf32, #tpu.memory_space<vmem>>, vector<1000x128xf32>
    tpu.vector_store %arg7[%swap3A_16, %swap3A_17], %mul3A_15 {strides = array<i32>} : memref<1000x128xf32, #tpu.memory_space<vmem>>, vector<1000x128xf32>,
    %get3A_19 = arith.constant 0 : index
    %get3A_20 = arith.constant 0 : index
    %get3A_21 = vector.load %arg2[%get3A_19, %get3A_20] : memref<1000x128xf32, #tpu.memory_space<vmem>>, vector<1000x128xf32>
    %get3A_22 = arith.constant 0 : index
    %get3A_23 = arith.constant 0 : index
    %get3A_24 = vector.load %arg5[%get3A_22, %get3A_23] : memref<1000x1xf32, #tpu.memory_space<vmem>>, vector<1000x1xf32>
    %mul3A_25 = vector.broadcast %get3A_24 : vector<1000x1xf32> to vector<1000x128xf32>
    %mul3A_26 = arith.mulf %get3A_21, %mul3A_25 : vector<1000x128xf32>
    %swap3A_27 = arith.constant 0 : index
    %swap3A_28 = arith.constant 0 : index
    %swap3A_29 = vector.load %arg8[%swap3A_27, %swap3A_28] : memref<1000x128xf32, #tpu.memory_space<vmem>>, vector<1000x128xf32>
    tpu.vector_store %arg8[%swap3A_27, %swap3A_28], %mul3A_26 {strides = array<i32>} : memref<1000x128xf32, #tpu.memory_space<vmem>>, vector<1000x128xf32>,
    return
  }
  func.func @transform_0(%arg0: i32) -> (i32, i32) {
    %c0_i32 = arith.constant 0 : i32
    %c0_i32_0 = arith.constant 0 : i32
    return %arg0, %c0_i32 : i32, i32
  }
  func.func @transform_1(%arg0: i32) -> (i32, i32) {
    %c0_i32 = arith.constant 0 : i32
    %c0_i32_0 = arith.constant 0 : i32
    return %arg0, %c0_i32 : i32, i32
  }
  func.func @transform_2(%arg0: i32) -> (i32, i32) {
    %c0_i32 = arith.constant 0 : i32
    %c0_i32_0 = arith.constant 0 : i32
    return %arg0, %c0_i32 : i32, i32
  }
  func.func @transform_3(%arg0: i32) -> (i32, i32) {
    %c0_i32 = arith.constant 0 : i32
    %c0_i32_0 = arith.constant 0 : i32
    return %arg0, %c0_i32 : i32, i32
  }
  func.func @transform_4(%arg0: i32) -> (i32, i32) {
    %c0_i32 = arith.constant 0 : i32
    %c0_i32_0 = arith.constant 0 : i32
    return %arg0, %c0_i32 : i32, i32
  }
  func.func @transform_5(%arg0: i32) -> (i32, i32) {
    %c0_i32 = arith.constant 0 : i32
    %c0_i32_0 = arith.constant 0 : i32
    return %arg0, %c0_i32 : i32, i32
  }
  func.func @transform_6(%arg0: i32) -> (i32, i32) {
    %c0_i32 = arith.constant 0 : i32
    %c0_i32_0 = arith.constant 0 : i32
    return %arg0, %c0_i32 : i32, i32
  }
  func.func @transform_7(%arg0: i32) -> (i32, i32) {
    %c0_i32 = arith.constant 0 : i32
    %c0_i32_0 = arith.constant 0 : i32
    return %arg0, %c0_i32 : i32, i32
  }
}

module attributes {stable_mosaic.version = 14 : i64} {
  func.func @_postscale_body(%arg0: i32, %arg1: memref<1000x128xf32, #tpu.memory_space<vmem>>, %arg2: memref<1000x128xf32, #tpu.memory_space<vmem>>, %arg3: memref<1000x128xf32, #tpu.memory_space<vmem>>, %arg4: memref<1000x128xf32, #tpu.memory_space<vmem>>, %arg5: memref<1000x1xf32, #tpu.memory_space<vmem>>, %arg6: memref<1000x1xf32, #tpu.memory_space<vmem>>, %arg7: memref<1000x1xf32, #tpu.memory_space<vmem>>, %arg8: memref<1000x128xf32, #tpu.memory_space<vmem>>, %arg9: memref<1000x128xf32, #tpu.memory_space<vmem>>) attributes {dimension_semantics = [#tpu.dimension_semantics<arbitrary>], iteration_bounds = array<i64: 10>, scalar_prefetch = 0 : i64, scratch_operands = 0 : i64, tpu.core_type = #tpu.core_type<tc>, window_params = [{transform_indices = @transform_0, window_bounds = array<i64: 1000, 128>}, {transform_indices = @transform_1, window_bounds = array<i64: 1000, 128>}, {transform_indices = @transform_2, window_bounds = array<i64: 1000, 128>}, {transform_indices = @transform_3, window_bounds = array<i64: 1000, 128>}, {transform_indices = @transform_4, window_bounds = array<i64: 1000, 1>}, {transform_indices = @transform_5, window_bounds = array<i64: 1000, 1>}, {transform_indices = @transform_6, window_bounds = array<i64: 1000, 1>}, {transform_indices = @transform_7, window_bounds = array<i64: 1000, 128>}, {transform_indices = @transform_8, window_bounds = array<i64: 1000, 128>}]} {
    %get3A = arith.constant 0 : index
    %get3A_0 = arith.constant 0 : index
    %get3A_1 = vector.load %arg1[%get3A, %get3A_0] : memref<1000x128xf32, #tpu.memory_space<vmem>>, vector<1000x128xf32>
    %get3A_2 = arith.constant 0 : index
    %get3A_3 = arith.constant 0 : index
    %get3A_4 = vector.load %arg5[%get3A_2, %get3A_3] : memref<1000x1xf32, #tpu.memory_space<vmem>>, vector<1000x1xf32>
    %mul3A = vector.broadcast %get3A_4 : vector<1000x1xf32> to vector<1000x128xf32>
    %mul3A_5 = arith.mulf %get3A_1, %mul3A : vector<1000x128xf32>
    %swap3A = arith.constant 0 : index
    %swap3A_6 = arith.constant 0 : index
    %swap3A_7 = vector.load %arg8[%swap3A, %swap3A_6] : memref<1000x128xf32, #tpu.memory_space<vmem>>, vector<1000x128xf32>
    tpu.vector_store %arg8[%swap3A, %swap3A_6], %mul3A_5 {strides = array<i32>} : memref<1000x128xf32, #tpu.memory_space<vmem>>, vector<1000x128xf32>,
    %get3A_8 = arith.constant 0 : index
    %get3A_9 = arith.constant 0 : index
    %get3A_10 = vector.load %arg2[%get3A_8, %get3A_9] : memref<1000x128xf32, #tpu.memory_space<vmem>>, vector<1000x128xf32>
    %get3A_11 = arith.constant 0 : index
    %get3A_12 = arith.constant 0 : index
    %get3A_13 = vector.load %arg6[%get3A_11, %get3A_12] : memref<1000x1xf32, #tpu.memory_space<vmem>>, vector<1000x1xf32>
    %mul3A_14 = vector.broadcast %get3A_13 : vector<1000x1xf32> to vector<1000x128xf32>
    %mul3A_15 = arith.mulf %get3A_10, %mul3A_14 : vector<1000x128xf32>
    %mul3A_16 = arith.constant 5.000000e-01 : f32
    %mul3A_17 = vector.broadcast %mul3A_16 : f32 to vector<1000x128xf32>
    %mul3A_18 = arith.mulf %mul3A_17, %mul3A_15 : vector<1000x128xf32>
    %get3A_19 = arith.constant 0 : index
    %get3A_20 = arith.constant 0 : index
    %get3A_21 = vector.load %arg3[%get3A_19, %get3A_20] : memref<1000x128xf32, #tpu.memory_space<vmem>>, vector<1000x128xf32>
    %get3A_22 = arith.constant 0 : index
    %get3A_23 = arith.constant 0 : index
    %get3A_24 = vector.load %arg4[%get3A_22, %get3A_23] : memref<1000x128xf32, #tpu.memory_space<vmem>>, vector<1000x128xf32>
    %add3A = arith.addf %get3A_21, %get3A_24 : vector<1000x128xf32>
    %get3A_25 = arith.constant 0 : index
    %get3A_26 = arith.constant 0 : index
    %get3A_27 = vector.load %arg7[%get3A_25, %get3A_26] : memref<1000x1xf32, #tpu.memory_space<vmem>>, vector<1000x1xf32>
    %mul3A_28 = vector.broadcast %get3A_27 : vector<1000x1xf32> to vector<1000x128xf32>
    %mul3A_29 = arith.mulf %add3A, %mul3A_28 : vector<1000x128xf32>
    %mul3A_30 = arith.constant 5.000000e-01 : f32
    %mul3A_31 = vector.broadcast %mul3A_30 : f32 to vector<1000x128xf32>
    %mul3A_32 = arith.mulf %mul3A_31, %mul3A_29 : vector<1000x128xf32>
    %add3A_33 = arith.addf %mul3A_18, %mul3A_32 : vector<1000x128xf32>
    %swap3A_34 = arith.constant 0 : index
    %swap3A_35 = arith.constant 0 : index
    %swap3A_36 = vector.load %arg9[%swap3A_34, %swap3A_35] : memref<1000x128xf32, #tpu.memory_space<vmem>>, vector<1000x128xf32>
    tpu.vector_store %arg9[%swap3A_34, %swap3A_35], %add3A_33 {strides = array<i32>} : memref<1000x128xf32, #tpu.memory_space<vmem>>, vector<1000x128xf32>,
    return
  }
  func.func @transform_0(%arg0: i32) -> (i32, i32) {
    %c0_i32 = arith.constant 0 : i32
    %c0_i32_0 = arith.constant 0 : i32
    return %arg0, %c0_i32 : i32, i32
  }
  func.func @transform_1(%arg0: i32) -> (i32, i32) {
    %c0_i32 = arith.constant 0 : i32
    %c0_i32_0 = arith.constant 0 : i32
    return %arg0, %c0_i32 : i32, i32
  }
  func.func @transform_2(%arg0: i32) -> (i32, i32) {
    %c0_i32 = arith.constant 0 : i32
    %c0_i32_0 = arith.constant 0 : i32
    return %arg0, %c0_i32 : i32, i32
  }
  func.func @transform_3(%arg0: i32) -> (i32, i32) {
    %c0_i32 = arith.constant 0 : i32
    %c0_i32_0 = arith.constant 0 : i32
    return %arg0, %c0_i32 : i32, i32
  }
  func.func @transform_4(%arg0: i32) -> (i32, i32) {
    %c0_i32 = arith.constant 0 : i32
    %c0_i32_0 = arith.constant 0 : i32
    return %arg0, %c0_i32 : i32, i32
  }
  func.func @transform_5(%arg0: i32) -> (i32, i32) {
    %c0_i32 = arith.constant 0 : i32
    %c0_i32_0 = arith.constant 0 : i32
    return %arg0, %c0_i32 : i32, i32
  }
  func.func @transform_6(%arg0: i32) -> (i32, i32) {
    %c0_i32 = arith.constant 0 : i32
    %c0_i32_0 = arith.constant 0 : i32
    return %arg0, %c0_i32 : i32, i32
  }
  func.func @transform_7(%arg0: i32) -> (i32, i32) {
    %c0_i32 = arith.constant 0 : i32
    %c0_i32_0 = arith.constant 0 : i32
    return %arg0, %c0_i32 : i32, i32
  }
  func.func @transform_8(%arg0: i32) -> (i32, i32) {
    %c0_i32 = arith.constant 0 : i32
    %c0_i32_0 = arith.constant 0 : i32
    return %arg0, %c0_i32 : i32, i32
  }
}

</mosaic_0001>

<sc_bundles>
// kernel: kernel.5.cloned.1.call-start
scs
__scs_entry_jumppad:
0x0: {  	(pc) =	sbr.rel $0x88, $3  }
0x1: {  	(tag) =	ssettag $0x0;
	lr =	simm.s32 $0x1  }
0x2: {  	[smem:$0x3F97] =	sst lr;
	_ =	strace $0xD0000000  }
0x3: {  	_ = 	snop  }
0x4: {  	_ = 	snop  }
0x5: {  	_ = 	snop  }
0x6: {  	_ = 	snop  }
0x7: {  	_ = 	snop  }
__scs_overlays_trampoline_lowered:
0x8: {  	[smem:$0x3FA6] =	sst s0  }
0x9: {  	[smem:$0x3FA7] =	sst s1  }
0xa: {  	[smem:$0x3FA8] =	sst s2  }
0xb: {  	[smem:$0x3FA9] =	sst s3  }
0xc: {  	[smem:$0x3FAA] =	sst s4  }
0xd: {  	[smem:$0x3FAB] =	sst s5  }
0xe: {  	[smem:$0x3FAC] =	sst s6  }
0xf: {  	[smem:$0x3FAD] =	sst s7  }
0x10: {  	[smem:$0x3FAE] =	sst s8  }
0x11: {  	[smem:$0x3FAF] =	sst s9;
	s0 =	simm.s32 @!p0 $0x0  }
0x12: {  	s1 =	sld [smem:$0x3F95];
	s0 =	simm.s32 @p0 $0x1  }
0x13: {  	[smem:$0x3FB0] =	sst s0;
	s0 =	simm.s32 @!p1 $0x0  }
0x14: {  	s2 =	sld [smem:$0x3F94];
	s0 =	simm.s32 @p1 $0x1  }
0x15: {  	[smem:$0x3FB1] =	sst s0;
	s0 =	simm.s32 @!p2 $0x0  }
0x16: {  	s3 =	sld [smem:$0x3FDB];
	s0 =	simm.s32 @p2 $0x1  }
0x17: {  	s4 =	simm.s32 $0x1BF5;
	[smem:$0x3FB3] =	sst s0  }
0x18: {  	s0 =	sld [smem:$0x3F96];
	_ =	swait.ge [sflag:s4], $0x0  }
0x19: {  	s7 =	sld [smem:$0x3F97]  }
0x1a: {  	s8 =	sadd.s32 $0xFFFFE003, lr  }
0x1b: {  	s9 =	sadd.s32 $0xFFFFFEF7, lr;
	s5 =	simm.s32 $0xFFFFFFFF;
	p2 =	slt.u32 s8, $0xFFFFF086  }
0x1c: {  	p1 =	slt.u32 s9, $0xF7A;
	s5 =	simm.s32 @!p2 $0x0  }
0x1d: {  	s5 =	simm.s32 @p1 $0x1;
	p0 =	seq.s32 s7, s2  }
0x1e: {  	s7 =	smul.u32 @!p0 $0xF7A, s2;
	p2 =	seq.s32 @!p0 s5, $0x0  }
0x1f: {  	s9 =	smul.u32 $0xF7A, s1;
	s8 =	simm.s32 @!p0 $0x1BF5;
	p2 =	por !p2, p0  }
0x20: {  	[sflag:s8] =	ssyncset.s32 @!p0 $0xFFFFF086;
	s6 =	sadd.s32 @!p0 s3, s7;
	s7 =	simm.s32 @!p0 $0x108  }
0x21: {  	s3 =	sadd.s32 s3, s9;
	s6 =	sadd.s32 @!p0 $0x88, s6;
	s7 =	simm.s32 @p2 $0x1082  }
0x22: {  	[simem:s7], [sflag:s8] =	dma.local @!p0 [hbm:s6], $0xF7A  }
0x23: {  	s9 =	sor.u32 $0xD0000000, s2;
	s6 =	simm.s32 $0x108;
	_ =	swait.ge @!p0 [sflag:s8], $0x0  }
0x24: {  	s3 =	sadd.s32 $0x88, s3;
	s6 =	simm.s32 @!p1 $0x1082;
	[sflag:s4] =	ssyncset.s32 $0xFFFFF086  }
0x25: {  	[simem:s6], [sflag:s4] =	dma.local [hbm:s3], $0xF7A  }
0x26: {  	[smem:$0x3F97] =	sst s1;
	(tag) =	ssettag s2;
	_ =	strace s9  }
0x27: {  	s1 =	sld [smem:$0x3FA7]  }
0x28: {  	s2 =	sld [smem:$0x3FA8]  }
0x29: {  	s4 =	sld [smem:$0x3FAA]  }
0x2a: {  	p0 =	seq.s32 s5, $0x0;
	s5 =	sld [smem:$0x3FAB]  }
0x2b: {  	s6 =	sld [smem:$0x3FAC]  }
0x2c: {  	s7 =	sld [smem:$0x3FAD]  }
0x2d: {  	s3 =	simm.s32 $0x108;
	s8 =	sld [smem:$0x3FAE]  }
0x2e: {  	s3 =	simm.s32 @!p0 $0x1082;
	s9 =	sld [smem:$0x3FAF]  }
0x2f: {  	lr =	sadd.s32 s0, s3;
	s0 =	sld [smem:$0x3FA6]  }
0x30: {  	s3 =	sld [smem:$0x3FA9]  }
0x31: {  	[smem:$0x3FB2] =	sst s10  }
0x32: {  	s10 =	sld [smem:$0x3FB0];
	_ =	sdelay $0x3  }
0x33: {  	p0 =	seq.s32 s10, $0x1;
	s10 =	sld [smem:$0x3FB2];
	_ =	sdelay $0x3  }
0x34: {  	[smem:$0x3FB2] =	sst s10  }
0x35: {  	s10 =	sld [smem:$0x3FB1];
	_ =	sdelay $0x3  }
0x36: {  	p1 =	seq.s32 s10, $0x1;
	s10 =	sld [smem:$0x3FB2];
	_ =	sdelay $0x3  }
0x37: {  	[smem:$0x3FB2] =	sst s10  }
0x38: {  	s10 =	sld [smem:$0x3FB3]  }
0x39: {  	_ = 	snop;
	(pc) =	sbr.ind lr, $3  }
0x3a: {  	_ = 	snop  }
0x3b: {  	_ = 	snop  }
0x3c: {  	p2 =	seq.s32 s10, $0x1;
	s10 =	sld [smem:$0x3FB2]  }
0x3d: {  	_ =	shalt  }
0x3e: {  	_ =	shalt  }
0x3f: {  	_ =	shalt  }
0x40: {  	_ =	shalt  }
0x41: {  	_ =	shalt  }
0x42: {  	_ =	shalt  }
0x43: {  	_ =	shalt  }
0x44: {  	_ =	shalt  }
0x45: {  	_ =	shalt  }
0x46: {  	_ =	shalt  }
0x47: {  	_ =	shalt  }
0x48: {  	_ =	shalt  }
0x49: {  	_ =	shalt  }
0x4a: {  	_ =	shalt  }
0x4b: {  	_ =	shalt  }
0x4c: {  	_ =	shalt  }
0x4d: {  	_ =	shalt  }
0x4e: {  	_ =	shalt  }
0x4f: {  	_ =	shalt  }
0x50: {  	_ =	shalt  }
0x51: {  	_ =	shalt  }
0x52: {  	_ =	shalt  }
0x53: {  	_ =	shalt  }
0x54: {  	_ =	shalt  }
0x55: {  	_ =	shalt  }
0x56: {  	_ =	shalt  }
0x57: {  	_ =	shalt  }
0x58: {  	_ =	shalt  }
0x59: {  	_ =	shalt  }
0x5a: {  	_ =	shalt  }
0x5b: {  	_ =	shalt  }
0x5c: {  	_ =	shalt  }
0x5d: {  	_ =	shalt  }
0x5e: {  	_ =	shalt  }
0x5f: {  	_ =	shalt  }
0x60: {  	_ =	shalt  }
0x61: {  	_ =	shalt  }
0x62: {  	_ =	shalt  }
0x63: {  	_ =	shalt  }
0x64: {  	_ =	shalt  }
0x65: {  	_ =	shalt  }
0x66: {  	_ =	shalt  }
0x67: {  	_ =	shalt  }
0x68: {  	_ =	shalt  }
0x69: {  	_ =	shalt  }
0x6a: {  	_ =	shalt  }
0x6b: {  	_ =	shalt  }
0x6c: {  	_ =	shalt  }
0x6d: {  	_ =	shalt  }
0x6e: {  	_ =	shalt  }
0x6f: {  	_ =	shalt  }
0x70: {  	_ =	shalt  }
0x71: {  	_ =	shalt  }
0x72: {  	_ =	shalt  }
0x73: {  	_ =	shalt  }
0x74: {  	_ =	shalt  }
0x75: {  	_ =	shalt  }
0x76: {  	_ =	shalt  }
0x77: {  	_ =	shalt  }
0x78: {  	_ =	shalt  }
0x79: {  	_ =	shalt  }
0x7a: {  	_ =	shalt  }
0x7b: {  	_ =	shalt  }
0x7c: {  	_ =	shalt  }
0x7d: {  	_ =	shalt  }
0x7e: {  	_ =	shalt  }
0x7f: {  	_ =	shalt  }
0x80: {  	_ =	shalt  }
0x81: {  	_ =	shalt  }
0x82: {  	_ =	shalt  }
0x83: {  	_ =	shalt  }
0x84: {  	_ =	shalt  }
0x85: {  	_ =	shalt  }
0x86: {  	_ =	shalt  }
0x87: {  	_ =	shalt  }
.Lfunc_end0:
.L_simem_size_0:
called_computation_lowered:
.L_overlay_start_0:
0x88: {  	s2 =	sld [smem:$0x3FD9]  }
0x89: {  	s3 =	sld [smem:$0x3FFE];
	_ =	sdelay $0x1  }
0x8a: {  	s1 =	srdreg.scid  }
0x8b: {  	s0 =	sand.u32 $0x1, s1  }
0x8c: {  	s14 =	sshll.u32 s0, $0xA;
	s2 =	sadd.s32 s3, s2  }
0x8d: {  	s2 =	sadd.s32 s2, s14  }
0x8e: {  	[smem:$0x3FBE] =	sst s2  }
0x8f: {  	_ = 	snop  }
0x90: {  	s2 =	sld [smem:$0x3FD0];
	_ =	sdelay $0x2  }
0x91: {  	s15 =	simm.s32 $0xA;
	s4 =	simm.s32 $0x10  }
0x92: {  	[smem:s4], [sflag:s15] =	dma.local [hbm:s2], $0x1  }
0x93: {  	_ =	swait.eq [sflag:s15], $0x1  }
0x94: {  	[sflag:s15] =	ssyncset.done $0x0  }
0x95: {  	s16 =	sld [smem:$0x10];
	[sflag:s15] =	ssyncadd.s32 $0xFFFFFFFF  }
0x96: {  	s17 =	sld [smem:$0x11];
	(tm) =	ssettm $0x1  }
0x97: {  	s18 =	sld [smem:$0x3FFB];
	_ =	sdelay $0x3  }
0x98: {  	_ =	strace s18  }
0x99: {  	s4 =	sld [smem:$0x3FFC];
	_ =	sdelay $0x3  }
0x9a: {  	_ =	strace s4  }
0x9b: {  	s4 =	sld [smem:$0x3FFD];
	_ =	sdelay $0x3  }
0x9c: {  	_ =	strace s4  }
0x9d: {  	_ =	strace $0x8FFFFFFF  }
0x9e: {  	s19 =	sld [smem:$0x3FDB];
	_ =	sdelay $0x1  }
0x9f: {  	s5 =	simm.s32 $_scs_section_size  }
0xa0: {  	s6 =	simm.s32 $_size__tile_overlayer_lowered;
	s7 =	simm.s32 $_tile_overlayer_lowered  }
0xa1: {  	s22 =	simm.s32 $0x1BFF;
	s21 =	sshll.u32 s7, $0x1;
	s4 =	sadd.s32 s5, s19  }
0xa2: {  	s8 =	simm.s32 $0x0;
	s20 =	sshll.u32 s6, $0x1;
	s6 =	sadd.s32 s21, s4  }
0xa3: {  	[timem:s8], [sflag:s22] =	dma.local [hbm:s6], s20  }
0xa4: {  	_ =	swait.ge [sflag:s22], s20  }
0xa5: {  	s5 =	ssub.s32 $0x0, s20;
	[sflag:s22] =	ssyncset.done $0x0  }
0xa6: {  	[sflag:s22] =	ssyncadd.s32 s5;
	_ =	sdelay $0x1  }
0xa7: {  	s23 =	simm.s32 $0x1B8B  }
0xa8: {  	_ =	swait.ge [sflag:s23], $0x1  }
0xa9: {  	[sflag:s23] =	ssyncset.done $0x0  }
0xaa: {  	s25 =	simm.s32 $0x1B8E;
	s24 =	sld [smem:$0x3FFE];
	[sflag:s23] =	ssyncadd.s32 $0xFFFFFFFF  }
0xab: {  	s26 =	simm.s32 $execute0_lowered;
	[smem:$0x3FD2] =	sst s25  }
0xac: {  	s6 =	sshll.u32 s26, $0x1;
	_ =	strace $0x80000046;
	[dreg:$0x1] =	wrdreg $0xFFFFFFFF  }
0xad: {  	s28 =	simm.s32 $_size_execute0_lowered;
	s4 =	sadd.s32 s4, s6;
	[dreg:$0x0] =	wrdreg $0x0  }
0xae: {  	s6 =	sshll.u32 s28, $0x1;
	[dreg:$0x2] =	wrdreg s4  }
0xaf: {  	[dreg:$0x3] =	wrdreg s6  }
0xb0: {  	[dreg:$0x4] =	wrdreg $0xC0  }
0xb1: {  	_ =	task [dreg:s8], $0x5FFFF  }
0xb2: {  	[dreg:$0x1] =	wrdreg $0xFFFFFFFF  }
0xb3: {  	[dreg:$0x0] =	wrdreg $0x60  }
0xb4: {  	[dreg:$0x2] =	wrdreg s17  }
0xb5: {  	[dreg:$0x3] =	wrdreg s16  }
0xb6: {  	[dreg:$0x4] =	wrdreg s24  }
0xb7: {  	[dreg:$0x5] =	wrdreg $0x0  }
0xb8: {  	[dreg:$0x6] =	wrdreg $0x9  }
0xb9: {  	_ =	task.clear_ibuf [dreg:s8], $0x7FFFF;
	_ =	strace $0x90000046  }
0xba: {  	s29 =	simm.s32 $0x9;
	_ =	strace $0x80000048  }
0xbb: {  	_ =	swait.ge [sflag:s29], $0x1  }
0xbc: {  	[sflag:s29] =	ssyncadd.s32 $0xFFFFFFFF  }
0xbd: {  	_ =	strace $0x90000048  }
0xbe: {  	_ =	sfence  }
0xbf: {  	s30 =	sld [smem:$0x0];
	_ =	sdelay $0x2  }
0xc0: {  	s31 =	sshll.u32 s1, $0xD;
	s1 =	sshrl.u32 s1, $0x2  }
0xc1: {  	s3 =	sand.u32 $0x4000, s31;
	s1 =	sadd.s32 s1, s30  }
0xc2: {  	s0 =	sor.u32 s3, s0;
	s1 =	sshll.u32 s1, $0x11  }
0xc3: {  	s0 =	sor.u32 s1, s0  }
0xc4: {  	s0 =	sadd.s32 $0x8F2B, s0  }
0xc5: {  	[sflag:s0] =	ssyncadd.remote.s32 $0x1  }
0xc6: {  	_ =	sfence.sel $0xFFFF  }
0xc7: {  	[dreg:$0x0] =	wrdreg $0xFFFFFFFF;
	(pc) =	sbr.abs _section_cstart, $3  }
0xc8: {  	[dreg:$0x1] =	wrdreg $0xFFFFFFFF  }
0xc9: {  	_ =	task.clear_ibuf [dreg:s8], $0x2FFFF;
	_ =	strace $0x9FFFFFFF  }
0xca: {  	(tm) =	ssettm $0x7FFFFFFF  }
0xcb: {  	_ =	shalt  }
tec
execute0_lowered:
.L_overlay_start_1:
0x0: {  	(tag) =	ssettag $0x1  }
0x1: {  	s1 =	rddreg [dreg:$0x0]  }
0x2: {  	s2 =	rddreg [dreg:$0x1]  }
0x3: {  	s0 =	rddreg [dreg:$0x2]  }
0x4: {  	s3 =	rddreg [dreg:$0x3];
	s5 =	simm.s32 $0x0;
	s11 =	stileid.u32  }
0x5: {  	s12 =	srdreg.scid;
	s28 =	simm.s32 $0x3;
	s29 =	simm.s32 $0x14000  }
0x6: {  	s30 =	simm.s32 $0x15000;
	s31 =	simm.s32 $0x80;
	[smem:$0x7FF] =	sst s5  }
0x7: {  	s6 =	sadd.s32 $0x1800, s0;
	s23 =	sadd.s32 $0x32A00, s0;
	s7 =	sadd.s32 $0x3CA00, s0  }
0x8: {  	s9 =	sadd.s32 $0x46A00, s0;
	_ =	strace $0x80000047;
	[dreg:$0x9] =	wrdreg s7  }
0x9: {  	s4 =	smul.u32 $0x500, s11;
	s10 =	sadd.s32 $0x28A00, s0;
	[dreg:$0xa] =	wrdreg s9  }
0xa: {  	s8 =	smul.u32 $0x50000, s11;
	s13 =	sadd.s32 $0x5B200, s0;
	[dreg:$0xb] =	wrdreg s10  }
0xb: {  	s14 =	sadd.s32 $0x83200, s0;
	s21 =	smul.u32 $0x5000, s11;
	[dreg:$0xd] =	wrdreg s13  }
0xc: {  	s25 =	smul.u32 $0x2800, s11;
	s11 =	simm.s32 $0x14100;
	[dreg:$0xe] =	wrdreg s14  }
0xd: {  	s9 =	sadd.s32 $0x5AA00, s0;
	s7 =	sand.u32 $0x1, s12;
	[dreg:$0x8] =	wrdreg s23  }
0xe: {  	s10 =	sadd.s32 $0xAB200, s0;
	s13 =	simm.s32 $0x2;
	[dreg:$0xc] =	wrdreg s9  }
0xf: {  	s14 =	simm.s32 $0x15300;
	s4 =	sadd.s32 s4, s0;
	[dreg:$0xf] =	wrdreg s10  }
0x10: {  	s15 =	ssub.s32 $0x2, s7;
	s8 =	sshrl.u32 s8, $0x2;
	[dreg:$0x15] =	wrdreg s21  }
0x11: {  	s0 =	sadd.s32 $0xD3200, s0;
	[dreg:$0x17] =	wrdreg s25;
	p0 =	sne.s32 s7, $0x0  }
0x12: {  	s21 =	simm.s32 $0x14200;
	s7 =	simm.s32 $0x15200;
	s9 =	simm.s32 $0x15280  }
0x13: {  	s10 =	simm.s32 $0x14380;
	[dreg:$0x11] =	wrdreg s0;
	s20 =	sadd.s32 $0x55A00, s4  }
0x14: {  	s25 =	simm.s32 $0x0;
	s12 =	sadd.s32 s8, s3;
	[dreg:$0x6] =	wrdreg s20  }
0x15: {  	s16 =	sshrl.u32 s15, $0x1;
	s22 =	sadd.s32 $0x55D80, s4;
	[dreg:$0x10] =	wrdreg s12  }
0x16: {  	s26 =	sadd.s32 $0x50A00, s4;
	s17 =	ssub.s32 s15, s16;
	[dreg:$0x5] =	wrdreg s22  }
0x17: {  	s8 =	sadd.s32 $0x4000, s12;
	s18 =	sadd.s32 $0x8000, s12;
	[dreg:$0x7] =	wrdreg s26  }
0x18: {  	s19 =	sadd.s32 $0xC000, s12;
	s24 =	sadd.s32 $0x10000, s12;
	[dreg:$0x12] =	wrdreg s8  }
0x19: {  	s26 =	simm.s32 $0x16000;
	s12 =	simm.s32 $0x1A000;
	[dreg:$0x13] =	wrdreg s18  }
.Ltmp0:
0x1a: {  	s22 =	simm.s32 $0x15180;
	[dreg:$0x14] =	wrdreg s19;
	(pc) =	sbr.rel .LBB2_1-.Ltmp0, $4  }
0x1b: {  	s15 =	simm.s32 $0x14280;
	s16 =	simm.s32 $0x15380;
	[dreg:$0x16] =	wrdreg s24  }
0x1c: {  	s0 =	smax.u32 s17, $0x1;
	s24 =	sadd.s32 $0x50D80, s4;
	s17 =	simm.s32 $0x15080  }
0x1d: {  	s18 =	simm.s32 $0x14180;
	s19 =	simm.s32 $0x15100;
	[dreg:$0x18] =	wrdreg s0  }
0x1e: {  	s8 =	simm.s32 $0x14300;
	s0 =	simm.s32 $0x1;
	[dreg:$0x19] =	wrdreg s24  }
.LBB2_17:
0x1f: {  	s20 =	rddreg [dreg:$0x17];
	[bflag:$0x0] =	sbarrier.arrive $0xFFFF  }
0x20: {  	s24 =	rddreg [dreg:$0x1b]  }
0x21: {  	s4 =	sadd.s32 s4, s20;
	s23 =	rddreg [dreg:$0x1c]  }
0x22: {  	[hbm:s4], [sflag:s24] =	dma.local [spmem:s23], $0x2800  }
0x23: {  	_ =	swait.ge [sflag:s28], $0x2800  }
0x24: {  	s25 =	sadd.s32 $0x1, s25;
	s24 =	rddreg [dreg:$0x18]  }
0x25: {  	p1 =	sne.s32 s25, s24  }
.Ltmp1:
0x26: {  	_ = 	snop;
	(pc) =	sbr.rel @!p1 .LBB2_18-.Ltmp1, $3  }
0x27: {  	_ =	sdelay $0x1  }
0x28: {  	[sflag:s28] =	ssyncset.done $0x0  }
0x29: {  	s23 =	rddreg [dreg:$0x8];
	[sflag:s28] =	ssyncadd.s32 $0xFFFFD800  }
.LBB2_1:
0x2a: {  	[dreg:$0x1a] =	wrdreg s25  }
0x2b: {  	s4 =	rddreg [dreg:$0xc]  }
0x2c: {  	[tilespmem:s26], [sflag:$0x3] =	stream.linear.gather [hbm4b:s4+s5], $0x4000, $0x38;
	[tilespmem:$0x1E000] =	vst v63  }
0x2d: {  	_ =	swait.ge [sflag:s28], $0x4000  }
0x2e: {  	[sflag:s28] =	ssyncset.done $0x0  }
0x2f: {  	s24 =	rddreg [dreg:$0x10];
	[sflag:s28] =	ssyncadd.s32 $0xFFFFC000  }
0x30: {  	[spmem:s24] =	stream.linear.scatter [tilespmem:s26], [sflag:$0x3], $0x4000, $0x38;
	[tilespmem:$0x1E000] =	vst v63  }
0x31: {  	_ =	swait.ge [sflag:s28], $0x4000  }
0x32: {  	[sflag:s28] =	ssyncset.done $0x0  }
0x33: {  	s25 =	rddreg [dreg:$0x12];
	[sflag:s28] =	ssyncadd.s32 $0xFFFFC000  }
0x34: {  	[spmem:s25] =	stream.linear.scatter [tilespmem:s26], [sflag:$0x3], $0x4000, $0x38;
	[tilespmem:$0x1E000] =	vst v63  }
0x35: {  	_ =	swait.ge [sflag:s28], $0x4000  }
0x36: {  	[sflag:s28] =	ssyncset.done $0x0  }
0x37: {  	s20 =	rddreg [dreg:$0x13];
	[sflag:s28] =	ssyncadd.s32 $0xFFFFC000  }
0x38: {  	[spmem:s20] =	stream.linear.scatter [tilespmem:s26], [sflag:$0x3], $0x4000, $0x38;
	[tilespmem:$0x1E000] =	vst v63  }
0x39: {  	_ =	swait.ge [sflag:s28], $0x4000  }
0x3a: {  	[sflag:s28] =	ssyncset.done $0x0  }
0x3b: {  	s24 =	rddreg [dreg:$0x14];
	[sflag:s28] =	ssyncadd.s32 $0xFFFFC000  }
0x3c: {  	[spmem:s24] =	stream.linear.scatter [tilespmem:s26], [sflag:$0x3], $0x4000, $0x38;
	[tilespmem:$0x1E000] =	vst v63  }
0x3d: {  	_ =	swait.ge [sflag:s28], $0x4000  }
0x3e: {  	[sflag:s28] =	ssyncset.done $0x0  }
0x3f: {  	s25 =	rddreg [dreg:$0x16];
	[sflag:s28] =	ssyncadd.s32 $0xFFFFC000  }
0x40: {  	[spmem:s25] =	stream.linear.scatter [tilespmem:s26], [sflag:$0x3], $0x4000, $0x38;
	[tilespmem:$0x1E000] =	vst v63  }
.Ltmp2:
0x41: {  	_ =	swait.ge [sflag:s28], $0x4000;
	(pc) =	sbr.rel @p0 .LBB2_6-.Ltmp2, $4  }
0x42: {  	[sflag:s28] =	ssyncset.done $0x0  }
0x43: {  	[sflag:s28] =	ssyncadd.s32 $0xFFFFC000  }
0x44: {  	[bflag:$0x0] =	sbarrier.arrive $0xFFFF  }
0x45: {  	s4 =	simm.s32 $0x0;
	s20 =	simm.s32 $0x0  }
.LBB2_2:
0x46: {  	s20 =	sshll.u32 s4, $0xC;
	s24 =	rddreg [dreg:$0x15]  }
0x47: {  	s20 =	sadd.s32 s24, s20  }
0x48: {  	s20 =	sshrl.u32 s20, $0x3  }
0x49: {  	s25 =	simm.s32 $0x0;
	s24 =	sadd.s32 s23, s20  }
0x4a: {  	[tilespmem:s29], [sflag:$0x3] =	stream.linear.gather [hbm4b:s24+s25], $0x1000, $0x38;
	[tilespmem:$0x1E000] =	vst v63  }
0x4b: {  	_ =	swait.ge [sflag:s28], $0x1000  }
0x4c: {  	[sflag:s28] =	ssyncset.done $0x0;
	s24 =	rddreg [dreg:$0x9]  }
0x4d: {  	[sflag:s28] =	ssyncadd.s32 $0xFFFFF000;
	s20 =	sadd.s32 s24, s20  }
0x4e: {  	[tilespmem:s30], [sflag:$0x3] =	stream.linear.gather [hbm4b:s20+s25], $0x1000, $0x38;
	[tilespmem:$0x1E000] =	vst v63  }
0x4f: {  	_ =	swait.ge [sflag:s28], $0x1000  }
0x50: {  	[sflag:s28] =	ssyncset.done $0x0  }
0x51: {  	[sflag:s28] =	ssyncadd.s32 $0xFFFFF000  }
0x52: {  	[tilespmem:s26], [sflag:$0x1] =	stream.indirect.gather [hbm4b:s2+s31], $0x80, s29, s31, $0xb8;
	[tilespmem:$0x1E000] =	vst v63  }
0x53: {  	_ =	swait.ge [sflag:s0], $0x4000  }
0x54: {  	[sflag:s0] =	ssyncset.done $0x0  }
0x55: {  	s24 =	simm.s32 $0x14080;
	[sflag:s0] =	ssyncadd.s32 $0xFFFFC000  }
0x56: {  	[tilespmem:s12], [sflag:$0x2] =	stream.indirect.gather [hbm4b:s2+s31], $0x80, s24, s31, $0xb8;
	[tilespmem:$0x1E000] =	vst v63  }
0x57: {  	s25 =	simm.s32 $0x15000  }
0x58: {  	[spmem:s3] =	stream.indirect.scatter.add.f32 [tilespmem:s26], [sflag:$0x3], $0x80, s25, s31, $0xb8;
	[tilespmem:$0x1E000] =	vst v63  }
0x59: {  	_ =	swait.ge [sflag:s28], $0x4000  }
0x5a: {  	[sflag:s28] =	ssyncset.done $0x0  }
0x5b: {  	[sflag:s28] =	ssyncadd.s32 $0xFFFFC000  }
0x5c: {  	_ =	swait.ge [sflag:s13], $0x4000  }
0x5d: {  	[sflag:s13] =	ssyncset.done $0x0  }
0x5e: {  	s24 =	simm.s32 $0x14100;
	[sflag:s13] =	ssyncadd.s32 $0xFFFFC000  }
0x5f: {  	[tilespmem:s26], [sflag:$0x1] =	stream.indirect.gather [hbm4b:s2+s31], $0x80, s24, s31, $0xb8;
	[tilespmem:$0x1E000] =	vst v63  }
0x60: {  	s25 =	simm.s32 $0x15080  }
0x61: {  	[spmem:s3] =	stream.indirect.scatter.add.f32 [tilespmem:s12], [sflag:$0x3], $0x80, s25, s31, $0xb8;
	[tilespmem:$0x1E000] =	vst v63  }
0x62: {  	_ =	swait.ge [sflag:s28], $0x4000  }
0x63: {  	s20 =	simm.s32 $0x400;
	[sflag:s28] =	ssyncset.done $0x0  }
.LBB2_3:
0x64: {  	p1 =	sne.s32 s20, $0x3800  }
0x65: {  	[sflag:s28] =	ssyncadd.s32 $0xFFFFC000;
	s24 =	smov.u32 s20;
	s20 =	sadd.s32 $0x400, s20  }
0x66: {  	_ = 	snop  }
0x67: {  	_ =	swait.ge [sflag:s0], $0x4000  }
0x68: {  	s24 =	sshra.s32 s24, $0x2;
	[sflag:s0] =	ssyncset.done $0x0  }
0x69: {  	s25 =	sadd.s32 $0x14080, s24;
	[sflag:s0] =	ssyncadd.s32 $0xFFFFC000  }
0x6a: {  	[tilespmem:s12], [sflag:$0x2] =	stream.indirect.gather [hbm4b:s2+s31], $0x80, s25, s31, $0xb8;
	[tilespmem:$0x1E000] =	vst v63  }
0x6b: {  	s25 =	sadd.s32 $0x15000, s24  }
0x6c: {  	[spmem:s3] =	stream.indirect.scatter.add.f32 [tilespmem:s26], [sflag:$0x3], $0x80, s25, s31, $0xb8;
	[tilespmem:$0x1E000] =	vst v63  }
0x6d: {  	_ =	swait.ge [sflag:s28], $0x4000  }
0x6e: {  	[sflag:s28] =	ssyncset.done $0x0  }
0x6f: {  	[sflag:s28] =	ssyncadd.s32 $0xFFFFC000  }
0x70: {  	_ =	swait.ge [sflag:s13], $0x4000  }
0x71: {  	[sflag:s13] =	ssyncset.done $0x0  }
0x72: {  	s25 =	sadd.s32 $0x14100, s24;
	[sflag:s13] =	ssyncadd.s32 $0xFFFFC000  }
0x73: {  	[tilespmem:s26], [sflag:$0x1] =	stream.indirect.gather [hbm4b:s2+s31], $0x80, s25, s31, $0xb8;
	[tilespmem:$0x1E000] =	vst v63  }
.Ltmp3:
0x74: {  	_ = 	snop;
	(pc) =	sbr.rel @p1 .LBB2_3-.Ltmp3, $4  }
0x75: {  	s24 =	sadd.s32 $0x15080, s24  }
0x76: {  	[spmem:s3] =	stream.indirect.scatter.add.f32 [tilespmem:s12], [sflag:$0x3], $0x80, s24, s31, $0xb8;
	[tilespmem:$0x1E000] =	vst v63  }
0x77: {  	_ =	swait.ge [sflag:s28], $0x4000  }
0x78: {  	[sflag:s28] =	ssyncset.done $0x0  }
0x79: {  	[sflag:s28] =	ssyncadd.s32 $0xFFFFC000  }
0x7a: {  	_ =	swait.ge [sflag:s0], $0x4000  }
0x7b: {  	[sflag:s0] =	ssyncset.done $0x0  }
0x7c: {  	s20 =	simm.s32 $0x14F80;
	[sflag:s0] =	ssyncadd.s32 $0xFFFFC000  }
0x7d: {  	[tilespmem:s12], [sflag:$0x2] =	stream.indirect.gather [hbm4b:s2+s31], $0x80, s20, s31, $0xb8;
	[tilespmem:$0x1E000] =	vst v63  }
0x7e: {  	s24 =	simm.s32 $0x15F00  }
0x7f: {  	[spmem:s3] =	stream.indirect.scatter.add.f32 [tilespmem:s26], [sflag:$0x3], $0x80, s24, s31, $0xb8;
	[tilespmem:$0x1E000] =	vst v63  }
0x80: {  	_ =	swait.ge [sflag:s28], $0x4000  }
0x81: {  	[sflag:s28] =	ssyncset.done $0x0  }
0x82: {  	[sflag:s28] =	ssyncadd.s32 $0xFFFFC000  }
0x83: {  	s4 =	sadd.s32 $0x1, s4;
	_ =	swait.ge [sflag:s13], $0x4000  }
0x84: {  	p1 =	seq.s32 s4, $0x5;
	[sflag:s13] =	ssyncset.done $0x0  }
.Ltmp4:
0x85: {  	s25 =	simm.s32 $0x15F80;
	[sflag:s13] =	ssyncadd.s32 $0xFFFFC000;
	(pc) =	sbr.rel @!p1 .LBB2_2-.Ltmp4, $4  }
0x86: {  	[spmem:s3] =	stream.indirect.scatter.add.f32 [tilespmem:s12], [sflag:$0x3], $0x80, s25, s31, $0xb8;
	[tilespmem:$0x1E000] =	vst v63  }
0x87: {  	_ =	swait.ge [sflag:s28], $0x4000  }
0x88: {  	[sflag:s28] =	ssyncset.done $0x0  }
0x89: {  	[sflag:s28] =	ssyncadd.s32 $0xFFFFC000  }
.Ltmp5:
0x8a: {  	(pc) =	sbr.rel .LBB2_10-.Ltmp5, $2  }
0x8b: {  	_ =	sdelay $0x2  }
0x8c: {  	s4 =	rddreg [dreg:$0xd]  }
.LBB2_6:
0x8d: {  	s4 =	sshll.u32 s20, $0xC;
	s24 =	rddreg [dreg:$0x15]  }
0x8e: {  	s4 =	sadd.s32 s24, s4  }
0x8f: {  	s25 =	rddreg [dreg:$0xa];
	s4 =	sshrl.u32 s4, $0x3  }
0x90: {  	s24 =	sadd.s32 s25, s4;
	s25 =	simm.s32 $0x0  }
0x91: {  	[tilespmem:s29], [sflag:$0x3] =	stream.linear.gather [hbm4b:s24+s25], $0x1000, $0x38;
	[tilespmem:$0x1E000] =	vst v63  }
0x92: {  	_ =	swait.ge [sflag:s28], $0x1000  }
0x93: {  	[sflag:s28] =	ssyncset.done $0x0;
	s23 =	rddreg [dreg:$0xb]  }
0x94: {  	[sflag:s28] =	ssyncadd.s32 $0xFFFFF000;
	s4 =	sadd.s32 s23, s4  }
0x95: {  	[tilespmem:s30], [sflag:$0x3] =	stream.linear.gather [hbm4b:s4+s25], $0x1000, $0x38;
	[tilespmem:$0x1E000] =	vst v63  }
0x96: {  	_ =	swait.ge [sflag:s28], $0x1000  }
0x97: {  	[sflag:s28] =	ssyncset.done $0x0  }
0x98: {  	[sflag:s28] =	ssyncadd.s32 $0xFFFFF000  }
0x99: {  	[tilespmem:s26], [sflag:$0x1] =	stream.indirect.gather [hbm4b:s1+s31], $0x80, s29, s31, $0xb8;
	[tilespmem:$0x1E000] =	vst v63  }
0x9a: {  	_ =	swait.ge [sflag:s0], $0x4000  }
0x9b: {  	[sflag:s0] =	ssyncset.done $0x0  }
0x9c: {  	s25 =	simm.s32 $0x14080;
	[sflag:s0] =	ssyncadd.s32 $0xFFFFC000  }
0x9d: {  	[tilespmem:s12], [sflag:$0x2] =	stream.indirect.gather [hbm4b:s1+s31], $0x80, s25, s31, $0xb8;
	[tilespmem:$0x1E000] =	vst v63  }
0x9e: {  	s23 =	simm.s32 $0x15000  }
0x9f: {  	[spmem:s3] =	stream.indirect.scatter.add.f32 [tilespmem:s26], [sflag:$0x3], $0x80, s23, s31, $0xb8;
	[tilespmem:$0x1E000] =	vst v63  }
0xa0: {  	_ =	swait.ge [sflag:s28], $0x4000  }
0xa1: {  	[sflag:s28] =	ssyncset.done $0x0  }
0xa2: {  	[sflag:s28] =	ssyncadd.s32 $0xFFFFC000  }
0xa3: {  	_ =	swait.ge [sflag:s13], $0x4000  }
0xa4: {  	[sflag:s13] =	ssyncset.done $0x0  }
0xa5: {  	s24 =	simm.s32 $0x14100;
	[sflag:s13] =	ssyncadd.s32 $0xFFFFC000  }
0xa6: {  	[tilespmem:s26], [sflag:$0x1] =	stream.indirect.gather [hbm4b:s1+s31], $0x80, s24, s31, $0xb8;
	[tilespmem:$0x1E000] =	vst v63  }
0xa7: {  	s25 =	simm.s32 $0x15080  }
0xa8: {  	[spmem:s3] =	stream.indirect.scatter.add.f32 [tilespmem:s12], [sflag:$0x3], $0x80, s25, s31, $0xb8;
	[tilespmem:$0x1E000] =	vst v63  }
0xa9: {  	_ =	swait.ge [sflag:s28], $0x4000  }
0xaa: {  	s4 =	simm.s32 $0x400;
	[sflag:s28] =	ssyncset.done $0x0  }
.LBB2_7:
0xab: {  	p1 =	sne.s32 s4, $0x3800  }
0xac: {  	[sflag:s28] =	ssyncadd.s32 $0xFFFFC000;
	s24 =	smov.u32 s4;
	s4 =	sadd.s32 $0x400, s4  }
0xad: {  	_ = 	snop  }
0xae: {  	_ =	swait.ge [sflag:s0], $0x4000  }
0xaf: {  	s24 =	sshra.s32 s24, $0x2;
	[sflag:s0] =	ssyncset.done $0x0  }
0xb0: {  	s25 =	sadd.s32 $0x14080, s24;
	[sflag:s0] =	ssyncadd.s32 $0xFFFFC000  }
0xb1: {  	[tilespmem:s12], [sflag:$0x2] =	stream.indirect.gather [hbm4b:s1+s31], $0x80, s25, s31, $0xb8;
	[tilespmem:$0x1E000] =	vst v63  }
0xb2: {  	s25 =	sadd.s32 $0x15000, s24  }
0xb3: {  	[spmem:s3] =	stream.indirect.scatter.add.f32 [tilespmem:s26], [sflag:$0x3], $0x80, s25, s31, $0xb8;
	[tilespmem:$0x1E000] =	vst v63  }
0xb4: {  	_ =	swait.ge [sflag:s28], $0x4000  }
0xb5: {  	[sflag:s28] =	ssyncset.done $0x0  }
0xb6: {  	[sflag:s28] =	ssyncadd.s32 $0xFFFFC000  }
0xb7: {  	_ =	swait.ge [sflag:s13], $0x4000  }
0xb8: {  	[sflag:s13] =	ssyncset.done $0x0  }
0xb9: {  	s25 =	sadd.s32 $0x14100, s24;
	[sflag:s13] =	ssyncadd.s32 $0xFFFFC000  }
0xba: {  	[tilespmem:s26], [sflag:$0x1] =	stream.indirect.gather [hbm4b:s1+s31], $0x80, s25, s31, $0xb8;
	[tilespmem:$0x1E000] =	vst v63  }
.Ltmp6:
0xbb: {  	_ = 	snop;
	(pc) =	sbr.rel @p1 .LBB2_7-.Ltmp6, $4  }
0xbc: {  	s24 =	sadd.s32 $0x15080, s24  }
0xbd: {  	[spmem:s3] =	stream.indirect.scatter.add.f32 [tilespmem:s12], [sflag:$0x3], $0x80, s24, s31, $0xb8;
	[tilespmem:$0x1E000] =	vst v63  }
0xbe: {  	_ =	swait.ge [sflag:s28], $0x4000  }
0xbf: {  	[sflag:s28] =	ssyncset.done $0x0  }
0xc0: {  	[sflag:s28] =	ssyncadd.s32 $0xFFFFC000  }
0xc1: {  	_ =	swait.ge [sflag:s0], $0x4000  }
0xc2: {  	[sflag:s0] =	ssyncset.done $0x0  }
0xc3: {  	s4 =	simm.s32 $0x14F80;
	[sflag:s0] =	ssyncadd.s32 $0xFFFFC000  }
0xc4: {  	[tilespmem:s12], [sflag:$0x2] =	stream.indirect.gather [hbm4b:s1+s31], $0x80, s4, s31, $0xb8;
	[tilespmem:$0x1E000] =	vst v63  }
0xc5: {  	s24 =	simm.s32 $0x15F00  }
0xc6: {  	[spmem:s3] =	stream.indirect.scatter.add.f32 [tilespmem:s26], [sflag:$0x3], $0x80, s24, s31, $0xb8;
	[tilespmem:$0x1E000] =	vst v63  }
0xc7: {  	_ =	swait.ge [sflag:s28], $0x4000  }
0xc8: {  	[sflag:s28] =	ssyncset.done $0x0  }
0xc9: {  	[sflag:s28] =	ssyncadd.s32 $0xFFFFC000  }
0xca: {  	s20 =	sadd.s32 $0x1, s20;
	_ =	swait.ge [sflag:s13], $0x4000  }
0xcb: {  	p1 =	sne.s32 s20, $0x5;
	[sflag:s13] =	ssyncset.done $0x0  }
.Ltmp7:
0xcc: {  	s25 =	simm.s32 $0x15F80;
	[sflag:s13] =	ssyncadd.s32 $0xFFFFC000;
	(pc) =	sbr.rel @p1 .LBB2_6-.Ltmp7, $4  }
0xcd: {  	[spmem:s3] =	stream.indirect.scatter.add.f32 [tilespmem:s12], [sflag:$0x3], $0x80, s25, s31, $0xb8;
	[tilespmem:$0x1E000] =	vst v63  }
0xce: {  	_ =	swait.ge [sflag:s28], $0x4000  }
0xcf: {  	[sflag:s28] =	ssyncset.done $0x0  }
0xd0: {  	[sflag:s28] =	ssyncadd.s32 $0xFFFFC000  }
0xd1: {  	s4 =	rddreg [dreg:$0xe]  }
.LBB2_10:
0xd2: {  	s20 =	rddreg [dreg:$0x17];
	s23 =	stileid.u32  }
0xd3: {  	[bflag:$0x0] =	sbarrier.arrive $0xFFFF;
	s4 =	sadd.s32 s4, s20;
	s20 =	sshll.u32 s23, $0x6  }
0xd4: {  	s23 =	rddreg [dreg:$0x10];
	s20 =	sor.u32 $0x1C03, s20  }
0xd5: {  	s24 =	sshrl.u32 s23, $0x3;
	[dreg:$0x1b] =	wrdreg s20  }
0xd6: {  	[dreg:$0x1c] =	wrdreg s24  }
0xd7: {  	[hbm:s4], [sflag:s20] =	dma.local [spmem:s24], $0x2800  }
0xd8: {  	_ =	swait.ge [sflag:s28], $0x2800  }
0xd9: {  	[sflag:s28] =	ssyncset.done $0x0  }
0xda: {  	s24 =	simm.s32 $0x0;
	s25 =	rddreg [dreg:$0xc];
	[sflag:s28] =	ssyncadd.s32 $0xFFFFD800  }
0xdb: {  	[tilespmem:s26], [sflag:$0x3] =	stream.linear.gather [hbm4b:s25+s24], $0x4000, $0x38;
	[tilespmem:$0x1E000] =	vst v63  }
0xdc: {  	_ =	swait.ge [sflag:s28], $0x4000  }
0xdd: {  	[sflag:s28] =	ssyncset.done $0x0  }
0xde: {  	[sflag:s28] =	ssyncadd.s32 $0xFFFFC000  }
0xdf: {  	[spmem:s23] =	stream.linear.scatter [tilespmem:s26], [sflag:$0x3], $0x4000, $0x38;
	[tilespmem:$0x1E000] =	vst v63  }
0xe0: {  	_ =	swait.ge [sflag:s28], $0x4000  }
0xe1: {  	[sflag:s28] =	ssyncset.done $0x0  }
0xe2: {  	s20 =	rddreg [dreg:$0x12];
	[sflag:s28] =	ssyncadd.s32 $0xFFFFC000  }
0xe3: {  	[spmem:s20] =	stream.linear.scatter [tilespmem:s26], [sflag:$0x3], $0x4000, $0x38;
	[tilespmem:$0x1E000] =	vst v63  }
0xe4: {  	_ =	swait.ge [sflag:s28], $0x4000  }
0xe5: {  	[sflag:s28] =	ssyncset.done $0x0  }
0xe6: {  	s23 =	rddreg [dreg:$0x13];
	[sflag:s28] =	ssyncadd.s32 $0xFFFFC000  }
0xe7: {  	[spmem:s23] =	stream.linear.scatter [tilespmem:s26], [sflag:$0x3], $0x4000, $0x38;
	[tilespmem:$0x1E000] =	vst v63  }
0xe8: {  	_ =	swait.ge [sflag:s28], $0x4000  }
0xe9: {  	[sflag:s28] =	ssyncset.done $0x0  }
0xea: {  	s24 =	rddreg [dreg:$0x14];
	[sflag:s28] =	ssyncadd.s32 $0xFFFFC000  }
0xeb: {  	[spmem:s24] =	stream.linear.scatter [tilespmem:s26], [sflag:$0x3], $0x4000, $0x38;
	[tilespmem:$0x1E000] =	vst v63  }
0xec: {  	_ =	swait.ge [sflag:s28], $0x4000  }
0xed: {  	[sflag:s28] =	ssyncset.done $0x0  }
0xee: {  	s25 =	rddreg [dreg:$0x16];
	[sflag:s28] =	ssyncadd.s32 $0xFFFFC000  }
0xef: {  	[spmem:s25] =	stream.linear.scatter [tilespmem:s26], [sflag:$0x3], $0x4000, $0x38;
	[tilespmem:$0x1E000] =	vst v63  }
.Ltmp8:
0xf0: {  	_ =	swait.ge [sflag:s28], $0x4000;
	(pc) =	sbr.rel @p0 .LBB2_14-.Ltmp8, $4  }
0xf1: {  	[sflag:s28] =	ssyncset.done $0x0  }
0xf2: {  	[sflag:s28] =	ssyncadd.s32 $0xFFFFC000  }
0xf3: {  	[bflag:$0x0] =	sbarrier.arrive $0xFFFF  }
0xf4: {  	s25 =	simm.s32 $0x14080  }
0xf5: {  	s23 =	rddreg [dreg:$0x7]  }
0xf6: {  	s4 =	sadd.s32 $0x0, s23  }
0xf7: {  	[tilespmem:s29], [sflag:$0x3] =	stream.linear.gather [hbm4b:s4+s5], $0x400, $0x38;
	[tilespmem:$0x1E000] =	vst v63  }
0xf8: {  	_ =	swait.ge [sflag:s28], $0x400  }
0xf9: {  	s24 =	rddreg [dreg:$0x6];
	[sflag:s28] =	ssyncset.done $0x0  }
0xfa: {  	[sflag:s28] =	ssyncadd.s32 $0xFFFFFC00;
	s4 =	sadd.s32 $0x0, s24  }
0xfb: {  	[tilespmem:s30], [sflag:$0x3] =	stream.linear.gather [hbm4b:s4+s5], $0x400, $0x38;
	[tilespmem:$0x1E000] =	vst v63  }
0xfc: {  	_ =	swait.ge [sflag:s28], $0x400  }
0xfd: {  	[sflag:s28] =	ssyncset.done $0x0  }
0xfe: {  	[sflag:s28] =	ssyncadd.s32 $0xFFFFFC00  }
0xff: {  	[tilespmem:s26], [sflag:$0x1] =	stream.indirect.gather [hbm4b:s6+s31], $0x80, s29, s31, $0xb8;
	[tilespmem:$0x1E000] =	vst v63  }
0x100: {  	_ =	swait.ge [sflag:s0], $0x4000  }
0x101: {  	[sflag:s0] =	ssyncset.done $0x0  }
0x102: {  	[sflag:s0] =	ssyncadd.s32 $0xFFFFC000  }
0x103: {  	[tilespmem:s12], [sflag:$0x2] =	stream.indirect.gather [hbm4b:s6+s31], $0x80, s25, s31, $0xb8;
	[tilespmem:$0x1E000] =	vst v63  }
0x104: {  	_ = 	snop  }
0x105: {  	[spmem:s3] =	stream.indirect.scatter.add.f32 [tilespmem:s26], [sflag:$0x3], $0x80, s30, s31, $0xb8;
	[tilespmem:$0x1E000] =	vst v63  }
0x106: {  	_ =	swait.ge [sflag:s28], $0x4000  }
0x107: {  	[sflag:s28] =	ssyncset.done $0x0  }
0x108: {  	[sflag:s28] =	ssyncadd.s32 $0xFFFFC000  }
0x109: {  	_ =	swait.ge [sflag:s13], $0x4000  }
0x10a: {  	[sflag:s13] =	ssyncset.done $0x0  }
0x10b: {  	[sflag:s13] =	ssyncadd.s32 $0xFFFFC000  }
0x10c: {  	[tilespmem:s26], [sflag:$0x1] =	stream.indirect.gather [hbm4b:s6+s31], $0x80, s11, s31, $0xb8;
	[tilespmem:$0x1E000] =	vst v63  }
0x10d: {  	_ = 	snop  }
0x10e: {  	[spmem:s3] =	stream.indirect.scatter.add.f32 [tilespmem:s12], [sflag:$0x3], $0x80, s17, s31, $0xb8;
	[tilespmem:$0x1E000] =	vst v63  }
0x10f: {  	_ =	swait.ge [sflag:s28], $0x4000  }
0x110: {  	[sflag:s28] =	ssyncset.done $0x0  }
0x111: {  	[sflag:s28] =	ssyncadd.s32 $0xFFFFC000  }
0x112: {  	_ =	swait.ge [sflag:s0], $0x4000  }
0x113: {  	[sflag:s0] =	ssyncset.done $0x0  }
0x114: {  	[sflag:s0] =	ssyncadd.s32 $0xFFFFC000  }
0x115: {  	[tilespmem:s12], [sflag:$0x2] =	stream.indirect.gather [hbm4b:s6+s31], $0x80, s18, s31, $0xb8;
	[tilespmem:$0x1E000] =	vst v63  }
0x116: {  	_ = 	snop  }
0x117: {  	[spmem:s3] =	stream.indirect.scatter.add.f32 [tilespmem:s26], [sflag:$0x3], $0x80, s19, s31, $0xb8;
	[tilespmem:$0x1E000] =	vst v63  }
0x118: {  	_ =	swait.ge [sflag:s28], $0x4000  }
0x119: {  	[sflag:s28] =	ssyncset.done $0x0  }
0x11a: {  	[sflag:s28] =	ssyncadd.s32 $0xFFFFC000  }
0x11b: {  	_ =	swait.ge [sflag:s13], $0x4000  }
0x11c: {  	[sflag:s13] =	ssyncset.done $0x0  }
0x11d: {  	[sflag:s13] =	ssyncadd.s32 $0xFFFFC000  }
0x11e: {  	[tilespmem:s26], [sflag:$0x1] =	stream.indirect.gather [hbm4b:s6+s31], $0x80, s21, s31, $0xb8;
	[tilespmem:$0x1E000] =	vst v63  }
0x11f: {  	_ = 	snop  }
0x120: {  	[spmem:s3] =	stream.indirect.scatter.add.f32 [tilespmem:s12], [sflag:$0x3], $0x80, s22, s31, $0xb8;
	[tilespmem:$0x1E000] =	vst v63  }
0x121: {  	_ =	swait.ge [sflag:s28], $0x4000  }
0x122: {  	[sflag:s28] =	ssyncset.done $0x0  }
0x123: {  	[sflag:s28] =	ssyncadd.s32 $0xFFFFC000  }
0x124: {  	_ =	swait.ge [sflag:s0], $0x4000  }
0x125: {  	[sflag:s0] =	ssyncset.done $0x0  }
0x126: {  	[sflag:s0] =	ssyncadd.s32 $0xFFFFC000  }
0x127: {  	[tilespmem:s12], [sflag:$0x2] =	stream.indirect.gather [hbm4b:s6+s31], $0x80, s15, s31, $0xb8;
	[tilespmem:$0x1E000] =	vst v63  }
0x128: {  	_ = 	snop  }
0x129: {  	[spmem:s3] =	stream.indirect.scatter.add.f32 [tilespmem:s26], [sflag:$0x3], $0x80, s7, s31, $0xb8;
	[tilespmem:$0x1E000] =	vst v63  }
0x12a: {  	_ =	swait.ge [sflag:s28], $0x4000  }
0x12b: {  	[sflag:s28] =	ssyncset.done $0x0  }
0x12c: {  	[sflag:s28] =	ssyncadd.s32 $0xFFFFC000  }
0x12d: {  	_ =	swait.ge [sflag:s13], $0x4000  }
0x12e: {  	[sflag:s13] =	ssyncset.done $0x0  }
0x12f: {  	[sflag:s13] =	ssyncadd.s32 $0xFFFFC000  }
0x130: {  	[tilespmem:s26], [sflag:$0x1] =	stream.indirect.gather [hbm4b:s6+s31], $0x80, s8, s31, $0xb8;
	[tilespmem:$0x1E000] =	vst v63  }
0x131: {  	_ = 	snop  }
0x132: {  	[spmem:s3] =	stream.indirect.scatter.add.f32 [tilespmem:s12], [sflag:$0x3], $0x80, s9, s31, $0xb8;
	[tilespmem:$0x1E000] =	vst v63  }
0x133: {  	_ =	swait.ge [sflag:s28], $0x4000  }
0x134: {  	[sflag:s28] =	ssyncset.done $0x0  }
0x135: {  	[sflag:s28] =	ssyncadd.s32 $0xFFFFC000  }
0x136: {  	_ =	swait.ge [sflag:s0], $0x4000  }
0x137: {  	[sflag:s0] =	ssyncset.done $0x0  }
0x138: {  	[sflag:s0] =	ssyncadd.s32 $0xFFFFC000  }
0x139: {  	[tilespmem:s12], [sflag:$0x2] =	stream.indirect.gather [hbm4b:s6+s31], $0x80, s10, s31, $0xb8;
	[tilespmem:$0x1E000] =	vst v63  }
0x13a: {  	_ = 	snop  }
0x13b: {  	[spmem:s3] =	stream.indirect.scatter.add.f32 [tilespmem:s26], [sflag:$0x3], $0x80, s14, s31, $0xb8;
	[tilespmem:$0x1E000] =	vst v63  }
0x13c: {  	_ =	swait.ge [sflag:s28], $0x4000  }
0x13d: {  	[sflag:s28] =	ssyncset.done $0x0  }
0x13e: {  	[sflag:s28] =	ssyncadd.s32 $0xFFFFC000  }
0x13f: {  	_ =	swait.ge [sflag:s13], $0x4000  }
0x140: {  	[sflag:s13] =	ssyncset.done $0x0  }
0x141: {  	[sflag:s13] =	ssyncadd.s32 $0xFFFFC000  }
0x142: {  	[spmem:s3] =	stream.indirect.scatter.add.f32 [tilespmem:s12], [sflag:$0x3], $0x80, s16, s31, $0xb8;
	[tilespmem:$0x1E000] =	vst v63  }
0x143: {  	_ =	swait.ge [sflag:s28], $0x4000  }
0x144: {  	s20 =	simm.s32 $0x100;
	s4 =	simm.s32 $0x80;
	[sflag:s28] =	ssyncset.done $0x0  }
.LBB2_12:
0x145: {  	s25 =	sadd.s32 s4, s23;
	[sflag:s28] =	ssyncadd.s32 $0xFFFFC000  }
0x146: {  	[tilespmem:s29], [sflag:$0x3] =	stream.linear.gather [hbm4b:s25+s5], $0x400, $0x38;
	[tilespmem:$0x1E000] =	vst v63  }
0x147: {  	s23 =	smov.u32 s20;
	s24 =	sadd.s32 $0x80, s20;
	_ =	swait.ge [sflag:s28], $0x400  }
0x148: {  	p1 =	seq.s32 s20, $0x300;
	s20 =	rddreg [dreg:$0x6];
	[sflag:s28] =	ssyncset.done $0x0  }
0x149: {  	[sflag:s28] =	ssyncadd.s32 $0xFFFFFC00;
	s20 =	sadd.s32 s4, s20  }
0x14a: {  	[tilespmem:s30], [sflag:$0x3] =	stream.linear.gather [hbm4b:s20+s5], $0x400, $0x38;
	[tilespmem:$0x1E000] =	vst v63  }
0x14b: {  	s4 =	smov.u32 s23;
	s23 =	rddreg [dreg:$0x7];
	_ =	swait.ge [sflag:s28], $0x400  }
0x14c: {  	[sflag:s28] =	ssyncset.done $0x0  }
0x14d: {  	[sflag:s28] =	ssyncadd.s32 $0xFFFFFC00  }
0x14e: {  	[tilespmem:s26], [sflag:$0x1] =	stream.indirect.gather [hbm4b:s6+s31], $0x80, s29, s31, $0xb8;
	[tilespmem:$0x1E000] =	vst v63  }
0x14f: {  	_ =	swait.ge [sflag:s0], $0x4000  }
0x150: {  	[sflag:s0] =	ssyncset.done $0x0  }
0x151: {  	s25 =	simm.s32 $0x14080;
	[sflag:s0] =	ssyncadd.s32 $0xFFFFC000  }
0x152: {  	[tilespmem:s12], [sflag:$0x2] =	stream.indirect.gather [hbm4b:s6+s31], $0x80, s25, s31, $0xb8;
	[tilespmem:$0x1E000] =	vst v63  }
0x153: {  	_ = 	snop  }
0x154: {  	[spmem:s3] =	stream.indirect.scatter.add.f32 [tilespmem:s26], [sflag:$0x3], $0x80, s30, s31, $0xb8;
	[tilespmem:$0x1E000] =	vst v63  }
0x155: {  	_ =	swait.ge [sflag:s28], $0x4000  }
0x156: {  	[sflag:s28] =	ssyncset.done $0x0  }
0x157: {  	[sflag:s28] =	ssyncadd.s32 $0xFFFFC000  }
0x158: {  	_ =	swait.ge [sflag:s13], $0x4000  }
0x159: {  	[sflag:s13] =	ssyncset.done $0x0  }
0x15a: {  	[sflag:s13] =	ssyncadd.s32 $0xFFFFC000  }
0x15b: {  	[tilespmem:s26], [sflag:$0x1] =	stream.indirect.gather [hbm4b:s6+s31], $0x80, s11, s31, $0xb8;
	[tilespmem:$0x1E000] =	vst v63  }
0x15c: {  	_ = 	snop  }
0x15d: {  	[spmem:s3] =	stream.indirect.scatter.add.f32 [tilespmem:s12], [sflag:$0x3], $0x80, s17, s31, $0xb8;
	[tilespmem:$0x1E000] =	vst v63  }
0x15e: {  	_ =	swait.ge [sflag:s28], $0x4000  }
0x15f: {  	[sflag:s28] =	ssyncset.done $0x0  }
0x160: {  	[sflag:s28] =	ssyncadd.s32 $0xFFFFC000  }
0x161: {  	_ =	swait.ge [sflag:s0], $0x4000  }
0x162: {  	[sflag:s0] =	ssyncset.done $0x0  }
0x163: {  	[sflag:s0] =	ssyncadd.s32 $0xFFFFC000  }
0x164: {  	[tilespmem:s12], [sflag:$0x2] =	stream.indirect.gather [hbm4b:s6+s31], $0x80, s18, s31, $0xb8;
	[tilespmem:$0x1E000] =	vst v63  }
0x165: {  	_ = 	snop  }
0x166: {  	[spmem:s3] =	stream.indirect.scatter.add.f32 [tilespmem:s26], [sflag:$0x3], $0x80, s19, s31, $0xb8;
	[tilespmem:$0x1E000] =	vst v63  }
0x167: {  	_ =	swait.ge [sflag:s28], $0x4000  }
0x168: {  	[sflag:s28] =	ssyncset.done $0x0  }
0x169: {  	[sflag:s28] =	ssyncadd.s32 $0xFFFFC000  }
0x16a: {  	_ =	swait.ge [sflag:s13], $0x4000  }
0x16b: {  	[sflag:s13] =	ssyncset.done $0x0  }
0x16c: {  	[sflag:s13] =	ssyncadd.s32 $0xFFFFC000  }
0x16d: {  	[tilespmem:s26], [sflag:$0x1] =	stream.indirect.gather [hbm4b:s6+s31], $0x80, s21, s31, $0xb8;
	[tilespmem:$0x1E000] =	vst v63  }
0x16e: {  	_ = 	snop  }
0x16f: {  	[spmem:s3] =	stream.indirect.scatter.add.f32 [tilespmem:s12], [sflag:$0x3], $0x80, s22, s31, $0xb8;
	[tilespmem:$0x1E000] =	vst v63  }
0x170: {  	_ =	swait.ge [sflag:s28], $0x4000  }
0x171: {  	[sflag:s28] =	ssyncset.done $0x0  }
0x172: {  	[sflag:s28] =	ssyncadd.s32 $0xFFFFC000  }
0x173: {  	_ =	swait.ge [sflag:s0], $0x4000  }
0x174: {  	[sflag:s0] =	ssyncset.done $0x0  }
0x175: {  	[sflag:s0] =	ssyncadd.s32 $0xFFFFC000  }
0x176: {  	[tilespmem:s12], [sflag:$0x2] =	stream.indirect.gather [hbm4b:s6+s31], $0x80, s15, s31, $0xb8;
	[tilespmem:$0x1E000] =	vst v63  }
0x177: {  	_ = 	snop  }
0x178: {  	[spmem:s3] =	stream.indirect.scatter.add.f32 [tilespmem:s26], [sflag:$0x3], $0x80, s7, s31, $0xb8;
	[tilespmem:$0x1E000] =	vst v63  }
0x179: {  	_ =	swait.ge [sflag:s28], $0x4000  }
0x17a: {  	[sflag:s28] =	ssyncset.done $0x0  }
0x17b: {  	[sflag:s28] =	ssyncadd.s32 $0xFFFFC000  }
0x17c: {  	_ =	swait.ge [sflag:s13], $0x4000  }
0x17d: {  	[sflag:s13] =	ssyncset.done $0x0  }
0x17e: {  	[sflag:s13] =	ssyncadd.s32 $0xFFFFC000  }
0x17f: {  	[tilespmem:s26], [sflag:$0x1] =	stream.indirect.gather [hbm4b:s6+s31], $0x80, s8, s31, $0xb8;
	[tilespmem:$0x1E000] =	vst v63  }
0x180: {  	_ = 	snop  }
0x181: {  	[spmem:s3] =	stream.indirect.scatter.add.f32 [tilespmem:s12], [sflag:$0x3], $0x80, s9, s31, $0xb8;
	[tilespmem:$0x1E000] =	vst v63  }
0x182: {  	_ =	swait.ge [sflag:s28], $0x4000  }
0x183: {  	[sflag:s28] =	ssyncset.done $0x0  }
0x184: {  	[sflag:s28] =	ssyncadd.s32 $0xFFFFC000  }
0x185: {  	_ =	swait.ge [sflag:s0], $0x4000  }
0x186: {  	[sflag:s0] =	ssyncset.done $0x0  }
0x187: {  	[sflag:s0] =	ssyncadd.s32 $0xFFFFC000  }
0x188: {  	[tilespmem:s12], [sflag:$0x2] =	stream.indirect.gather [hbm4b:s6+s31], $0x80, s10, s31, $0xb8;
	[tilespmem:$0x1E000] =	vst v63  }
0x189: {  	_ = 	snop  }
0x18a: {  	[spmem:s3] =	stream.indirect.scatter.add.f32 [tilespmem:s26], [sflag:$0x3], $0x80, s14, s31, $0xb8;
	[tilespmem:$0x1E000] =	vst v63  }
0x18b: {  	_ =	swait.ge [sflag:s28], $0x4000  }
0x18c: {  	[sflag:s28] =	ssyncset.done $0x0  }
0x18d: {  	[sflag:s28] =	ssyncadd.s32 $0xFFFFC000  }
0x18e: {  	_ =	swait.ge [sflag:s13], $0x4000  }
.Ltmp9:
0x18f: {  	[sflag:s13] =	ssyncset.done $0x0;
	(pc) =	sbr.rel @!p1 .LBB2_12-.Ltmp9, $4  }
0x190: {  	[sflag:s13] =	ssyncadd.s32 $0xFFFFC000  }
0x191: {  	[spmem:s3] =	stream.indirect.scatter.add.f32 [tilespmem:s12], [sflag:$0x3], $0x80, s16, s31, $0xb8;
	[tilespmem:$0x1E000] =	vst v63  }
0x192: {  	_ =	swait.ge [sflag:s28], $0x4000  }
0x193: {  	s20 =	smov.u32 s24;
	[sflag:s28] =	ssyncset.done $0x0  }
0x194: {  	s20 =	sadd.s32 s4, s23;
	[sflag:s28] =	ssyncadd.s32 $0xFFFFC000  }
0x195: {  	[tilespmem:s29], [sflag:$0x3] =	stream.linear.gather [hbm4b:s20+s5], $0x400, $0x38;
	[tilespmem:$0x1E000] =	vst v63  }
0x196: {  	_ =	swait.ge [sflag:s28], $0x400  }
0x197: {  	s23 =	rddreg [dreg:$0x6];
	[sflag:s28] =	ssyncset.done $0x0  }
0x198: {  	s24 =	sadd.s32 s4, s23;
	[sflag:s28] =	ssyncadd.s32 $0xFFFFFC00  }
0x199: {  	[tilespmem:s30], [sflag:$0x3] =	stream.linear.gather [hbm4b:s24+s5], $0x400, $0x38;
	[tilespmem:$0x1E000] =	vst v63  }
0x19a: {  	_ =	swait.ge [sflag:s28], $0x400  }
0x19b: {  	[sflag:s28] =	ssyncset.done $0x0  }
0x19c: {  	[sflag:s28] =	ssyncadd.s32 $0xFFFFFC00  }
0x19d: {  	[tilespmem:s26], [sflag:$0x1] =	stream.indirect.gather [hbm4b:s6+s31], $0x80, s29, s31, $0xb8;
	[tilespmem:$0x1E000] =	vst v63  }
0x19e: {  	_ =	swait.ge [sflag:s0], $0x4000  }
0x19f: {  	[sflag:s0] =	ssyncset.done $0x0  }
0x1a0: {  	[sflag:s0] =	ssyncadd.s32 $0xFFFFC000  }
0x1a1: {  	[tilespmem:s12], [sflag:$0x2] =	stream.indirect.gather [hbm4b:s6+s31], $0x80, s25, s31, $0xb8;
	[tilespmem:$0x1E000] =	vst v63  }
0x1a2: {  	_ = 	snop  }
0x1a3: {  	[spmem:s3] =	stream.indirect.scatter.add.f32 [tilespmem:s26], [sflag:$0x3], $0x80, s30, s31, $0xb8;
	[tilespmem:$0x1E000] =	vst v63  }
0x1a4: {  	_ =	swait.ge [sflag:s28], $0x4000  }
0x1a5: {  	[sflag:s28] =	ssyncset.done $0x0  }
0x1a6: {  	[sflag:s28] =	ssyncadd.s32 $0xFFFFC000  }
0x1a7: {  	_ =	swait.ge [sflag:s13], $0x4000  }
0x1a8: {  	[sflag:s13] =	ssyncset.done $0x0  }
0x1a9: {  	[sflag:s13] =	ssyncadd.s32 $0xFFFFC000  }
0x1aa: {  	[tilespmem:s26], [sflag:$0x1] =	stream.indirect.gather [hbm4b:s6+s31], $0x80, s11, s31, $0xb8;
	[tilespmem:$0x1E000] =	vst v63  }
0x1ab: {  	_ = 	snop  }
0x1ac: {  	[spmem:s3] =	stream.indirect.scatter.add.f32 [tilespmem:s12], [sflag:$0x3], $0x80, s17, s31, $0xb8;
	[tilespmem:$0x1E000] =	vst v63  }
0x1ad: {  	_ =	swait.ge [sflag:s28], $0x4000  }
0x1ae: {  	[sflag:s28] =	ssyncset.done $0x0  }
0x1af: {  	[sflag:s28] =	ssyncadd.s32 $0xFFFFC000  }
0x1b0: {  	_ =	swait.ge [sflag:s0], $0x4000  }
0x1b1: {  	[sflag:s0] =	ssyncset.done $0x0  }
0x1b2: {  	[sflag:s0] =	ssyncadd.s32 $0xFFFFC000  }
0x1b3: {  	[tilespmem:s12], [sflag:$0x2] =	stream.indirect.gather [hbm4b:s6+s31], $0x80, s18, s31, $0xb8;
	[tilespmem:$0x1E000] =	vst v63  }
0x1b4: {  	_ = 	snop  }
0x1b5: {  	[spmem:s3] =	stream.indirect.scatter.add.f32 [tilespmem:s26], [sflag:$0x3], $0x80, s19, s31, $0xb8;
	[tilespmem:$0x1E000] =	vst v63  }
0x1b6: {  	_ =	swait.ge [sflag:s28], $0x4000  }
0x1b7: {  	[sflag:s28] =	ssyncset.done $0x0  }
0x1b8: {  	[sflag:s28] =	ssyncadd.s32 $0xFFFFC000  }
0x1b9: {  	_ =	swait.ge [sflag:s13], $0x4000  }
0x1ba: {  	[sflag:s13] =	ssyncset.done $0x0  }
0x1bb: {  	[sflag:s13] =	ssyncadd.s32 $0xFFFFC000  }
0x1bc: {  	[tilespmem:s26], [sflag:$0x1] =	stream.indirect.gather [hbm4b:s6+s31], $0x80, s21, s31, $0xb8;
	[tilespmem:$0x1E000] =	vst v63  }
0x1bd: {  	_ = 	snop  }
0x1be: {  	[spmem:s3] =	stream.indirect.scatter.add.f32 [tilespmem:s12], [sflag:$0x3], $0x80, s22, s31, $0xb8;
	[tilespmem:$0x1E000] =	vst v63  }
0x1bf: {  	_ =	swait.ge [sflag:s28], $0x4000  }
0x1c0: {  	[sflag:s28] =	ssyncset.done $0x0  }
0x1c1: {  	[sflag:s28] =	ssyncadd.s32 $0xFFFFC000  }
0x1c2: {  	_ =	swait.ge [sflag:s0], $0x4000  }
0x1c3: {  	[sflag:s0] =	ssyncset.done $0x0  }
0x1c4: {  	[sflag:s0] =	ssyncadd.s32 $0xFFFFC000  }
0x1c5: {  	[tilespmem:s12], [sflag:$0x2] =	stream.indirect.gather [hbm4b:s6+s31], $0x80, s15, s31, $0xb8;
	[tilespmem:$0x1E000] =	vst v63  }
0x1c6: {  	_ = 	snop  }
0x1c7: {  	[spmem:s3] =	stream.indirect.scatter.add.f32 [tilespmem:s26], [sflag:$0x3], $0x80, s7, s31, $0xb8;
	[tilespmem:$0x1E000] =	vst v63  }
0x1c8: {  	_ =	swait.ge [sflag:s28], $0x4000  }
0x1c9: {  	[sflag:s28] =	ssyncset.done $0x0  }
0x1ca: {  	[sflag:s28] =	ssyncadd.s32 $0xFFFFC000  }
0x1cb: {  	_ =	swait.ge [sflag:s13], $0x4000  }
0x1cc: {  	[sflag:s13] =	ssyncset.done $0x0  }
0x1cd: {  	[sflag:s13] =	ssyncadd.s32 $0xFFFFC000  }
0x1ce: {  	[tilespmem:s26], [sflag:$0x1] =	stream.indirect.gather [hbm4b:s6+s31], $0x80, s8, s31, $0xb8;
	[tilespmem:$0x1E000] =	vst v63  }
0x1cf: {  	_ = 	snop  }
0x1d0: {  	[spmem:s3] =	stream.indirect.scatter.add.f32 [tilespmem:s12], [sflag:$0x3], $0x80, s9, s31, $0xb8;
	[tilespmem:$0x1E000] =	vst v63  }
0x1d1: {  	_ =	swait.ge [sflag:s28], $0x4000  }
0x1d2: {  	[sflag:s28] =	ssyncset.done $0x0  }
0x1d3: {  	[sflag:s28] =	ssyncadd.s32 $0xFFFFC000  }
0x1d4: {  	_ =	swait.ge [sflag:s0], $0x4000  }
0x1d5: {  	[sflag:s0] =	ssyncset.done $0x0  }
0x1d6: {  	[sflag:s0] =	ssyncadd.s32 $0xFFFFC000  }
0x1d7: {  	[tilespmem:s12], [sflag:$0x2] =	stream.indirect.gather [hbm4b:s6+s31], $0x80, s10, s31, $0xb8;
	[tilespmem:$0x1E000] =	vst v63  }
0x1d8: {  	_ = 	snop  }
0x1d9: {  	[spmem:s3] =	stream.indirect.scatter.add.f32 [tilespmem:s26], [sflag:$0x3], $0x80, s14, s31, $0xb8;
	[tilespmem:$0x1E000] =	vst v63  }
0x1da: {  	_ =	swait.ge [sflag:s28], $0x4000  }
0x1db: {  	[sflag:s28] =	ssyncset.done $0x0  }
0x1dc: {  	[sflag:s28] =	ssyncadd.s32 $0xFFFFC000  }
0x1dd: {  	_ =	swait.ge [sflag:s13], $0x4000  }
0x1de: {  	[sflag:s13] =	ssyncset.done $0x0  }
.Ltmp10:
0x1df: {  	[sflag:s13] =	ssyncadd.s32 $0xFFFFC000;
	(pc) =	sbr.rel .LBB2_17-.Ltmp10, $4  }
0x1e0: {  	[spmem:s3] =	stream.indirect.scatter.add.f32 [tilespmem:s12], [sflag:$0x3], $0x80, s16, s31, $0xb8;
	[tilespmem:$0x1E000] =	vst v63  }
0x1e1: {  	_ =	swait.ge [sflag:s28], $0x4000  }
0x1e2: {  	[sflag:s28] =	ssyncset.done $0x0;
	s4 =	rddreg [dreg:$0xf]  }
0x1e3: {  	s25 =	rddreg [dreg:$0x1a];
	[sflag:s28] =	ssyncadd.s32 $0xFFFFC000  }
.LBB2_14:
0x1e4: {  	s24 =	rddreg [dreg:$0x19]  }
0x1e5: {  	s4 =	sadd.s32 $0x0, s24  }
0x1e6: {  	[tilespmem:s29], [sflag:$0x3] =	stream.linear.gather [hbm4b:s4+s5], $0x400, $0x38;
	[tilespmem:$0x1E000] =	vst v63  }
0x1e7: {  	_ =	swait.ge [sflag:s28], $0x400  }
0x1e8: {  	s23 =	rddreg [dreg:$0x5];
	[sflag:s28] =	ssyncset.done $0x0  }
0x1e9: {  	[sflag:s28] =	ssyncadd.s32 $0xFFFFFC00;
	s4 =	sadd.s32 $0x0, s23  }
0x1ea: {  	[tilespmem:s30], [sflag:$0x3] =	stream.linear.gather [hbm4b:s4+s5], $0x400, $0x38;
	[tilespmem:$0x1E000] =	vst v63  }
0x1eb: {  	_ =	swait.ge [sflag:s28], $0x400  }
0x1ec: {  	[sflag:s28] =	ssyncset.done $0x0  }
0x1ed: {  	[sflag:s28] =	ssyncadd.s32 $0xFFFFFC00  }
0x1ee: {  	[tilespmem:s26], [sflag:$0x1] =	stream.indirect.gather [hbm4b:s6+s31], $0x80, s29, s31, $0xb8;
	[tilespmem:$0x1E000] =	vst v63  }
0x1ef: {  	_ =	swait.ge [sflag:s0], $0x4000  }
0x1f0: {  	[sflag:s0] =	ssyncset.done $0x0  }
0x1f1: {  	[sflag:s0] =	ssyncadd.s32 $0xFFFFC000  }
0x1f2: {  	[tilespmem:s12], [sflag:$0x2] =	stream.indirect.gather [hbm4b:s6+s31], $0x80, s25, s31, $0xb8;
	[tilespmem:$0x1E000] =	vst v63  }
0x1f3: {  	_ = 	snop  }
0x1f4: {  	[spmem:s3] =	stream.indirect.scatter.add.f32 [tilespmem:s26], [sflag:$0x3], $0x80, s30, s31, $0xb8;
	[tilespmem:$0x1E000] =	vst v63  }
0x1f5: {  	_ =	swait.ge [sflag:s28], $0x4000  }
0x1f6: {  	[sflag:s28] =	ssyncset.done $0x0  }
0x1f7: {  	[sflag:s28] =	ssyncadd.s32 $0xFFFFC000  }
0x1f8: {  	_ =	swait.ge [sflag:s13], $0x4000  }
0x1f9: {  	[sflag:s13] =	ssyncset.done $0x0  }
0x1fa: {  	[sflag:s13] =	ssyncadd.s32 $0xFFFFC000  }
0x1fb: {  	[tilespmem:s26], [sflag:$0x1] =	stream.indirect.gather [hbm4b:s6+s31], $0x80, s11, s31, $0xb8;
	[tilespmem:$0x1E000] =	vst v63  }
0x1fc: {  	_ = 	snop  }
0x1fd: {  	[spmem:s3] =	stream.indirect.scatter.add.f32 [tilespmem:s12], [sflag:$0x3], $0x80, s17, s31, $0xb8;
	[tilespmem:$0x1E000] =	vst v63  }
0x1fe: {  	_ =	swait.ge [sflag:s28], $0x4000  }
0x1ff: {  	[sflag:s28] =	ssyncset.done $0x0  }
0x200: {  	[sflag:s28] =	ssyncadd.s32 $0xFFFFC000  }
0x201: {  	_ =	swait.ge [sflag:s0], $0x4000  }
0x202: {  	[sflag:s0] =	ssyncset.done $0x0  }
0x203: {  	[sflag:s0] =	ssyncadd.s32 $0xFFFFC000  }
0x204: {  	[tilespmem:s12], [sflag:$0x2] =	stream.indirect.gather [hbm4b:s6+s31], $0x80, s18, s31, $0xb8;
	[tilespmem:$0x1E000] =	vst v63  }
0x205: {  	_ = 	snop  }
0x206: {  	[spmem:s3] =	stream.indirect.scatter.add.f32 [tilespmem:s26], [sflag:$0x3], $0x80, s19, s31, $0xb8;
	[tilespmem:$0x1E000] =	vst v63  }
0x207: {  	_ =	swait.ge [sflag:s28], $0x4000  }
0x208: {  	[sflag:s28] =	ssyncset.done $0x0  }
0x209: {  	[sflag:s28] =	ssyncadd.s32 $0xFFFFC000  }
0x20a: {  	_ =	swait.ge [sflag:s13], $0x4000  }
0x20b: {  	[sflag:s13] =	ssyncset.done $0x0  }
0x20c: {  	[sflag:s13] =	ssyncadd.s32 $0xFFFFC000  }
0x20d: {  	[tilespmem:s26], [sflag:$0x1] =	stream.indirect.gather [hbm4b:s6+s31], $0x80, s21, s31, $0xb8;
	[tilespmem:$0x1E000] =	vst v63  }
0x20e: {  	_ = 	snop  }
0x20f: {  	[spmem:s3] =	stream.indirect.scatter.add.f32 [tilespmem:s12], [sflag:$0x3], $0x80, s22, s31, $0xb8;
	[tilespmem:$0x1E000] =	vst v63  }
0x210: {  	_ =	swait.ge [sflag:s28], $0x4000  }
0x211: {  	[sflag:s28] =	ssyncset.done $0x0  }
0x212: {  	[sflag:s28] =	ssyncadd.s32 $0xFFFFC000  }
0x213: {  	_ =	swait.ge [sflag:s0], $0x4000  }
0x214: {  	[sflag:s0] =	ssyncset.done $0x0  }
0x215: {  	[sflag:s0] =	ssyncadd.s32 $0xFFFFC000  }
0x216: {  	[tilespmem:s12], [sflag:$0x2] =	stream.indirect.gather [hbm4b:s6+s31], $0x80, s15, s31, $0xb8;
	[tilespmem:$0x1E000] =	vst v63  }
0x217: {  	_ = 	snop  }
0x218: {  	[spmem:s3] =	stream.indirect.scatter.add.f32 [tilespmem:s26], [sflag:$0x3], $0x80, s7, s31, $0xb8;
	[tilespmem:$0x1E000] =	vst v63  }
0x219: {  	_ =	swait.ge [sflag:s28], $0x4000  }
0x21a: {  	[sflag:s28] =	ssyncset.done $0x0  }
0x21b: {  	[sflag:s28] =	ssyncadd.s32 $0xFFFFC000  }
0x21c: {  	_ =	swait.ge [sflag:s13], $0x4000  }
0x21d: {  	[sflag:s13] =	ssyncset.done $0x0  }
0x21e: {  	[sflag:s13] =	ssyncadd.s32 $0xFFFFC000  }
0x21f: {  	[tilespmem:s26], [sflag:$0x1] =	stream.indirect.gather [hbm4b:s6+s31], $0x80, s8, s31, $0xb8;
	[tilespmem:$0x1E000] =	vst v63  }
0x220: {  	_ = 	snop  }
0x221: {  	[spmem:s3] =	stream.indirect.scatter.add.f32 [tilespmem:s12], [sflag:$0x3], $0x80, s9, s31, $0xb8;
	[tilespmem:$0x1E000] =	vst v63  }
0x222: {  	_ =	swait.ge [sflag:s28], $0x4000  }
0x223: {  	[sflag:s28] =	ssyncset.done $0x0  }
0x224: {  	[sflag:s28] =	ssyncadd.s32 $0xFFFFC000  }
0x225: {  	_ =	swait.ge [sflag:s0], $0x4000  }
0x226: {  	[sflag:s0] =	ssyncset.done $0x0  }
0x227: {  	[sflag:s0] =	ssyncadd.s32 $0xFFFFC000  }
0x228: {  	[tilespmem:s12], [sflag:$0x2] =	stream.indirect.gather [hbm4b:s6+s31], $0x80, s10, s31, $0xb8;
	[tilespmem:$0x1E000] =	vst v63  }
0x229: {  	_ = 	snop  }
0x22a: {  	[spmem:s3] =	stream.indirect.scatter.add.f32 [tilespmem:s26], [sflag:$0x3], $0x80, s14, s31, $0xb8;
	[tilespmem:$0x1E000] =	vst v63  }
0x22b: {  	_ =	swait.ge [sflag:s28], $0x4000  }
0x22c: {  	[sflag:s28] =	ssyncset.done $0x0  }
0x22d: {  	[sflag:s28] =	ssyncadd.s32 $0xFFFFC000  }
0x22e: {  	_ =	swait.ge [sflag:s13], $0x4000  }
0x22f: {  	[sflag:s13] =	ssyncset.done $0x0  }
0x230: {  	[sflag:s13] =	ssyncadd.s32 $0xFFFFC000  }
0x231: {  	[spmem:s3] =	stream.indirect.scatter.add.f32 [tilespmem:s12], [sflag:$0x3], $0x80, s16, s31, $0xb8;
	[tilespmem:$0x1E000] =	vst v63  }
0x232: {  	_ =	swait.ge [sflag:s28], $0x4000  }
0x233: {  	s4 =	simm.s32 $0x80;
	[sflag:s28] =	ssyncset.done $0x0  }
.LBB2_15:
0x234: {  	s20 =	smov.u32 s4  }
0x235: {  	[sflag:s28] =	ssyncadd.s32 $0xFFFFC000;
	s23 =	sadd.s32 s20, s24  }
0x236: {  	[tilespmem:s29], [sflag:$0x3] =	stream.linear.gather [hbm4b:s23+s5], $0x400, $0x38;
	[tilespmem:$0x1E000] =	vst v63  }
0x237: {  	_ =	swait.ge [sflag:s28], $0x400  }
0x238: {  	s23 =	rddreg [dreg:$0x5];
	[sflag:s28] =	ssyncset.done $0x0  }
0x239: {  	[sflag:s28] =	ssyncadd.s32 $0xFFFFFC00;
	s20 =	sadd.s32 s20, s23  }
0x23a: {  	[tilespmem:s30], [sflag:$0x3] =	stream.linear.gather [hbm4b:s20+s5], $0x400, $0x38;
	[tilespmem:$0x1E000] =	vst v63  }
0x23b: {  	_ =	swait.ge [sflag:s28], $0x400  }
0x23c: {  	[sflag:s28] =	ssyncset.done $0x0  }
0x23d: {  	[sflag:s28] =	ssyncadd.s32 $0xFFFFFC00  }
0x23e: {  	[tilespmem:s26], [sflag:$0x1] =	stream.indirect.gather [hbm4b:s6+s31], $0x80, s29, s31, $0xb8;
	[tilespmem:$0x1E000] =	vst v63  }
0x23f: {  	_ =	swait.ge [sflag:s0], $0x4000  }
0x240: {  	[sflag:s0] =	ssyncset.done $0x0  }
0x241: {  	[sflag:s0] =	ssyncadd.s32 $0xFFFFC000  }
0x242: {  	[tilespmem:s12], [sflag:$0x2] =	stream.indirect.gather [hbm4b:s6+s31], $0x80, s25, s31, $0xb8;
	[tilespmem:$0x1E000] =	vst v63  }
0x243: {  	_ = 	snop  }
0x244: {  	[spmem:s3] =	stream.indirect.scatter.add.f32 [tilespmem:s26], [sflag:$0x3], $0x80, s30, s31, $0xb8;
	[tilespmem:$0x1E000] =	vst v63  }
0x245: {  	_ =	swait.ge [sflag:s28], $0x4000  }
0x246: {  	[sflag:s28] =	ssyncset.done $0x0  }
0x247: {  	[sflag:s28] =	ssyncadd.s32 $0xFFFFC000  }
0x248: {  	_ =	swait.ge [sflag:s13], $0x4000  }
0x249: {  	[sflag:s13] =	ssyncset.done $0x0  }
0x24a: {  	[sflag:s13] =	ssyncadd.s32 $0xFFFFC000  }
0x24b: {  	[tilespmem:s26], [sflag:$0x1] =	stream.indirect.gather [hbm4b:s6+s31], $0x80, s11, s31, $0xb8;
	[tilespmem:$0x1E000] =	vst v63  }
0x24c: {  	_ = 	snop  }
0x24d: {  	[spmem:s3] =	stream.indirect.scatter.add.f32 [tilespmem:s12], [sflag:$0x3], $0x80, s17, s31, $0xb8;
	[tilespmem:$0x1E000] =	vst v63  }
0x24e: {  	_ =	swait.ge [sflag:s28], $0x4000  }
0x24f: {  	[sflag:s28] =	ssyncset.done $0x0  }
0x250: {  	[sflag:s28] =	ssyncadd.s32 $0xFFFFC000  }
0x251: {  	_ =	swait.ge [sflag:s0], $0x4000  }
0x252: {  	[sflag:s0] =	ssyncset.done $0x0  }
0x253: {  	[sflag:s0] =	ssyncadd.s32 $0xFFFFC000  }
0x254: {  	[tilespmem:s12], [sflag:$0x2] =	stream.indirect.gather [hbm4b:s6+s31], $0x80, s18, s31, $0xb8;
	[tilespmem:$0x1E000] =	vst v63  }
0x255: {  	_ = 	snop  }
0x256: {  	[spmem:s3] =	stream.indirect.scatter.add.f32 [tilespmem:s26], [sflag:$0x3], $0x80, s19, s31, $0xb8;
	[tilespmem:$0x1E000] =	vst v63  }
0x257: {  	_ =	swait.ge [sflag:s28], $0x4000  }
0x258: {  	[sflag:s28] =	ssyncset.done $0x0  }
0x259: {  	[sflag:s28] =	ssyncadd.s32 $0xFFFFC000  }
0x25a: {  	_ =	swait.ge [sflag:s13], $0x4000  }
0x25b: {  	[sflag:s13] =	ssyncset.done $0x0  }
0x25c: {  	[sflag:s13] =	ssyncadd.s32 $0xFFFFC000  }
0x25d: {  	[tilespmem:s26], [sflag:$0x1] =	stream.indirect.gather [hbm4b:s6+s31], $0x80, s21, s31, $0xb8;
	[tilespmem:$0x1E000] =	vst v63  }
0x25e: {  	_ = 	snop  }
0x25f: {  	[spmem:s3] =	stream.indirect.scatter.add.f32 [tilespmem:s12], [sflag:$0x3], $0x80, s22, s31, $0xb8;
	[tilespmem:$0x1E000] =	vst v63  }
0x260: {  	_ =	swait.ge [sflag:s28], $0x4000  }
0x261: {  	[sflag:s28] =	ssyncset.done $0x0  }
0x262: {  	[sflag:s28] =	ssyncadd.s32 $0xFFFFC000  }
0x263: {  	_ =	swait.ge [sflag:s0], $0x4000  }
0x264: {  	[sflag:s0] =	ssyncset.done $0x0  }
0x265: {  	[sflag:s0] =	ssyncadd.s32 $0xFFFFC000  }
0x266: {  	[tilespmem:s12], [sflag:$0x2] =	stream.indirect.gather [hbm4b:s6+s31], $0x80, s15, s31, $0xb8;
	[tilespmem:$0x1E000] =	vst v63  }
0x267: {  	_ = 	snop  }
0x268: {  	[spmem:s3] =	stream.indirect.scatter.add.f32 [tilespmem:s26], [sflag:$0x3], $0x80, s7, s31, $0xb8;
	[tilespmem:$0x1E000] =	vst v63  }
0x269: {  	_ =	swait.ge [sflag:s28], $0x4000  }
0x26a: {  	[sflag:s28] =	ssyncset.done $0x0  }
0x26b: {  	[sflag:s28] =	ssyncadd.s32 $0xFFFFC000  }
0x26c: {  	_ =	swait.ge [sflag:s13], $0x4000  }
0x26d: {  	[sflag:s13] =	ssyncset.done $0x0  }
0x26e: {  	[sflag:s13] =	ssyncadd.s32 $0xFFFFC000  }
0x26f: {  	[tilespmem:s26], [sflag:$0x1] =	stream.indirect.gather [hbm4b:s6+s31], $0x80, s8, s31, $0xb8;
	[tilespmem:$0x1E000] =	vst v63  }
0x270: {  	_ = 	snop  }
0x271: {  	[spmem:s3] =	stream.indirect.scatter.add.f32 [tilespmem:s12], [sflag:$0x3], $0x80, s9, s31, $0xb8;
	[tilespmem:$0x1E000] =	vst v63  }
0x272: {  	_ =	swait.ge [sflag:s28], $0x4000  }
0x273: {  	[sflag:s28] =	ssyncset.done $0x0  }
0x274: {  	[sflag:s28] =	ssyncadd.s32 $0xFFFFC000  }
0x275: {  	_ =	swait.ge [sflag:s0], $0x4000  }
0x276: {  	[sflag:s0] =	ssyncset.done $0x0  }
0x277: {  	[sflag:s0] =	ssyncadd.s32 $0xFFFFC000  }
0x278: {  	[tilespmem:s12], [sflag:$0x2] =	stream.indirect.gather [hbm4b:s6+s31], $0x80, s10, s31, $0xb8;
	[tilespmem:$0x1E000] =	vst v63  }
0x279: {  	_ = 	snop  }
0x27a: {  	[spmem:s3] =	stream.indirect.scatter.add.f32 [tilespmem:s26], [sflag:$0x3], $0x80, s14, s31, $0xb8;
	[tilespmem:$0x1E000] =	vst v63  }
0x27b: {  	_ =	swait.ge [sflag:s28], $0x4000  }
0x27c: {  	[sflag:s28] =	ssyncset.done $0x0  }
0x27d: {  	[sflag:s28] =	ssyncadd.s32 $0xFFFFC000  }
0x27e: {  	p1 =	sne.s32 s4, $0x100;
	_ =	swait.ge [sflag:s13], $0x4000  }
.Ltmp11:
0x27f: {  	[sflag:s13] =	ssyncset.done $0x0;
	(pc) =	sbr.rel @p1 .LBB2_15-.Ltmp11, $4  }
0x280: {  	[sflag:s13] =	ssyncadd.s32 $0xFFFFC000  }
0x281: {  	[spmem:s3] =	stream.indirect.scatter.add.f32 [tilespmem:s12], [sflag:$0x3], $0x80, s16, s31, $0xb8;
	[tilespmem:$0x1E000] =	vst v63  }
0x282: {  	_ =	swait.ge [sflag:s28], $0x4000  }
0x283: {  	s4 =	sadd.s32 $0x80, s4;
	[sflag:s28] =	ssyncset.done $0x0  }
.Ltmp12:
0x284: {  	(pc) =	sbr.rel .LBB2_17-.Ltmp12, $3  }
0x285: {  	_ =	sdelay $0x1  }
0x286: {  	s4 =	rddreg [dreg:$0x11]  }
0x287: {  	[sflag:s28] =	ssyncadd.s32 $0xFFFFC000;
	s25 =	rddreg [dreg:$0x1a]  }
.LBB2_18:
0x288: {  	_ =	sfence.sel $0x180000  }
0x289: {  	[bflag:$0x0] =	sbarrier.arrive $0xFFFF  }
0x28a: {  	_ =	strace $0x90000047  }
0x28b: {  	s0 =	stileid.u32;
	[bflag:$0x2] =	sbarrier.arrive $0xFFFF  }
0x28c: {  	p0 =	sne.s32 s0, $0x0;
	s0 =	rddreg [dreg:$0x4]  }
0x28d: {  	s0 =	sadd.s32 @!p0 $0x100000, s0  }
0x28e: {  	[sflag:s0] =	ssyncadd.tile.s32 @!p0 $0x1;
	_ =	shalt  }
.Lfunc_end2:
_tile_overlayer_lowered:
.L_overlay_start_2:
0x28f: {  	(tag) =	ssettag $0x2  }
0x290: {  	s0 =	rddreg [dreg:$0x0];
	s2 =	stileid.u32  }
0x291: {  	s1 =	rddreg [dreg:$0x1];
	p0 =	sne.s32 s2, $0x0  }
0x292: {  	s3 =	rddreg [dreg:$0x2];
	[bflag:$0x3] =	sbarrier.arrive $0xFFFF;
	s2 =	simm.s32 @!p0 $0x1C03  }
0x293: {  	[timem:s3], [sflag:s2] =	dma.local @!p0 [hbm:s0], s1  }
0x294: {  	s0 =	simm.s32 @!p0 $0x3  }
0x295: {  	_ =	swait.ge @!p0 [sflag:s0], s1  }
0x296: {  	s1 =	ssub.s32 @!p0 $0x0, s1;
	[sflag:s0] =	ssyncset.done @!p0 $0x0  }
0x297: {  	[sflag:s0] =	ssyncadd.s32 @!p0 s1  }
0x298: {  	[bflag:$0x3] =	sbarrier.arrive $0xFFFF  }
0x299: {  	_ =	shalt  }

</sc_bundles>
